<compile_context>
chip_gen: v7x
topology: tpu7x:2x2x1
jax: 0.10.2.dev20260603
libtpu: 0.0.44.dev20260713+nightly
codegen_flags: <defaults>
</compile_context>

<pallas_src>
import functools

import jax
import jax.numpy as jnp
from jax import lax
from jax.experimental import pallas as pl
from jax.experimental.pallas import tpu as pltpu
from jax.experimental.pallas import tpu_sc as plsc

N = 10000
E = 320000
NB, NC, ND = 10, 1000, 128
H1, O1 = 8, 8
H2, O2 = 1, 128
F1 = H1 * O1
F2 = H2 * O2
SLOPE = 0.2

NCORES, NSUB = 2, 16
NTILES = NCORES * NSUB
C1 = 80
NCHUNKS1 = E // C1
CPT1 = NCHUNKS1 // NTILES
C2 = 64
NCHUNKS2 = E // C2
CPT2 = -(-NCHUNKS2 // NTILES)
ZROWS = 80
NZC = N // ZROWS
DPAD = ZROWS * 128


def _leaky_exp(a):
    return jnp.exp(jnp.maximum(a, SLOPE * a))



def _tc1_body(x_ref, seq_ref, W1_ref, As_ref, Ad_ref, table_ref):
    xv = x_ref[...] * seq_ref[...]
    h = jnp.dot(xv, W1_ref[...], preferred_element_type=jnp.float32)
    asrc = jnp.dot(h, As_ref[...], preferred_element_type=jnp.float32)
    adst = jnp.dot(h, Ad_ref[...], preferred_element_type=jnp.float32)
    pad = jnp.zeros((h.shape[0], 128 - F1 - 2 * H1), jnp.float32)
    table_ref[...] = jnp.concatenate([h, asrc, adst, pad], axis=1)


def _tc2_body(acc_ref, table_ref, W2_ref, a2s_ref, a2d_ref,
              b1_ref, Eexp_ref, table2_ref, as2_ref, ad2_ref):
    t = table_ref[...]
    h = t[:, :F1]
    asrc = t[:, F1:F1 + H1]
    adst = t[:, F1 + H1:F1 + 2 * H1]
    exs = _leaky_exp(asrc + adst)
    s = acc_ref[0] + acc_ref[1]
    Eexp = Eexp_ref[...]
    num = s[:, :F1] + h * jnp.dot(exs, Eexp, preferred_element_type=jnp.float32)
    den = s[:, F1:F1 + H1] + exs
    deninv = 1.0 / (jnp.dot(den, Eexp, preferred_element_type=jnp.float32) + 1e-16)
    o1 = num * deninv + b1_ref[...]
    e = jnp.where(o1 > 0, o1, jnp.exp(jnp.minimum(o1, 0.0)) - 1.0)
    h2 = jnp.dot(e, W2_ref[...], preferred_element_type=jnp.float32)
    table2_ref[...] = h2
    as2_ref[...] = jnp.dot(h2, a2s_ref[...], preferred_element_type=jnp.float32)
    ad2_ref[...] = jnp.dot(h2, a2d_ref[...], preferred_element_type=jnp.float32)


def _tcden_body(denp_ref, out_ref):
    out_ref[...] = jnp.sum(denp_ref[...], axis=0)


def _tc3_body(acc_ref, table2_ref, as2_ref, ad2_ref, den_ref, b2_ref, out_ref):
    h2 = table2_ref[...]
    exs = _leaky_exp(as2_ref[...] + ad2_ref[...])
    s = acc_ref[0] + acc_ref[1]
    num = s + h2 * exs
    den = den_ref[...] + exs
    out_ref[...] = num / (den + 1e-16) + b2_ref[...]


def _tc_call(body, in_specs, out_specs, out_shapes, args, grid):
    return pl.pallas_call(
        body,
        grid=grid,
        in_specs=in_specs,
        out_specs=out_specs,
        out_shape=out_shapes,
    )(*args)


def _rows_spec(width, blk=NC):
    return pl.BlockSpec((blk, width), lambda i: (i, 0))


def _full_spec(shape):
    return pl.BlockSpec(shape, lambda i: tuple(0 for _ in shape))


def _acc_spec(width, blk=NC):
    return pl.BlockSpec((2, blk, width), lambda i: (0, i, 0))



def _zero_rows(buf, nrows):
    def zb(i, c):
        buf[i // 8, pl.ds((i % 8) * 16, 16)] = jnp.zeros((16,), jnp.float32)
        return c
    lax.fori_loop(0, nrows * 8, zb, 0)


def _zero_acc(sid, zsrc, acc):
    def zacc(k, c):
        m = sid + k * NSUB
        @pl.when(m < NZC)
        def _():
            pltpu.sync_copy(zsrc, acc.at[pl.ds(m * ZROWS, ZROWS)])
        return c
    lax.fori_loop(0, -(-NZC // NSUB), zacc, 0)


def _drain_acc(cid, sid, acc, out_hbm):
    def drain(k, c):
        m = sid + k * NSUB
        @pl.when(m < NZC)
        def _():
            pltpu.sync_copy(acc.at[pl.ds(m * ZROWS, ZROWS)],
                            out_hbm.at[cid, pl.ds(m * ZROWS, ZROWS)])
        return c
    lax.fori_loop(0, -(-NZC // NSUB), drain, 0)


def _make_sc1():

    def body(srcf, dstf, table_hbm, out_hbm,
             sidx0, sidx1, didx0, didx1,
             rows0, rows1, drows0, drows1, acc,
             isem0, isem1, rsem0, rsem1, dsem0, dsem1):
        cid = lax.axis_index("c")
        sid = lax.axis_index("s")
        wid = cid * NSUB + sid
        lanes = lax.iota(jnp.int32, 16)
        hi = lanes >> 3
        lo = lanes & 7
        sidx = (sidx0, sidx1)
        didx = (didx0, didx1)
        rows = (rows0, rows1)
        drows = (drows0, drows1)
        isem = (isem0, isem1)
        rsem = (rsem0, rsem1)
        dsem = (dsem0, dsem1)

        def issue_idx(j, b):
            c = (wid + j * NTILES) * C1
            pltpu.async_copy(srcf.at[pl.ds(c, C1)], sidx[b], isem[b])
            pltpu.async_copy(dstf.at[pl.ds(c, C1)], didx[b], isem[b])

        def wait_idx(j, b):
            c = (wid + j * NTILES) * C1
            pltpu.make_async_copy(srcf.at[pl.ds(c, C1)], sidx[b], isem[b]).wait()
            pltpu.make_async_copy(dstf.at[pl.ds(c, C1)], didx[b], isem[b]).wait()

        def issue_rows(b):
            pltpu.async_copy(table_hbm.at[sidx[b]], rows[b], rsem[b])
            pltpu.async_copy(table_hbm.at[didx[b]], drows[b], dsem[b])

        def wait_rows(b):
            pltpu.make_async_copy(table_hbm.at[sidx[b]], rows[b], rsem[b]).wait()
            pltpu.make_async_copy(table_hbm.at[didx[b]], drows[b], dsem[b]).wait()

        _zero_rows(rows0, ZROWS)
        _zero_acc(sid, rows0, acc)
        issue_idx(0, 0)
        wait_idx(0, 0)
        issue_rows(0)
        issue_idx(1, 1)
        plsc.subcore_barrier()

        def step(j, b):
            @pl.when(j < CPT1)
            def _():
                wait_rows(b)
            @pl.when(j + 1 < CPT1)
            def _():
                wait_idx(j + 1, 1 - b)
                issue_rows(1 - b)
            @pl.when(j < CPT1)
            def _():
                rb, db = rows[b], drows[b]

                def attn(p, c):
                    for q in range(2):
                        c0 = 4 * p + 2 * q
                        av = plsc.load_gather(rb, [c0 + hi, F1 + lo])
                        bv = plsc.load_gather(db, [c0 + hi, F1 + H1 + lo])
                        ex = _leaky_exp(av + bv)
                        plsc.store_scatter(rb, [c0 + hi, F1 + lo], ex)
                    return c
                lax.fori_loop(0, C1 // 4, attn, 0)

                def msgs(m, c2):
                    for q in range(2):
                        c = 2 * m + q
                        cc = jnp.full((16,), c, jnp.int32)
                        for t in range(F1 // 16):
                            exb = plsc.load_gather(rb, [cc, F1 + 2 * t + hi])
                            rb[c, pl.ds(16 * t, 16)] = (
                                rb[c, pl.ds(16 * t, 16)] * exb)
                    return c2
                lax.fori_loop(0, C1 // 2, msgs, 0)

                pltpu.sync_copy(rb, acc.at[didx[b]], add=True)
            @pl.when(j + 2 < CPT1)
            def _():
                issue_idx(j + 2, b)

        def kbody(k, carry):
            step(2 * k, 0)
            step(2 * k + 1, 1)
            return carry
        lax.fori_loop(0, (CPT1 + 1) // 2, kbody, 0)

        plsc.subcore_barrier()
        _drain_acc(cid, sid, acc, out_hbm)

    mesh = plsc.VectorSubcoreMesh(core_axis_name="c", subcore_axis_name="s")
    return functools.partial(
        pl.kernel,
        out_type=jax.ShapeDtypeStruct((2, N, 128), jnp.float32),
        mesh=mesh,
        compiler_params=pltpu.CompilerParams(
            needs_layout_passes=False, use_tc_tiling_on_sc=False),
        scratch_types=[
            pltpu.VMEM((C1,), jnp.int32),
            pltpu.VMEM((C1,), jnp.int32),
            pltpu.VMEM((C1,), jnp.int32),
            pltpu.VMEM((C1,), jnp.int32),
            pltpu.VMEM((C1, 128), jnp.float32),
            pltpu.VMEM((C1, 128), jnp.float32),
            pltpu.VMEM((C1, 128), jnp.float32),
            pltpu.VMEM((C1, 128), jnp.float32),
            pltpu.VMEM_SHARED((N, 128), jnp.float32),
            pltpu.SemaphoreType.DMA,
            pltpu.SemaphoreType.DMA,
            pltpu.SemaphoreType.DMA,
            pltpu.SemaphoreType.DMA,
            pltpu.SemaphoreType.DMA,
            pltpu.SemaphoreType.DMA,
        ],
    )(body)


def _make_sc2():

    def body(srcf, dstf, table_hbm, as2_hbm, ad2_hbm,
             out_hbm, den_hbm,
             sidx0, sidx1, didx0, didx1, rows0, rows1, asv, adv, den,
             exbuf, acc, isem0, isem1, rsem0, rsem1):
        cid = lax.axis_index("c")
        sid = lax.axis_index("s")
        wid = cid * NSUB + sid
        lanes = lax.iota(jnp.int32, 16)
        sidx = (sidx0, sidx1)
        didx = (didx0, didx1)
        rows = (rows0, rows1)
        isem = (isem0, isem1)
        rsem = (rsem0, rsem1)

        def issue_idx(j, b):
            c = (wid + j * NTILES) * C2
            pltpu.async_copy(srcf.at[pl.ds(c, C2)], sidx[b], isem[b])
            pltpu.async_copy(dstf.at[pl.ds(c, C2)], didx[b], isem[b])

        def wait_idx(j, b):
            c = (wid + j * NTILES) * C2
            pltpu.make_async_copy(srcf.at[pl.ds(c, C2)], sidx[b], isem[b]).wait()
            pltpu.make_async_copy(dstf.at[pl.ds(c, C2)], didx[b], isem[b]).wait()

        def issue_rows(b):
            pltpu.async_copy(table_hbm.at[sidx[b]], rows[b], rsem[b])

        def wait_rows(b):
            pltpu.make_async_copy(table_hbm.at[sidx[b]], rows[b], rsem[b]).wait()

        def valid(j):
            return (wid + j * NTILES) < NCHUNKS2

        _zero_rows(den, ZROWS)
        pltpu.sync_copy(as2_hbm, asv)
        pltpu.sync_copy(ad2_hbm, adv)
        _zero_acc(sid, den, acc)
        @pl.when(valid(0))
        def _():
            issue_idx(0, 0)
            wait_idx(0, 0)
            issue_rows(0)
        @pl.when(valid(1))
        def _():
            issue_idx(1, 1)
        plsc.subcore_barrier()

        def step(j, b):
            @pl.when(valid(j))
            def _():
                wait_rows(b)
            @pl.when(valid(j + 1))
            def _():
                wait_idx(j + 1, 1 - b)
                issue_rows(1 - b)
            @pl.when(valid(j))
            def _():
                rb = rows[b]

                def attn(g, c):
                    c0 = 16 * g
                    sv = plsc.load_gather(sidx[b], [c0 + lanes])
                    dv = plsc.load_gather(didx[b], [c0 + lanes])
                    av = plsc.load_gather(asv, [sv >> 7, sv & 127])
                    bv = plsc.load_gather(adv, [dv >> 7, dv & 127])
                    ex = _leaky_exp(av + bv)
                    plsc.addupdate_scatter(den, [dv >> 7, dv & 127], ex)
                    exbuf[pl.ds(c0, 16)] = ex
                    return c
                lax.fori_loop(0, C2 // 16, attn, 0)

                def msgs(m, c2):
                    for q in range(2):
                        c = 2 * m + q
                        exb = plsc.load_gather(
                            exbuf, [jnp.full((16,), c, jnp.int32)])
                        for t in range(F2 // 16):
                            rb[c, pl.ds(16 * t, 16)] = (
                                rb[c, pl.ds(16 * t, 16)] * exb)
                    return c2
                lax.fori_loop(0, C2 // 2, msgs, 0)

                pltpu.sync_copy(rb, acc.at[didx[b]], add=True)
            @pl.when(valid(j + 2))
            def _():
                issue_idx(j + 2, b)

        def kbody(k, carry):
            step(2 * k, 0)
            step(2 * k + 1, 1)
            return carry
        lax.fori_loop(0, (CPT2 + 1) // 2, kbody, 0)

        plsc.subcore_barrier()
        _drain_acc(cid, sid, acc, out_hbm)
        pltpu.sync_copy(den, den_hbm.at[wid])

    mesh = plsc.VectorSubcoreMesh(core_axis_name="c", subcore_axis_name="s")
    return functools.partial(
        pl.kernel,
        out_type=[jax.ShapeDtypeStruct((2, N, 128), jnp.float32),
                  jax.ShapeDtypeStruct((NTILES, ZROWS, 128), jnp.float32)],
        mesh=mesh,
        compiler_params=pltpu.CompilerParams(
            needs_layout_passes=False, use_tc_tiling_on_sc=False),
        scratch_types=[
            pltpu.VMEM((C2,), jnp.int32),
            pltpu.VMEM((C2,), jnp.int32),
            pltpu.VMEM((C2,), jnp.int32),
            pltpu.VMEM((C2,), jnp.int32),
            pltpu.VMEM((C2, 128), jnp.float32),
            pltpu.VMEM((C2, 128), jnp.float32),
            pltpu.VMEM((ZROWS, 128), jnp.float32),
            pltpu.VMEM((ZROWS, 128), jnp.float32),
            pltpu.VMEM((ZROWS, 128), jnp.float32),
            pltpu.VMEM((C2,), jnp.float32),
            pltpu.VMEM_SHARED((N, 128), jnp.float32),
            pltpu.SemaphoreType.DMA,
            pltpu.SemaphoreType.DMA,
            pltpu.SemaphoreType.DMA,
            pltpu.SemaphoreType.DMA,
        ],
    )(body)


@functools.lru_cache(maxsize=None)
def _sc_kernels():
    return (_make_sc1(), _make_sc2())



def kernel(x, seq, edges, W1, att_src1, att_dst1, bias1,
           W2, att_src2, att_dst2, bias2):
    _sc_layer1, _sc_layer2 = _sc_kernels()
    xf = x.reshape(N, ND)
    edges = edges.astype(jnp.int32)
    srcf = edges[0].reshape(E)
    dstf = edges[1].reshape(E)

    k1 = jnp.arange(F1)
    j1 = jnp.arange(H1)
    As1 = jnp.where((k1[:, None] // O1) == j1[None, :],
                    att_src1.reshape(F1)[:, None], 0.0)
    Ad1 = jnp.where((k1[:, None] // O1) == j1[None, :],
                    att_dst1.reshape(F1)[:, None], 0.0)
    a2s = att_src2.reshape(F2, 1)
    a2d = att_dst2.reshape(F2, 1)
    Eexp = ((jnp.arange(F1)[None, :] // O1) == jnp.arange(H1)[:, None]
            ).astype(jnp.float32)
    b1 = bias1.reshape(1, F1)
    b2 = bias2.reshape(1, F2)

    (table1,) = _tc_call(
        _tc1_body,
        [_rows_spec(ND), _rows_spec(1), _full_spec((ND, F1)),
         _full_spec((F1, H1)), _full_spec((F1, H1))],
        [_rows_spec(128)],
        [jax.ShapeDtypeStruct((N, 128), jnp.float32)],
        (xf, seq, W1, As1, Ad1),
        grid=(N // NC,),
    )

    acc1 = _sc_layer1(srcf, dstf, table1)

    table2, as2, ad2 = _tc_call(
        _tc2_body,
        [_acc_spec(128), _rows_spec(128), _full_spec((F1, F2)),
         _full_spec((F2, 1)), _full_spec((F2, 1)), _full_spec((1, F1)),
         _full_spec((H1, F1))],
        [_rows_spec(128), _rows_spec(1), _rows_spec(1)],
        [jax.ShapeDtypeStruct((N, 128), jnp.float32),
         jax.ShapeDtypeStruct((N, 1), jnp.float32),
         jax.ShapeDtypeStruct((N, 1), jnp.float32)],
        (acc1, table1, W2, a2s, a2d, b1, Eexp),
        grid=(N // NC,),
    )

    as2p = jnp.pad(as2.reshape(N), (0, DPAD - N)).reshape(ZROWS, 128)
    ad2p = jnp.pad(ad2.reshape(N), (0, DPAD - N)).reshape(ZROWS, 128)
    acc2, denp = _sc_layer2(srcf, dstf, table2, as2p, ad2p)

    (denr,) = _tc_call(
        _tcden_body,
        [_full_spec((NTILES, ZROWS, 128))],
        [_full_spec((ZROWS, 128))],
        [jax.ShapeDtypeStruct((ZROWS, 128), jnp.float32)],
        (denp,),
        grid=(1,),
    )
    den_n = denr.reshape(DPAD)[:N].reshape(N, 1)

    (out,) = _tc_call(
        _tc3_body,
        [_acc_spec(128), _rows_spec(128), _rows_spec(1), _rows_spec(1),
         _rows_spec(1), _full_spec((1, F2))],
        [_rows_spec(F2)],
        [jax.ShapeDtypeStruct((N, F2), jnp.float32)],
        (acc2, table2, as2, ad2, den_n, b2),
        grid=(N // NC,),
    )
    return out.reshape(NB, NC, ND)

# --- scband reference (transcript-rebuilt; emitter-appended) ---
"""Pipeline reference for scband-gat-13649406066804 (READ-ONLY COPY).

The authoritative reference and input builder live on the scoring server;
editing this copy changes nothing except your own understanding.
"""

import jax, jax.numpy as jnp
import numpy as np

HEADS1, OUT1 = 8, 8
HEADS2, OUT2 = 1, 128
NEG_SLOPE = 0.2


def _gat_conv(x, edge_index, W, att_src, att_dst, bias, heads, out_ch):
    N = x.shape[0]
    loop = jnp.arange(N, dtype=edge_index.dtype)
    ei = jnp.concatenate([edge_index, jnp.stack([loop, loop])], axis=1)
    src, dst = ei[0], ei[1]
    h = (x @ W).reshape(N, heads, out_ch)
    a_src = (h * att_src).sum(-1)
    a_dst = (h * att_dst).sum(-1)
    alpha = a_src[src] + a_dst[dst]
    alpha = jax.nn.leaky_relu(alpha, NEG_SLOPE)
    amax = jax.lax.stop_gradient(jax.ops.segment_max(alpha, dst, num_segments=N))
    amax = jnp.where(jnp.isfinite(amax), amax, 0.0)
    ex = jnp.exp(alpha - amax[dst])
    denom = jax.ops.segment_sum(ex, dst, num_segments=N)
    coef = ex / (denom[dst] + 1e-16)
    msg = h[src] * coef[:, :, None]
    out = jax.ops.segment_sum(msg, dst, num_segments=N)
    return out.reshape(N, heads * out_ch) + bias


def setup_inputs(seed: int = 0):
    key = jax.random.key(seed)
    ks = jax.random.split(key, 12)
    nb, nc, nd = 10, 1000, 128
    N = nb * nc
    E = 320000
    x = jax.random.normal(ks[0], (nb, nc, nd), dtype=jnp.float32)
    seq = jnp.ones((N, 1), dtype=jnp.float32)
    edges = jax.random.randint(ks[1], (2, E), 0, N)
    W1 = 0.1 * jax.random.normal(ks[2], (nd, HEADS1 * OUT1), dtype=jnp.float32)
    att_src1 = 0.1 * jax.random.normal(ks[3], (1, HEADS1, OUT1), dtype=jnp.float32)
    att_dst1 = 0.1 * jax.random.normal(ks[4], (1, HEADS1, OUT1), dtype=jnp.float32)
    bias1 = jnp.zeros((HEADS1 * OUT1,), dtype=jnp.float32)
    W2 = 0.1 * jax.random.normal(ks[5], (HEADS1 * OUT1, HEADS2 * OUT2), dtype=jnp.float32)
    att_src2 = 0.1 * jax.random.normal(ks[6], (1, HEADS2, OUT2), dtype=jnp.float32)
    att_dst2 = 0.1 * jax.random.normal(ks[7], (1, HEADS2, OUT2), dtype=jnp.float32)
    bias2 = jnp.zeros((HEADS2 * OUT2,), dtype=jnp.float32)
    return {"x": x, "seq": seq, "edges": edges,
            "W1": W1, "att_src1": att_src1, "att_dst1": att_dst1, "bias1": bias1,
            "W2": W2, "att_src2": att_src2, "att_dst2": att_dst2, "bias2": bias2}


def reference(x, seq, edges, W1, att_src1, att_dst1, bias1, W2, att_src2, att_dst2, bias2):
    nb, nc, nd = x.shape
    h = x.reshape(nb * nc, nd) * seq
    h = jax.nn.elu(_gat_conv(h, edges, W1, att_src1, att_dst1, bias1, HEADS1, OUT1))
    out = _gat_conv(h, edges, W2, att_src2, att_dst2, bias2, HEADS2, OUT2)
    return out.reshape(nb, nc, nd)

if __name__ == "__main__":
    import jax
    _d = setup_inputs()
    print(jax.jit(kernel)(*tuple(_d.values())))

</pallas_src>

<mosaic_0001>
#map = affine_map<(d0, d1) -> (0)>
#map1 = affine_map<(d0, d1) -> (0, 0)>
#map2 = affine_map<(d0, d1) -> (0, 0, 0)>
module attributes {stable_mosaic.version = 14 : i64} {
  func.func @body(%arg0: i32, %arg1: i32, %arg2: memref<320000xi32, #tpu.memory_space<hbm>>, %arg3: memref<320000xi32, #tpu.memory_space<hbm>>, %arg4: memref<10000x128xf32, #tpu.memory_space<hbm>>, %arg5: memref<80x128xf32, #tpu.memory_space<hbm>>, %arg6: memref<80x128xf32, #tpu.memory_space<hbm>>, %arg7: memref<2x10000x128xf32, #tpu.memory_space<hbm>>, %arg8: memref<32x80x128xf32, #tpu.memory_space<hbm>>, %arg9: memref<64xi32, #tpu.memory_space<vmem>>, %arg10: memref<64xi32, #tpu.memory_space<vmem>>, %arg11: memref<64xi32, #tpu.memory_space<vmem>>, %arg12: memref<64xi32, #tpu.memory_space<vmem>>, %arg13: memref<64x128xf32, #tpu.memory_space<vmem>>, %arg14: memref<64x128xf32, #tpu.memory_space<vmem>>, %arg15: memref<80x128xf32, #tpu.memory_space<vmem>>, %arg16: memref<80x128xf32, #tpu.memory_space<vmem>>, %arg17: memref<80x128xf32, #tpu.memory_space<vmem>>, %arg18: memref<64xf32, #tpu.memory_space<vmem>>, %arg19: memref<10000x128xf32, #tpu.memory_space<vmem_shared>>, %arg20: memref<!tpu.dma_semaphore, #tpu.memory_space<semaphore_mem>>, %arg21: memref<!tpu.dma_semaphore, #tpu.memory_space<semaphore_mem>>, %arg22: memref<!tpu.dma_semaphore, #tpu.memory_space<semaphore_mem>>, %arg23: memref<!tpu.dma_semaphore, #tpu.memory_space<semaphore_mem>>) attributes {dimension_semantics = [#tpu.dimension_semantics<core_parallel>, #tpu.dimension_semantics<subcore_parallel>], iteration_bounds = array<i64: 2, 16>, scalar_prefetch = 0 : i64, scratch_operands = 15 : i64, tpu.core_type = #tpu.core_type<sc_vector_subcore>, window_params = [{transform_indices = #map}, {transform_indices = #map}, {transform_indices = #map1}, {transform_indices = #map1}, {transform_indices = #map1}, {transform_indices = #map2}, {transform_indices = #map2}]} {
    %mul3A = arith.constant 16 : i32
    %mul3A_0 = arith.muli %arg0, %mul3A : i32
    %add3A = arith.addi %mul3A_0, %arg1 : i32
    %iota3A = tpu.iota {dimensions = array<i32: 0>} : vector<16xi32>
    %scan3A = arith.constant 0 : i32
    %scan3A_1 = arith.constant 0 : i32
    %scan3A_2 = arith.constant 640 : i32
    %scan3A_3 = arith.addi %scan3A_1, %scan3A_2 : i32
    %scan3A_4 = arith.constant 1 : i32
    scf.for %scan3A_36 = %scan3A_1 to %scan3A_3 step %scan3A_4  : i32 {
      %broadcast_in_dim3A = arith.constant 0.000000e+00 : f32
      %broadcast_in_dim3A_37 = vector.broadcast %broadcast_in_dim3A : f32 to vector<16xf32>
      %jit3A = arith.constant 8 : i32
      %div3A = arith.divsi %scan3A_36, %jit3A : i32
      %sign3A = arith.constant 0 : i32
      %sign3A_38 = arith.cmpi sgt, %scan3A_36, %sign3A : i32
      %sign3A_39 = arith.extui %sign3A_38 : i1 to i32
      %sign3A_40 = arith.constant 0 : i32
      %sign3A_41 = arith.cmpi slt, %scan3A_36, %sign3A_40 : i32
      %sign3A_42 = arith.extui %sign3A_41 : i1 to i32
      %sign3A_43 = arith.subi %sign3A_39, %sign3A_42 : i32
      %sign3A_44 = arith.constant 0 : i32
      %sign3A_45 = arith.cmpi sgt, %jit3A, %sign3A_44 : i32
      %sign3A_46 = arith.extui %sign3A_45 : i1 to i32
      %sign3A_47 = arith.constant 0 : i32
      %sign3A_48 = arith.cmpi slt, %jit3A, %sign3A_47 : i32
      %sign3A_49 = arith.extui %sign3A_48 : i1 to i32
      %sign3A_50 = arith.subi %sign3A_46, %sign3A_49 : i32
      %ne3A = arith.cmpi ne, %sign3A_43, %sign3A_50 : i32
      %rem3A = arith.remsi %scan3A_36, %jit3A : i32
      %ne3A_51 = arith.constant 0 : i32
      %ne3A_52 = arith.cmpi ne, %rem3A, %ne3A_51 : i32
      %and3A = arith.andi %ne3A, %ne3A_52 : i1
      %sub3A = arith.constant 1 : i32
      %sub3A_53 = arith.subi %div3A, %sub3A : i32
      %select_n3A = arith.select %and3A, %sub3A_53, %div3A : i32
      %jit3A_54 = arith.constant 8 : i32
      %eq3A = arith.constant 0 : i32
      %eq3A_55 = arith.cmpi eq, %jit3A_54, %eq3A : i32
      %jit3A_56 = arith.constant 1 : i32
      %select_n3A_57 = arith.select %eq3A_55, %jit3A_56, %jit3A_54 : i32
      %rem3A_58 = arith.remsi %scan3A_36, %select_n3A_57 : i32
      %ne3A_59 = arith.constant 0 : i32
      %ne3A_60 = arith.cmpi ne, %rem3A_58, %ne3A_59 : i32
      %lt3A_61 = arith.constant 0 : i32
      %lt3A_62 = arith.cmpi slt, %rem3A_58, %lt3A_61 : i32
      %lt3A_63 = arith.constant 0 : i32
      %lt3A_64 = arith.cmpi slt, %select_n3A_57, %lt3A_63 : i32
      %ne3A_65 = arith.xori %lt3A_62, %lt3A_64 : i1
      %and3A_66 = arith.andi %ne3A_65, %ne3A_60 : i1
      %add3A_67 = arith.addi %rem3A_58, %select_n3A_57 : i32
      %select_n3A_68 = arith.select %and3A_66, %add3A_67, %rem3A_58 : i32
      %mul3A_69 = arith.constant 16 : i32
      %mul3A_70 = arith.muli %select_n3A_68, %mul3A_69 : i32
      %swap3A = arith.index_cast %select_n3A : i32 to index
      %swap3A_71 = arith.index_cast %mul3A_70 : i32 to index
      %swap3A_72 = tpu.vector_load %arg17[%swap3A, %swap3A_71] {strides = array<i32>} : memref<80x128xf32, #tpu.memory_space<vmem>>, vector<16xf32>,
      tpu.vector_store %arg17[%swap3A, %swap3A_71], %broadcast_in_dim3A_37 {strides = array<i32>} : memref<80x128xf32, #tpu.memory_space<vmem>>, vector<16xf32>,
    }
    %scan3A_5 = arith.constant 640 : i32
    "tpu.region"() ({
      %run_scoped3A = tpu.sem_alloc : memref<!tpu.dma_semaphore, #tpu.memory_space<semaphore_mem>>
      tpu.enqueue_dma source(%arg5 : memref<80x128xf32, #tpu.memory_space<hbm>>) target(%arg15 : memref<80x128xf32, #tpu.memory_space<vmem>>) target_semaphore(%run_scoped3A : memref<!tpu.dma_semaphore, #tpu.memory_space<semaphore_mem>>)
      tpu.wait_dma2 semaphore(%run_scoped3A : memref<!tpu.dma_semaphore, #tpu.memory_space<semaphore_mem>>) src(%arg5 : memref<80x128xf32, #tpu.memory_space<hbm>>) dst(%arg15 : memref<80x128xf32, #tpu.memory_space<vmem>>)
      tpu.yield
    }) : () -> ()
    "tpu.region"() ({
      %run_scoped3A = tpu.sem_alloc : memref<!tpu.dma_semaphore, #tpu.memory_space<semaphore_mem>>
      tpu.enqueue_dma source(%arg6 : memref<80x128xf32, #tpu.memory_space<hbm>>) target(%arg16 : memref<80x128xf32, #tpu.memory_space<vmem>>) target_semaphore(%run_scoped3A : memref<!tpu.dma_semaphore, #tpu.memory_space<semaphore_mem>>)
      tpu.wait_dma2 semaphore(%run_scoped3A : memref<!tpu.dma_semaphore, #tpu.memory_space<semaphore_mem>>) src(%arg6 : memref<80x128xf32, #tpu.memory_space<hbm>>) dst(%arg16 : memref<80x128xf32, #tpu.memory_space<vmem>>)
      tpu.yield
    }) : () -> ()
    %scan3A_6 = arith.constant 0 : i32
    %scan3A_7 = arith.constant 0 : i32
    %scan3A_8 = arith.constant 8 : i32
    %scan3A_9 = arith.addi %scan3A_7, %scan3A_8 : i32
    %scan3A_10 = arith.constant 1 : i32
    scf.for %scan3A_36 = %scan3A_7 to %scan3A_9 step %scan3A_10  : i32 {
      %mul3A_37 = arith.constant 16 : i32
      %mul3A_38 = arith.muli %scan3A_36, %mul3A_37 : i32
      %add3A_39 = arith.addi %arg1, %mul3A_38 : i32
      %lt3A_40 = arith.constant 125 : i32
      %lt3A_41 = arith.cmpi slt, %add3A_39, %lt3A_40 : i32
      %convert_element_type3A_42 = arith.extui %lt3A_41 : i1 to i32
      %cond3A_43 = arith.constant 0 : i32
      %cond3A_44 = arith.cmpi ne, %convert_element_type3A_42, %cond3A_43 : i32
      scf.if %cond3A_44 {
        %mul3A_45 = arith.constant 80 : i32
        %mul3A_46 = arith.muli %add3A_39, %mul3A_45 : i32
        "tpu.region"() ({
          %run_scoped3A = tpu.sem_alloc : memref<!tpu.dma_semaphore, #tpu.memory_space<semaphore_mem>>
          %dma_start3A = arith.constant 0 : i32
          %dma_start3A_47 = tpu.memref_slice %arg19[%mul3A_46, %dma_start3A] : memref<10000x128xf32, #tpu.memory_space<vmem_shared>> -> memref<80x128xf32, #tpu.memory_space<vmem_shared>>
          %dma_start3A_48 = arith.constant 0 : i32
          %dma_start3A_49 = tpu.memref_slice %arg19[%mul3A_46, %dma_start3A_48] : memref<10000x128xf32, #tpu.memory_space<vmem_shared>> -> memref<80x128xf32, #tpu.memory_space<vmem_shared>>
          tpu.enqueue_dma source(%arg17 : memref<80x128xf32, #tpu.memory_space<vmem>>) target(%dma_start3A_49 : memref<80x128xf32, #tpu.memory_space<vmem_shared>>) target_semaphore(%run_scoped3A : memref<!tpu.dma_semaphore, #tpu.memory_space<semaphore_mem>>)
          %dma_wait3A = arith.constant 0 : i32
          %dma_wait3A_50 = tpu.memref_slice %arg19[%mul3A_46, %dma_wait3A] : memref<10000x128xf32, #tpu.memory_space<vmem_shared>> -> memref<80x128xf32, #tpu.memory_space<vmem_shared>>
          %dma_wait3A_51 = arith.constant 0 : i32
          %dma_wait3A_52 = tpu.memref_slice %arg19[%mul3A_46, %dma_wait3A_51] : memref<10000x128xf32, #tpu.memory_space<vmem_shared>> -> memref<80x128xf32, #tpu.memory_space<vmem_shared>>
          tpu.wait_dma2 semaphore(%run_scoped3A : memref<!tpu.dma_semaphore, #tpu.memory_space<semaphore_mem>>) src(%arg17 : memref<80x128xf32, #tpu.memory_space<vmem>>) dst(%dma_wait3A_52 : memref<80x128xf32, #tpu.memory_space<vmem_shared>>)
          tpu.yield
        }) : () -> ()
      } else {
      }
    }
    %scan3A_11 = arith.constant 8 : i32
    %add3A_12 = arith.constant 0 : i32
    %add3A_13 = arith.addi %add3A, %add3A_12 : i32
    %lt3A = arith.constant 5000 : i32
    %lt3A_14 = arith.cmpi slt, %add3A_13, %lt3A : i32
    %convert_element_type3A = arith.extui %lt3A_14 : i1 to i32
    %cond3A = arith.constant 0 : i32
    %cond3A_15 = arith.cmpi ne, %convert_element_type3A, %cond3A : i32
    scf.if %cond3A_15 {
      %add3A_36 = arith.constant 0 : i32
      %add3A_37 = arith.addi %add3A, %add3A_36 : i32
      %mul3A_38 = arith.constant 64 : i32
      %mul3A_39 = arith.muli %add3A_37, %mul3A_38 : i32
      %dma_start3A = tpu.memref_slice %arg2[%mul3A_39] : memref<320000xi32, #tpu.memory_space<hbm>> -> memref<64xi32, #tpu.memory_space<hbm>>
      %dma_start3A_40 = tpu.memref_slice %arg2[%mul3A_39] : memref<320000xi32, #tpu.memory_space<hbm>> -> memref<64xi32, #tpu.memory_space<hbm>>
      tpu.enqueue_dma source(%dma_start3A_40 : memref<64xi32, #tpu.memory_space<hbm>>) target(%arg9 : memref<64xi32, #tpu.memory_space<vmem>>) target_semaphore(%arg20 : memref<!tpu.dma_semaphore, #tpu.memory_space<semaphore_mem>>)
      %dma_start3A_41 = tpu.memref_slice %arg3[%mul3A_39] : memref<320000xi32, #tpu.memory_space<hbm>> -> memref<64xi32, #tpu.memory_space<hbm>>
      %dma_start3A_42 = tpu.memref_slice %arg3[%mul3A_39] : memref<320000xi32, #tpu.memory_space<hbm>> -> memref<64xi32, #tpu.memory_space<hbm>>
      tpu.enqueue_dma source(%dma_start3A_42 : memref<64xi32, #tpu.memory_space<hbm>>) target(%arg11 : memref<64xi32, #tpu.memory_space<vmem>>) target_semaphore(%arg20 : memref<!tpu.dma_semaphore, #tpu.memory_space<semaphore_mem>>)
      %add3A_43 = arith.constant 0 : i32
      %add3A_44 = arith.addi %add3A, %add3A_43 : i32
      %mul3A_45 = arith.constant 64 : i32
      %mul3A_46 = arith.muli %add3A_44, %mul3A_45 : i32
      %dma_wait3A = tpu.memref_slice %arg2[%mul3A_46] : memref<320000xi32, #tpu.memory_space<hbm>> -> memref<64xi32, #tpu.memory_space<hbm>>
      %dma_wait3A_47 = tpu.memref_slice %arg2[%mul3A_46] : memref<320000xi32, #tpu.memory_space<hbm>> -> memref<64xi32, #tpu.memory_space<hbm>>
      tpu.wait_dma2 semaphore(%arg20 : memref<!tpu.dma_semaphore, #tpu.memory_space<semaphore_mem>>) src(%dma_wait3A_47 : memref<64xi32, #tpu.memory_space<hbm>>) dst(%arg9 : memref<64xi32, #tpu.memory_space<vmem>>)
      %dma_wait3A_48 = tpu.memref_slice %arg3[%mul3A_46] : memref<320000xi32, #tpu.memory_space<hbm>> -> memref<64xi32, #tpu.memory_space<hbm>>
      %dma_wait3A_49 = tpu.memref_slice %arg3[%mul3A_46] : memref<320000xi32, #tpu.memory_space<hbm>> -> memref<64xi32, #tpu.memory_space<hbm>>
      tpu.wait_dma2 semaphore(%arg20 : memref<!tpu.dma_semaphore, #tpu.memory_space<semaphore_mem>>) src(%dma_wait3A_49 : memref<64xi32, #tpu.memory_space<hbm>>) dst(%arg11 : memref<64xi32, #tpu.memory_space<vmem>>)
      %dma_start3A_50 = arith.constant 0 : i32
      %dma_start3A_51 = arith.constant 0 : i32
      %dma_start3A_52 = tpu.memref_slice %arg4[%dma_start3A_50, %dma_start3A_51] : memref<10000x128xf32, #tpu.memory_space<hbm>> -> memref<10000x128xf32, #tpu.memory_space<hbm>>
      tpu.enqueue_indirect_dma source(%dma_start3A_52 : memref<10000x128xf32, #tpu.memory_space<hbm>>) target(%arg13 : memref<64x128xf32, #tpu.memory_space<vmem>>) offsets(%arg9 : memref<64xi32, #tpu.memory_space<vmem>>) semaphore(%arg22 : memref<!tpu.dma_semaphore, #tpu.memory_space<semaphore_mem>>)
    } else {
    }
    %add3A_16 = arith.constant 32 : i32
    %add3A_17 = arith.addi %add3A, %add3A_16 : i32
    %lt3A_18 = arith.constant 5000 : i32
    %lt3A_19 = arith.cmpi slt, %add3A_17, %lt3A_18 : i32
    %convert_element_type3A_20 = arith.extui %lt3A_19 : i1 to i32
    %cond3A_21 = arith.constant 0 : i32
    %cond3A_22 = arith.cmpi ne, %convert_element_type3A_20, %cond3A_21 : i32
    scf.if %cond3A_22 {
      %add3A_36 = arith.constant 32 : i32
      %add3A_37 = arith.addi %add3A, %add3A_36 : i32
      %mul3A_38 = arith.constant 64 : i32
      %mul3A_39 = arith.muli %add3A_37, %mul3A_38 : i32
      %dma_start3A = tpu.memref_slice %arg2[%mul3A_39] : memref<320000xi32, #tpu.memory_space<hbm>> -> memref<64xi32, #tpu.memory_space<hbm>>
      %dma_start3A_40 = tpu.memref_slice %arg2[%mul3A_39] : memref<320000xi32, #tpu.memory_space<hbm>> -> memref<64xi32, #tpu.memory_space<hbm>>
      tpu.enqueue_dma source(%dma_start3A_40 : memref<64xi32, #tpu.memory_space<hbm>>) target(%arg10 : memref<64xi32, #tpu.memory_space<vmem>>) target_semaphore(%arg21 : memref<!tpu.dma_semaphore, #tpu.memory_space<semaphore_mem>>)
      %dma_start3A_41 = tpu.memref_slice %arg3[%mul3A_39] : memref<320000xi32, #tpu.memory_space<hbm>> -> memref<64xi32, #tpu.memory_space<hbm>>
      %dma_start3A_42 = tpu.memref_slice %arg3[%mul3A_39] : memref<320000xi32, #tpu.memory_space<hbm>> -> memref<64xi32, #tpu.memory_space<hbm>>
      tpu.enqueue_dma source(%dma_start3A_42 : memref<64xi32, #tpu.memory_space<hbm>>) target(%arg12 : memref<64xi32, #tpu.memory_space<vmem>>) target_semaphore(%arg21 : memref<!tpu.dma_semaphore, #tpu.memory_space<semaphore_mem>>)
    } else {
    }
    %barrier3A = arith.constant 0 : index
    tpu.barrier barrier_id(%barrier3A)
    %scan3A_23 = arith.constant 0 : i32
    %scan3A_24 = arith.constant 0 : i32
    %scan3A_25 = arith.constant 79 : i32
    %scan3A_26 = arith.addi %scan3A_24, %scan3A_25 : i32
    %scan3A_27 = arith.constant 1 : i32
    scf.for %scan3A_36 = %scan3A_24 to %scan3A_26 step %scan3A_27  : i32 {
      %mul3A_37 = arith.constant 2 : i32
      %mul3A_38 = arith.muli %mul3A_37, %scan3A_36 : i32
      %mul3A_39 = arith.constant 32 : i32
      %mul3A_40 = arith.muli %mul3A_38, %mul3A_39 : i32
      %add3A_41 = arith.addi %add3A, %mul3A_40 : i32
      %lt3A_42 = arith.constant 5000 : i32
      %lt3A_43 = arith.cmpi slt, %add3A_41, %lt3A_42 : i32
      %convert_element_type3A_44 = arith.extui %lt3A_43 : i1 to i32
      %cond3A_45 = arith.constant 0 : i32
      %cond3A_46 = arith.cmpi ne, %convert_element_type3A_44, %cond3A_45 : i32
      scf.if %cond3A_46 {
        %dma_wait3A = arith.constant 0 : i32
        %dma_wait3A_115 = arith.constant 0 : i32
        %dma_wait3A_116 = tpu.memref_slice %arg4[%dma_wait3A, %dma_wait3A_115] : memref<10000x128xf32, #tpu.memory_space<hbm>> -> memref<10000x128xf32, #tpu.memory_space<hbm>>
        tpu.wait_indirect_dma semaphore(%arg22 : memref<!tpu.dma_semaphore, #tpu.memory_space<semaphore_mem>>) src(%dma_wait3A_116 : memref<10000x128xf32, #tpu.memory_space<hbm>>) dst(%arg13 : memref<64x128xf32, #tpu.memory_space<vmem>>)
      } else {
      }
      %add3A_47 = arith.constant 1 : i32
      %add3A_48 = arith.addi %mul3A_38, %add3A_47 : i32
      %mul3A_49 = arith.constant 32 : i32
      %mul3A_50 = arith.muli %add3A_48, %mul3A_49 : i32
      %add3A_51 = arith.addi %add3A, %mul3A_50 : i32
      %lt3A_52 = arith.constant 5000 : i32
      %lt3A_53 = arith.cmpi slt, %add3A_51, %lt3A_52 : i32
      %convert_element_type3A_54 = arith.extui %lt3A_53 : i1 to i32
      %cond3A_55 = arith.constant 0 : i32
      %cond3A_56 = arith.cmpi ne, %convert_element_type3A_54, %cond3A_55 : i32
      scf.if %cond3A_56 {
        %add3A_115 = arith.constant 1 : i32
        %add3A_116 = arith.addi %mul3A_38, %add3A_115 : i32
        %mul3A_117 = arith.constant 32 : i32
        %mul3A_118 = arith.muli %add3A_116, %mul3A_117 : i32
        %add3A_119 = arith.addi %add3A, %mul3A_118 : i32
        %mul3A_120 = arith.constant 64 : i32
        %mul3A_121 = arith.muli %add3A_119, %mul3A_120 : i32
        %dma_wait3A = tpu.memref_slice %arg2[%mul3A_121] : memref<320000xi32, #tpu.memory_space<hbm>> -> memref<64xi32, #tpu.memory_space<hbm>>
        %dma_wait3A_122 = tpu.memref_slice %arg2[%mul3A_121] : memref<320000xi32, #tpu.memory_space<hbm>> -> memref<64xi32, #tpu.memory_space<hbm>>
        tpu.wait_dma2 semaphore(%arg21 : memref<!tpu.dma_semaphore, #tpu.memory_space<semaphore_mem>>) src(%dma_wait3A_122 : memref<64xi32, #tpu.memory_space<hbm>>) dst(%arg10 : memref<64xi32, #tpu.memory_space<vmem>>)
        %dma_wait3A_123 = tpu.memref_slice %arg3[%mul3A_121] : memref<320000xi32, #tpu.memory_space<hbm>> -> memref<64xi32, #tpu.memory_space<hbm>>
        %dma_wait3A_124 = tpu.memref_slice %arg3[%mul3A_121] : memref<320000xi32, #tpu.memory_space<hbm>> -> memref<64xi32, #tpu.memory_space<hbm>>
        tpu.wait_dma2 semaphore(%arg21 : memref<!tpu.dma_semaphore, #tpu.memory_space<semaphore_mem>>) src(%dma_wait3A_124 : memref<64xi32, #tpu.memory_space<hbm>>) dst(%arg12 : memref<64xi32, #tpu.memory_space<vmem>>)
        %dma_start3A = arith.constant 0 : i32
        %dma_start3A_125 = arith.constant 0 : i32
        %dma_start3A_126 = tpu.memref_slice %arg4[%dma_start3A, %dma_start3A_125] : memref<10000x128xf32, #tpu.memory_space<hbm>> -> memref<10000x128xf32, #tpu.memory_space<hbm>>
        tpu.enqueue_indirect_dma source(%dma_start3A_126 : memref<10000x128xf32, #tpu.memory_space<hbm>>) target(%arg14 : memref<64x128xf32, #tpu.memory_space<vmem>>) offsets(%arg10 : memref<64xi32, #tpu.memory_space<vmem>>) semaphore(%arg23 : memref<!tpu.dma_semaphore, #tpu.memory_space<semaphore_mem>>)
      } else {
      }
      %mul3A_57 = arith.constant 32 : i32
      %mul3A_58 = arith.muli %mul3A_38, %mul3A_57 : i32
      %add3A_59 = arith.addi %add3A, %mul3A_58 : i32
      %lt3A_60 = arith.constant 5000 : i32
      %lt3A_61 = arith.cmpi slt, %add3A_59, %lt3A_60 : i32
      %convert_element_type3A_62 = arith.extui %lt3A_61 : i1 to i32
      %cond3A_63 = arith.constant 0 : i32
      %cond3A_64 = arith.cmpi ne, %convert_element_type3A_62, %cond3A_63 : i32
      scf.if %cond3A_64 {
        %scan3A_115 = arith.constant 0 : i32
        %scan3A_116 = arith.constant 0 : i32
        %scan3A_117 = arith.constant 4 : i32
        %scan3A_118 = arith.addi %scan3A_116, %scan3A_117 : i32
        %scan3A_119 = arith.constant 1 : i32
        scf.for %scan3A_127 = %scan3A_116 to %scan3A_118 step %scan3A_119  : i32 {
          %mul3A_128 = arith.constant 16 : i32
          %mul3A_129 = arith.muli %mul3A_128, %scan3A_127 : i32
          %add3A_130 = vector.broadcast %mul3A_129 : i32 to vector<16xi32>
          %add3A_131 = arith.addi %add3A_130, %iota3A : vector<16xi32>
          %gather3A = tpu.vector_load_idx %arg9[%add3A_131] : memref<64xi32, #tpu.memory_space<vmem>>[vector<16xi32>], vector<16xi32>,
          %add3A_132 = vector.broadcast %mul3A_129 : i32 to vector<16xi32>
          %add3A_133 = arith.addi %add3A_132, %iota3A : vector<16xi32>
          %gather3A_134 = tpu.vector_load_idx %arg11[%add3A_133] : memref<64xi32, #tpu.memory_space<vmem>>[vector<16xi32>], vector<16xi32>,
          %shift_right_arithmetic3A = arith.constant 7 : i32
          %shift_right_arithmetic3A_135 = vector.broadcast %shift_right_arithmetic3A : i32 to vector<16xi32>
          %shift_right_arithmetic3A_136 = arith.shrsi %gather3A, %shift_right_arithmetic3A_135 : vector<16xi32>
          %and3A = arith.constant 127 : i32
          %and3A_137 = vector.broadcast %and3A : i32 to vector<16xi32>
          %and3A_138 = arith.andi %gather3A, %and3A_137 : vector<16xi32>
          %gather3A_139 = tpu.vector_load_idx %arg15[%shift_right_arithmetic3A_136, %and3A_138] : memref<80x128xf32, #tpu.memory_space<vmem>>[vector<16xi32>, vector<16xi32>], vector<16xf32>,
          %shift_right_arithmetic3A_140 = arith.constant 7 : i32
          %shift_right_arithmetic3A_141 = vector.broadcast %shift_right_arithmetic3A_140 : i32 to vector<16xi32>
          %shift_right_arithmetic3A_142 = arith.shrsi %gather3A_134, %shift_right_arithmetic3A_141 : vector<16xi32>
          %and3A_143 = arith.constant 127 : i32
          %and3A_144 = vector.broadcast %and3A_143 : i32 to vector<16xi32>
          %and3A_145 = arith.andi %gather3A_134, %and3A_144 : vector<16xi32>
          %gather3A_146 = tpu.vector_load_idx %arg16[%shift_right_arithmetic3A_142, %and3A_145] : memref<80x128xf32, #tpu.memory_space<vmem>>[vector<16xi32>, vector<16xi32>], vector<16xf32>,
          %add3A_147 = arith.addf %gather3A_139, %gather3A_146 : vector<16xf32>
          %mul3A_148 = arith.constant 2.000000e-01 : f32
          %mul3A_149 = vector.broadcast %mul3A_148 : f32 to vector<16xf32>
          %mul3A_150 = arith.mulf %mul3A_149, %add3A_147 : vector<16xf32>
          %max3A = arith.maximumf %add3A_147, %mul3A_150 : vector<16xf32>
          %exp3A = math.exp %max3A : vector<16xf32>
          %shift_right_arithmetic3A_151 = arith.constant 7 : i32
          %shift_right_arithmetic3A_152 = vector.broadcast %shift_right_arithmetic3A_151 : i32 to vector<16xi32>
          %shift_right_arithmetic3A_153 = arith.shrsi %gather3A_134, %shift_right_arithmetic3A_152 : vector<16xi32>
          %and3A_154 = arith.constant 127 : i32
          %and3A_155 = vector.broadcast %and3A_154 : i32 to vector<16xi32>
          %and3A_156 = arith.andi %gather3A_134, %and3A_155 : vector<16xi32>
          tpu.vector_store_idx %arg17[%shift_right_arithmetic3A_153, %and3A_156], %exp3A {add = true} : memref<80x128xf32, #tpu.memory_space<vmem>>[vector<16xi32>, vector<16xi32>], vector<16xf32>,
          %swap3A = arith.index_cast %mul3A_129 : i32 to index
          %swap3A_157 = tpu.vector_load %arg18[%swap3A] {strides = array<i32>} : memref<64xf32, #tpu.memory_space<vmem>>, vector<16xf32>,
          tpu.vector_store %arg18[%swap3A], %exp3A {strides = array<i32>} : memref<64xf32, #tpu.memory_space<vmem>>, vector<16xf32>,
        }
        %scan3A_120 = arith.constant 4 : i32
        %scan3A_121 = arith.constant 0 : i32
        %scan3A_122 = arith.constant 0 : i32
        %scan3A_123 = arith.constant 32 : i32
        %scan3A_124 = arith.addi %scan3A_122, %scan3A_123 : i32
        %scan3A_125 = arith.constant 1 : i32
        scf.for %scan3A_127 = %scan3A_122 to %scan3A_124 step %scan3A_125  : i32 {
          %mul3A_128 = arith.constant 2 : i32
          %mul3A_129 = arith.muli %mul3A_128, %scan3A_127 : i32
          %add3A_130 = arith.constant 0 : i32
          %add3A_131 = arith.addi %mul3A_129, %add3A_130 : i32
          %broadcast_in_dim3A = vector.broadcast %add3A_131 : i32 to vector<16xi32>
          %gather3A = tpu.vector_load_idx %arg18[%broadcast_in_dim3A] : memref<64xf32, #tpu.memory_space<vmem>>[vector<16xi32>], vector<16xf32>,
          %get3A = arith.index_cast %add3A_131 : i32 to index
          %get3A_132 = arith.constant 0 : index
          %get3A_133 = tpu.vector_load %arg13[%get3A, %get3A_132] {strides = array<i32>} : memref<64x128xf32, #tpu.memory_space<vmem>>, vector<16xf32>,
          %mul3A_134 = arith.mulf %get3A_133, %gather3A : vector<16xf32>
          %swap3A = arith.index_cast %add3A_131 : i32 to index
          %swap3A_135 = arith.constant 0 : index
          %swap3A_136 = tpu.vector_load %arg13[%swap3A, %swap3A_135] {strides = array<i32>} : memref<64x128xf32, #tpu.memory_space<vmem>>, vector<16xf32>,
          tpu.vector_store %arg13[%swap3A, %swap3A_135], %mul3A_134 {strides = array<i32>} : memref<64x128xf32, #tpu.memory_space<vmem>>, vector<16xf32>,
          %get3A_137 = arith.index_cast %add3A_131 : i32 to index
          %get3A_138 = arith.constant 16 : index
          %get3A_139 = tpu.vector_load %arg13[%get3A_137, %get3A_138] {strides = array<i32>} : memref<64x128xf32, #tpu.memory_space<vmem>>, vector<16xf32>,
          %mul3A_140 = arith.mulf %get3A_139, %gather3A : vector<16xf32>
          %swap3A_141 = arith.index_cast %add3A_131 : i32 to index
          %swap3A_142 = arith.constant 16 : index
          %swap3A_143 = tpu.vector_load %arg13[%swap3A_141, %swap3A_142] {strides = array<i32>} : memref<64x128xf32, #tpu.memory_space<vmem>>, vector<16xf32>,
          tpu.vector_store %arg13[%swap3A_141, %swap3A_142], %mul3A_140 {strides = array<i32>} : memref<64x128xf32, #tpu.memory_space<vmem>>, vector<16xf32>,
          %get3A_144 = arith.index_cast %add3A_131 : i32 to index
          %get3A_145 = arith.constant 32 : index
          %get3A_146 = tpu.vector_load %arg13[%get3A_144, %get3A_145] {strides = array<i32>} : memref<64x128xf32, #tpu.memory_space<vmem>>, vector<16xf32>,
          %mul3A_147 = arith.mulf %get3A_146, %gather3A : vector<16xf32>
          %swap3A_148 = arith.index_cast %add3A_131 : i32 to index
          %swap3A_149 = arith.constant 32 : index
          %swap3A_150 = tpu.vector_load %arg13[%swap3A_148, %swap3A_149] {strides = array<i32>} : memref<64x128xf32, #tpu.memory_space<vmem>>, vector<16xf32>,
          tpu.vector_store %arg13[%swap3A_148, %swap3A_149], %mul3A_147 {strides = array<i32>} : memref<64x128xf32, #tpu.memory_space<vmem>>, vector<16xf32>,
          %get3A_151 = arith.index_cast %add3A_131 : i32 to index
          %get3A_152 = arith.constant 48 : index
          %get3A_153 = tpu.vector_load %arg13[%get3A_151, %get3A_152] {strides = array<i32>} : memref<64x128xf32, #tpu.memory_space<vmem>>, vector<16xf32>,
          %mul3A_154 = arith.mulf %get3A_153, %gather3A : vector<16xf32>
          %swap3A_155 = arith.index_cast %add3A_131 : i32 to index
          %swap3A_156 = arith.constant 48 : index
          %swap3A_157 = tpu.vector_load %arg13[%swap3A_155, %swap3A_156] {strides = array<i32>} : memref<64x128xf32, #tpu.memory_space<vmem>>, vector<16xf32>,
          tpu.vector_store %arg13[%swap3A_155, %swap3A_156], %mul3A_154 {strides = array<i32>} : memref<64x128xf32, #tpu.memory_space<vmem>>, vector<16xf32>,
          %get3A_158 = arith.index_cast %add3A_131 : i32 to index
          %get3A_159 = arith.constant 64 : index
          %get3A_160 = tpu.vector_load %arg13[%get3A_158, %get3A_159] {strides = array<i32>} : memref<64x128xf32, #tpu.memory_space<vmem>>, vector<16xf32>,
          %mul3A_161 = arith.mulf %get3A_160, %gather3A : vector<16xf32>
          %swap3A_162 = arith.index_cast %add3A_131 : i32 to index
          %swap3A_163 = arith.constant 64 : index
          %swap3A_164 = tpu.vector_load %arg13[%swap3A_162, %swap3A_163] {strides = array<i32>} : memref<64x128xf32, #tpu.memory_space<vmem>>, vector<16xf32>,
          tpu.vector_store %arg13[%swap3A_162, %swap3A_163], %mul3A_161 {strides = array<i32>} : memref<64x128xf32, #tpu.memory_space<vmem>>, vector<16xf32>,
          %get3A_165 = arith.index_cast %add3A_131 : i32 to index
          %get3A_166 = arith.constant 80 : index
          %get3A_167 = tpu.vector_load %arg13[%get3A_165, %get3A_166] {strides = array<i32>} : memref<64x128xf32, #tpu.memory_space<vmem>>, vector<16xf32>,
          %mul3A_168 = arith.mulf %get3A_167, %gather3A : vector<16xf32>
          %swap3A_169 = arith.index_cast %add3A_131 : i32 to index
          %swap3A_170 = arith.constant 80 : index
          %swap3A_171 = tpu.vector_load %arg13[%swap3A_169, %swap3A_170] {strides = array<i32>} : memref<64x128xf32, #tpu.memory_space<vmem>>, vector<16xf32>,
          tpu.vector_store %arg13[%swap3A_169, %swap3A_170], %mul3A_168 {strides = array<i32>} : memref<64x128xf32, #tpu.memory_space<vmem>>, vector<16xf32>,
          %get3A_172 = arith.index_cast %add3A_131 : i32 to index
          %get3A_173 = arith.constant 96 : index
          %get3A_174 = tpu.vector_load %arg13[%get3A_172, %get3A_173] {strides = array<i32>} : memref<64x128xf32, #tpu.memory_space<vmem>>, vector<16xf32>,
          %mul3A_175 = arith.mulf %get3A_174, %gather3A : vector<16xf32>
          %swap3A_176 = arith.index_cast %add3A_131 : i32 to index
          %swap3A_177 = arith.constant 96 : index
          %swap3A_178 = tpu.vector_load %arg13[%swap3A_176, %swap3A_177] {strides = array<i32>} : memref<64x128xf32, #tpu.memory_space<vmem>>, vector<16xf32>,
          tpu.vector_store %arg13[%swap3A_176, %swap3A_177], %mul3A_175 {strides = array<i32>} : memref<64x128xf32, #tpu.memory_space<vmem>>, vector<16xf32>,
          %get3A_179 = arith.index_cast %add3A_131 : i32 to index
          %get3A_180 = arith.constant 112 : index
          %get3A_181 = tpu.vector_load %arg13[%get3A_179, %get3A_180] {strides = array<i32>} : memref<64x128xf32, #tpu.memory_space<vmem>>, vector<16xf32>,
          %mul3A_182 = arith.mulf %get3A_181, %gather3A : vector<16xf32>
          %swap3A_183 = arith.index_cast %add3A_131 : i32 to index
          %swap3A_184 = arith.constant 112 : index
          %swap3A_185 = tpu.vector_load %arg13[%swap3A_183, %swap3A_184] {strides = array<i32>} : memref<64x128xf32, #tpu.memory_space<vmem>>, vector<16xf32>,
          tpu.vector_store %arg13[%swap3A_183, %swap3A_184], %mul3A_182 {strides = array<i32>} : memref<64x128xf32, #tpu.memory_space<vmem>>, vector<16xf32>,
          %mul3A_186 = arith.constant 2 : i32
          %mul3A_187 = arith.muli %mul3A_186, %scan3A_127 : i32
          %add3A_188 = arith.constant 1 : i32
          %add3A_189 = arith.addi %mul3A_187, %add3A_188 : i32
          %broadcast_in_dim3A_190 = vector.broadcast %add3A_189 : i32 to vector<16xi32>
          %gather3A_191 = tpu.vector_load_idx %arg18[%broadcast_in_dim3A_190] : memref<64xf32, #tpu.memory_space<vmem>>[vector<16xi32>], vector<16xf32>,
          %get3A_192 = arith.index_cast %add3A_189 : i32 to index
          %get3A_193 = arith.constant 0 : index
          %get3A_194 = tpu.vector_load %arg13[%get3A_192, %get3A_193] {strides = array<i32>} : memref<64x128xf32, #tpu.memory_space<vmem>>, vector<16xf32>,
          %mul3A_195 = arith.mulf %get3A_194, %gather3A_191 : vector<16xf32>
          %swap3A_196 = arith.index_cast %add3A_189 : i32 to index
          %swap3A_197 = arith.constant 0 : index
          %swap3A_198 = tpu.vector_load %arg13[%swap3A_196, %swap3A_197] {strides = array<i32>} : memref<64x128xf32, #tpu.memory_space<vmem>>, vector<16xf32>,
          tpu.vector_store %arg13[%swap3A_196, %swap3A_197], %mul3A_195 {strides = array<i32>} : memref<64x128xf32, #tpu.memory_space<vmem>>, vector<16xf32>,
          %get3A_199 = arith.index_cast %add3A_189 : i32 to index
          %get3A_200 = arith.constant 16 : index
          %get3A_201 = tpu.vector_load %arg13[%get3A_199, %get3A_200] {strides = array<i32>} : memref<64x128xf32, #tpu.memory_space<vmem>>, vector<16xf32>,
          %mul3A_202 = arith.mulf %get3A_201, %gather3A_191 : vector<16xf32>
          %swap3A_203 = arith.index_cast %add3A_189 : i32 to index
          %swap3A_204 = arith.constant 16 : index
          %swap3A_205 = tpu.vector_load %arg13[%swap3A_203, %swap3A_204] {strides = array<i32>} : memref<64x128xf32, #tpu.memory_space<vmem>>, vector<16xf32>,
          tpu.vector_store %arg13[%swap3A_203, %swap3A_204], %mul3A_202 {strides = array<i32>} : memref<64x128xf32, #tpu.memory_space<vmem>>, vector<16xf32>,
          %get3A_206 = arith.index_cast %add3A_189 : i32 to index
          %get3A_207 = arith.constant 32 : index
          %get3A_208 = tpu.vector_load %arg13[%get3A_206, %get3A_207] {strides = array<i32>} : memref<64x128xf32, #tpu.memory_space<vmem>>, vector<16xf32>,
          %mul3A_209 = arith.mulf %get3A_208, %gather3A_191 : vector<16xf32>
          %swap3A_210 = arith.index_cast %add3A_189 : i32 to index
          %swap3A_211 = arith.constant 32 : index
          %swap3A_212 = tpu.vector_load %arg13[%swap3A_210, %swap3A_211] {strides = array<i32>} : memref<64x128xf32, #tpu.memory_space<vmem>>, vector<16xf32>,
          tpu.vector_store %arg13[%swap3A_210, %swap3A_211], %mul3A_209 {strides = array<i32>} : memref<64x128xf32, #tpu.memory_space<vmem>>, vector<16xf32>,
          %get3A_213 = arith.index_cast %add3A_189 : i32 to index
          %get3A_214 = arith.constant 48 : index
          %get3A_215 = tpu.vector_load %arg13[%get3A_213, %get3A_214] {strides = array<i32>} : memref<64x128xf32, #tpu.memory_space<vmem>>, vector<16xf32>,
          %mul3A_216 = arith.mulf %get3A_215, %gather3A_191 : vector<16xf32>
          %swap3A_217 = arith.index_cast %add3A_189 : i32 to index
          %swap3A_218 = arith.constant 48 : index
          %swap3A_219 = tpu.vector_load %arg13[%swap3A_217, %swap3A_218] {strides = array<i32>} : memref<64x128xf32, #tpu.memory_space<vmem>>, vector<16xf32>,
          tpu.vector_store %arg13[%swap3A_217, %swap3A_218], %mul3A_216 {strides = array<i32>} : memref<64x128xf32, #tpu.memory_space<vmem>>, vector<16xf32>,
          %get3A_220 = arith.index_cast %add3A_189 : i32 to index
          %get3A_221 = arith.constant 64 : index
          %get3A_222 = tpu.vector_load %arg13[%get3A_220, %get3A_221] {strides = array<i32>} : memref<64x128xf32, #tpu.memory_space<vmem>>, vector<16xf32>,
          %mul3A_223 = arith.mulf %get3A_222, %gather3A_191 : vector<16xf32>
          %swap3A_224 = arith.index_cast %add3A_189 : i32 to index
          %swap3A_225 = arith.constant 64 : index
          %swap3A_226 = tpu.vector_load %arg13[%swap3A_224, %swap3A_225] {strides = array<i32>} : memref<64x128xf32, #tpu.memory_space<vmem>>, vector<16xf32>,
          tpu.vector_store %arg13[%swap3A_224, %swap3A_225], %mul3A_223 {strides = array<i32>} : memref<64x128xf32, #tpu.memory_space<vmem>>, vector<16xf32>,
          %get3A_227 = arith.index_cast %add3A_189 : i32 to index
          %get3A_228 = arith.constant 80 : index
          %get3A_229 = tpu.vector_load %arg13[%get3A_227, %get3A_228] {strides = array<i32>} : memref<64x128xf32, #tpu.memory_space<vmem>>, vector<16xf32>,
          %mul3A_230 = arith.mulf %get3A_229, %gather3A_191 : vector<16xf32>
          %swap3A_231 = arith.index_cast %add3A_189 : i32 to index
          %swap3A_232 = arith.constant 80 : index
          %swap3A_233 = tpu.vector_load %arg13[%swap3A_231, %swap3A_232] {strides = array<i32>} : memref<64x128xf32, #tpu.memory_space<vmem>>, vector<16xf32>,
          tpu.vector_store %arg13[%swap3A_231, %swap3A_232], %mul3A_230 {strides = array<i32>} : memref<64x128xf32, #tpu.memory_space<vmem>>, vector<16xf32>,
          %get3A_234 = arith.index_cast %add3A_189 : i32 to index
          %get3A_235 = arith.constant 96 : index
          %get3A_236 = tpu.vector_load %arg13[%get3A_234, %get3A_235] {strides = array<i32>} : memref<64x128xf32, #tpu.memory_space<vmem>>, vector<16xf32>,
          %mul3A_237 = arith.mulf %get3A_236, %gather3A_191 : vector<16xf32>
          %swap3A_238 = arith.index_cast %add3A_189 : i32 to index
          %swap3A_239 = arith.constant 96 : index
          %swap3A_240 = tpu.vector_load %arg13[%swap3A_238, %swap3A_239] {strides = array<i32>} : memref<64x128xf32, #tpu.memory_space<vmem>>, vector<16xf32>,
          tpu.vector_store %arg13[%swap3A_238, %swap3A_239], %mul3A_237 {strides = array<i32>} : memref<64x128xf32, #tpu.memory_space<vmem>>, vector<16xf32>,
          %get3A_241 = arith.index_cast %add3A_189 : i32 to index
          %get3A_242 = arith.constant 112 : index
          %get3A_243 = tpu.vector_load %arg13[%get3A_241, %get3A_242] {strides = array<i32>} : memref<64x128xf32, #tpu.memory_space<vmem>>, vector<16xf32>,
          %mul3A_244 = arith.mulf %get3A_243, %gather3A_191 : vector<16xf32>
          %swap3A_245 = arith.index_cast %add3A_189 : i32 to index
          %swap3A_246 = arith.constant 112 : index
          %swap3A_247 = tpu.vector_load %arg13[%swap3A_245, %swap3A_246] {strides = array<i32>} : memref<64x128xf32, #tpu.memory_space<vmem>>, vector<16xf32>,
          tpu.vector_store %arg13[%swap3A_245, %swap3A_246], %mul3A_244 {strides = array<i32>} : memref<64x128xf32, #tpu.memory_space<vmem>>, vector<16xf32>,
        }
        %scan3A_126 = arith.constant 32 : i32
        "tpu.region"() ({
          %run_scoped3A = tpu.sem_alloc : memref<!tpu.dma_semaphore, #tpu.memory_space<semaphore_mem>>
          %dma_start3A = arith.constant 0 : i32
          %dma_start3A_127 = arith.constant 0 : i32
          %dma_start3A_128 = tpu.memref_slice %arg19[%dma_start3A, %dma_start3A_127] : memref<10000x128xf32, #tpu.memory_space<vmem_shared>> -> memref<10000x128xf32, #tpu.memory_space<vmem_shared>>
          tpu.enqueue_indirect_dma source(%arg13 : memref<64x128xf32, #tpu.memory_space<vmem>>) target(%dma_start3A_128 : memref<10000x128xf32, #tpu.memory_space<vmem_shared>>) offsets(%arg11 : memref<64xi32, #tpu.memory_space<vmem>>) semaphore(%run_scoped3A : memref<!tpu.dma_semaphore, #tpu.memory_space<semaphore_mem>>) {add = true}
          %dma_wait3A = arith.constant 0 : i32
          %dma_wait3A_129 = arith.constant 0 : i32
          %dma_wait3A_130 = tpu.memref_slice %arg19[%dma_wait3A, %dma_wait3A_129] : memref<10000x128xf32, #tpu.memory_space<vmem_shared>> -> memref<10000x128xf32, #tpu.memory_space<vmem_shared>>
          tpu.wait_indirect_dma semaphore(%run_scoped3A : memref<!tpu.dma_semaphore, #tpu.memory_space<semaphore_mem>>) src(%arg13 : memref<64x128xf32, #tpu.memory_space<vmem>>) dst(%dma_wait3A_130 : memref<10000x128xf32, #tpu.memory_space<vmem_shared>>)
          tpu.yield
        }) : () -> ()
      } else {
      }
      %add3A_65 = arith.constant 2 : i32
      %add3A_66 = arith.addi %mul3A_38, %add3A_65 : i32
      %mul3A_67 = arith.constant 32 : i32
      %mul3A_68 = arith.muli %add3A_66, %mul3A_67 : i32
      %add3A_69 = arith.addi %add3A, %mul3A_68 : i32
      %lt3A_70 = arith.constant 5000 : i32
      %lt3A_71 = arith.cmpi slt, %add3A_69, %lt3A_70 : i32
      %convert_element_type3A_72 = arith.extui %lt3A_71 : i1 to i32
      %cond3A_73 = arith.constant 0 : i32
      %cond3A_74 = arith.cmpi ne, %convert_element_type3A_72, %cond3A_73 : i32
      scf.if %cond3A_74 {
        %add3A_115 = arith.constant 2 : i32
        %add3A_116 = arith.addi %mul3A_38, %add3A_115 : i32
        %mul3A_117 = arith.constant 32 : i32
        %mul3A_118 = arith.muli %add3A_116, %mul3A_117 : i32
        %add3A_119 = arith.addi %add3A, %mul3A_118 : i32
        %mul3A_120 = arith.constant 64 : i32
        %mul3A_121 = arith.muli %add3A_119, %mul3A_120 : i32
        %dma_start3A = tpu.memref_slice %arg2[%mul3A_121] : memref<320000xi32, #tpu.memory_space<hbm>> -> memref<64xi32, #tpu.memory_space<hbm>>
        %dma_start3A_122 = tpu.memref_slice %arg2[%mul3A_121] : memref<320000xi32, #tpu.memory_space<hbm>> -> memref<64xi32, #tpu.memory_space<hbm>>
        tpu.enqueue_dma source(%dma_start3A_122 : memref<64xi32, #tpu.memory_space<hbm>>) target(%arg9 : memref<64xi32, #tpu.memory_space<vmem>>) target_semaphore(%arg20 : memref<!tpu.dma_semaphore, #tpu.memory_space<semaphore_mem>>)
        %dma_start3A_123 = tpu.memref_slice %arg3[%mul3A_121] : memref<320000xi32, #tpu.memory_space<hbm>> -> memref<64xi32, #tpu.memory_space<hbm>>
        %dma_start3A_124 = tpu.memref_slice %arg3[%mul3A_121] : memref<320000xi32, #tpu.memory_space<hbm>> -> memref<64xi32, #tpu.memory_space<hbm>>
        tpu.enqueue_dma source(%dma_start3A_124 : memref<64xi32, #tpu.memory_space<hbm>>) target(%arg11 : memref<64xi32, #tpu.memory_space<vmem>>) target_semaphore(%arg20 : memref<!tpu.dma_semaphore, #tpu.memory_space<semaphore_mem>>)
      } else {
      }
      %mul3A_75 = arith.constant 2 : i32
      %mul3A_76 = arith.muli %mul3A_75, %scan3A_36 : i32
      %add3A_77 = arith.constant 1 : i32
      %add3A_78 = arith.addi %mul3A_76, %add3A_77 : i32
      %mul3A_79 = arith.constant 32 : i32
      %mul3A_80 = arith.muli %add3A_78, %mul3A_79 : i32
      %add3A_81 = arith.addi %add3A, %mul3A_80 : i32
      %lt3A_82 = arith.constant 5000 : i32
      %lt3A_83 = arith.cmpi slt, %add3A_81, %lt3A_82 : i32
      %convert_element_type3A_84 = arith.extui %lt3A_83 : i1 to i32
      %cond3A_85 = arith.constant 0 : i32
      %cond3A_86 = arith.cmpi ne, %convert_element_type3A_84, %cond3A_85 : i32
      scf.if %cond3A_86 {
        %dma_wait3A = arith.constant 0 : i32
        %dma_wait3A_115 = arith.constant 0 : i32
        %dma_wait3A_116 = tpu.memref_slice %arg4[%dma_wait3A, %dma_wait3A_115] : memref<10000x128xf32, #tpu.memory_space<hbm>> -> memref<10000x128xf32, #tpu.memory_space<hbm>>
        tpu.wait_indirect_dma semaphore(%arg23 : memref<!tpu.dma_semaphore, #tpu.memory_space<semaphore_mem>>) src(%dma_wait3A_116 : memref<10000x128xf32, #tpu.memory_space<hbm>>) dst(%arg14 : memref<64x128xf32, #tpu.memory_space<vmem>>)
      } else {
      }
      %add3A_87 = arith.constant 1 : i32
      %add3A_88 = arith.addi %add3A_78, %add3A_87 : i32
      %mul3A_89 = arith.constant 32 : i32
      %mul3A_90 = arith.muli %add3A_88, %mul3A_89 : i32
      %add3A_91 = arith.addi %add3A, %mul3A_90 : i32
      %lt3A_92 = arith.constant 5000 : i32
      %lt3A_93 = arith.cmpi slt, %add3A_91, %lt3A_92 : i32
      %convert_element_type3A_94 = arith.extui %lt3A_93 : i1 to i32
      %cond3A_95 = arith.constant 0 : i32
      %cond3A_96 = arith.cmpi ne, %convert_element_type3A_94, %cond3A_95 : i32
      scf.if %cond3A_96 {
        %add3A_115 = arith.constant 1 : i32
        %add3A_116 = arith.addi %add3A_78, %add3A_115 : i32
        %mul3A_117 = arith.constant 32 : i32
        %mul3A_118 = arith.muli %add3A_116, %mul3A_117 : i32
        %add3A_119 = arith.addi %add3A, %mul3A_118 : i32
        %mul3A_120 = arith.constant 64 : i32
        %mul3A_121 = arith.muli %add3A_119, %mul3A_120 : i32
        %dma_wait3A = tpu.memref_slice %arg2[%mul3A_121] : memref<320000xi32, #tpu.memory_space<hbm>> -> memref<64xi32, #tpu.memory_space<hbm>>
        %dma_wait3A_122 = tpu.memref_slice %arg2[%mul3A_121] : memref<320000xi32, #tpu.memory_space<hbm>> -> memref<64xi32, #tpu.memory_space<hbm>>
        tpu.wait_dma2 semaphore(%arg20 : memref<!tpu.dma_semaphore, #tpu.memory_space<semaphore_mem>>) src(%dma_wait3A_122 : memref<64xi32, #tpu.memory_space<hbm>>) dst(%arg9 : memref<64xi32, #tpu.memory_space<vmem>>)
        %dma_wait3A_123 = tpu.memref_slice %arg3[%mul3A_121] : memref<320000xi32, #tpu.memory_space<hbm>> -> memref<64xi32, #tpu.memory_space<hbm>>
        %dma_wait3A_124 = tpu.memref_slice %arg3[%mul3A_121] : memref<320000xi32, #tpu.memory_space<hbm>> -> memref<64xi32, #tpu.memory_space<hbm>>
        tpu.wait_dma2 semaphore(%arg20 : memref<!tpu.dma_semaphore, #tpu.memory_space<semaphore_mem>>) src(%dma_wait3A_124 : memref<64xi32, #tpu.memory_space<hbm>>) dst(%arg11 : memref<64xi32, #tpu.memory_space<vmem>>)
        %dma_start3A = arith.constant 0 : i32
        %dma_start3A_125 = arith.constant 0 : i32
        %dma_start3A_126 = tpu.memref_slice %arg4[%dma_start3A, %dma_start3A_125] : memref<10000x128xf32, #tpu.memory_space<hbm>> -> memref<10000x128xf32, #tpu.memory_space<hbm>>
        tpu.enqueue_indirect_dma source(%dma_start3A_126 : memref<10000x128xf32, #tpu.memory_space<hbm>>) target(%arg13 : memref<64x128xf32, #tpu.memory_space<vmem>>) offsets(%arg9 : memref<64xi32, #tpu.memory_space<vmem>>) semaphore(%arg22 : memref<!tpu.dma_semaphore, #tpu.memory_space<semaphore_mem>>)
      } else {
      }
      %mul3A_97 = arith.constant 32 : i32
      %mul3A_98 = arith.muli %add3A_78, %mul3A_97 : i32
      %add3A_99 = arith.addi %add3A, %mul3A_98 : i32
      %lt3A_100 = arith.constant 5000 : i32
      %lt3A_101 = arith.cmpi slt, %add3A_99, %lt3A_100 : i32
      %convert_element_type3A_102 = arith.extui %lt3A_101 : i1 to i32
      %cond3A_103 = arith.constant 0 : i32
      %cond3A_104 = arith.cmpi ne, %convert_element_type3A_102, %cond3A_103 : i32
      scf.if %cond3A_104 {
        %scan3A_115 = arith.constant 0 : i32
        %scan3A_116 = arith.constant 0 : i32
        %scan3A_117 = arith.constant 4 : i32
        %scan3A_118 = arith.addi %scan3A_116, %scan3A_117 : i32
        %scan3A_119 = arith.constant 1 : i32
        scf.for %scan3A_127 = %scan3A_116 to %scan3A_118 step %scan3A_119  : i32 {
          %mul3A_128 = arith.constant 16 : i32
          %mul3A_129 = arith.muli %mul3A_128, %scan3A_127 : i32
          %add3A_130 = vector.broadcast %mul3A_129 : i32 to vector<16xi32>
          %add3A_131 = arith.addi %add3A_130, %iota3A : vector<16xi32>
          %gather3A = tpu.vector_load_idx %arg10[%add3A_131] : memref<64xi32, #tpu.memory_space<vmem>>[vector<16xi32>], vector<16xi32>,
          %add3A_132 = vector.broadcast %mul3A_129 : i32 to vector<16xi32>
          %add3A_133 = arith.addi %add3A_132, %iota3A : vector<16xi32>
          %gather3A_134 = tpu.vector_load_idx %arg12[%add3A_133] : memref<64xi32, #tpu.memory_space<vmem>>[vector<16xi32>], vector<16xi32>,
          %shift_right_arithmetic3A = arith.constant 7 : i32
          %shift_right_arithmetic3A_135 = vector.broadcast %shift_right_arithmetic3A : i32 to vector<16xi32>
          %shift_right_arithmetic3A_136 = arith.shrsi %gather3A, %shift_right_arithmetic3A_135 : vector<16xi32>
          %and3A = arith.constant 127 : i32
          %and3A_137 = vector.broadcast %and3A : i32 to vector<16xi32>
          %and3A_138 = arith.andi %gather3A, %and3A_137 : vector<16xi32>
          %gather3A_139 = tpu.vector_load_idx %arg15[%shift_right_arithmetic3A_136, %and3A_138] : memref<80x128xf32, #tpu.memory_space<vmem>>[vector<16xi32>, vector<16xi32>], vector<16xf32>,
          %shift_right_arithmetic3A_140 = arith.constant 7 : i32
          %shift_right_arithmetic3A_141 = vector.broadcast %shift_right_arithmetic3A_140 : i32 to vector<16xi32>
          %shift_right_arithmetic3A_142 = arith.shrsi %gather3A_134, %shift_right_arithmetic3A_141 : vector<16xi32>
          %and3A_143 = arith.constant 127 : i32
          %and3A_144 = vector.broadcast %and3A_143 : i32 to vector<16xi32>
          %and3A_145 = arith.andi %gather3A_134, %and3A_144 : vector<16xi32>
          %gather3A_146 = tpu.vector_load_idx %arg16[%shift_right_arithmetic3A_142, %and3A_145] : memref<80x128xf32, #tpu.memory_space<vmem>>[vector<16xi32>, vector<16xi32>], vector<16xf32>,
          %add3A_147 = arith.addf %gather3A_139, %gather3A_146 : vector<16xf32>
          %mul3A_148 = arith.constant 2.000000e-01 : f32
          %mul3A_149 = vector.broadcast %mul3A_148 : f32 to vector<16xf32>
          %mul3A_150 = arith.mulf %mul3A_149, %add3A_147 : vector<16xf32>
          %max3A = arith.maximumf %add3A_147, %mul3A_150 : vector<16xf32>
          %exp3A = math.exp %max3A : vector<16xf32>
          %shift_right_arithmetic3A_151 = arith.constant 7 : i32
          %shift_right_arithmetic3A_152 = vector.broadcast %shift_right_arithmetic3A_151 : i32 to vector<16xi32>
          %shift_right_arithmetic3A_153 = arith.shrsi %gather3A_134, %shift_right_arithmetic3A_152 : vector<16xi32>
          %and3A_154 = arith.constant 127 : i32
          %and3A_155 = vector.broadcast %and3A_154 : i32 to vector<16xi32>
          %and3A_156 = arith.andi %gather3A_134, %and3A_155 : vector<16xi32>
          tpu.vector_store_idx %arg17[%shift_right_arithmetic3A_153, %and3A_156], %exp3A {add = true} : memref<80x128xf32, #tpu.memory_space<vmem>>[vector<16xi32>, vector<16xi32>], vector<16xf32>,
          %swap3A = arith.index_cast %mul3A_129 : i32 to index
          %swap3A_157 = tpu.vector_load %arg18[%swap3A] {strides = array<i32>} : memref<64xf32, #tpu.memory_space<vmem>>, vector<16xf32>,
          tpu.vector_store %arg18[%swap3A], %exp3A {strides = array<i32>} : memref<64xf32, #tpu.memory_space<vmem>>, vector<16xf32>,
        }
        %scan3A_120 = arith.constant 4 : i32
        %scan3A_121 = arith.constant 0 : i32
        %scan3A_122 = arith.constant 0 : i32
        %scan3A_123 = arith.constant 32 : i32
        %scan3A_124 = arith.addi %scan3A_122, %scan3A_123 : i32
        %scan3A_125 = arith.constant 1 : i32
        scf.for %scan3A_127 = %scan3A_122 to %scan3A_124 step %scan3A_125  : i32 {
          %mul3A_128 = arith.constant 2 : i32
          %mul3A_129 = arith.muli %mul3A_128, %scan3A_127 : i32
          %add3A_130 = arith.constant 0 : i32
          %add3A_131 = arith.addi %mul3A_129, %add3A_130 : i32
          %broadcast_in_dim3A = vector.broadcast %add3A_131 : i32 to vector<16xi32>
          %gather3A = tpu.vector_load_idx %arg18[%broadcast_in_dim3A] : memref<64xf32, #tpu.memory_space<vmem>>[vector<16xi32>], vector<16xf32>,
          %get3A = arith.index_cast %add3A_131 : i32 to index
          %get3A_132 = arith.constant 0 : index
          %get3A_133 = tpu.vector_load %arg14[%get3A, %get3A_132] {strides = array<i32>} : memref<64x128xf32, #tpu.memory_space<vmem>>, vector<16xf32>,
          %mul3A_134 = arith.mulf %get3A_133, %gather3A : vector<16xf32>
          %swap3A = arith.index_cast %add3A_131 : i32 to index
          %swap3A_135 = arith.constant 0 : index
          %swap3A_136 = tpu.vector_load %arg14[%swap3A, %swap3A_135] {strides = array<i32>} : memref<64x128xf32, #tpu.memory_space<vmem>>, vector<16xf32>,
          tpu.vector_store %arg14[%swap3A, %swap3A_135], %mul3A_134 {strides = array<i32>} : memref<64x128xf32, #tpu.memory_space<vmem>>, vector<16xf32>,
          %get3A_137 = arith.index_cast %add3A_131 : i32 to index
          %get3A_138 = arith.constant 16 : index
          %get3A_139 = tpu.vector_load %arg14[%get3A_137, %get3A_138] {strides = array<i32>} : memref<64x128xf32, #tpu.memory_space<vmem>>, vector<16xf32>,
          %mul3A_140 = arith.mulf %get3A_139, %gather3A : vector<16xf32>
          %swap3A_141 = arith.index_cast %add3A_131 : i32 to index
          %swap3A_142 = arith.constant 16 : index
          %swap3A_143 = tpu.vector_load %arg14[%swap3A_141, %swap3A_142] {strides = array<i32>} : memref<64x128xf32, #tpu.memory_space<vmem>>, vector<16xf32>,
          tpu.vector_store %arg14[%swap3A_141, %swap3A_142], %mul3A_140 {strides = array<i32>} : memref<64x128xf32, #tpu.memory_space<vmem>>, vector<16xf32>,
          %get3A_144 = arith.index_cast %add3A_131 : i32 to index
          %get3A_145 = arith.constant 32 : index
          %get3A_146 = tpu.vector_load %arg14[%get3A_144, %get3A_145] {strides = array<i32>} : memref<64x128xf32, #tpu.memory_space<vmem>>, vector<16xf32>,
          %mul3A_147 = arith.mulf %get3A_146, %gather3A : vector<16xf32>
          %swap3A_148 = arith.index_cast %add3A_131 : i32 to index
          %swap3A_149 = arith.constant 32 : index
          %swap3A_150 = tpu.vector_load %arg14[%swap3A_148, %swap3A_149] {strides = array<i32>} : memref<64x128xf32, #tpu.memory_space<vmem>>, vector<16xf32>,
          tpu.vector_store %arg14[%swap3A_148, %swap3A_149], %mul3A_147 {strides = array<i32>} : memref<64x128xf32, #tpu.memory_space<vmem>>, vector<16xf32>,
          %get3A_151 = arith.index_cast %add3A_131 : i32 to index
          %get3A_152 = arith.constant 48 : index
          %get3A_153 = tpu.vector_load %arg14[%get3A_151, %get3A_152] {strides = array<i32>} : memref<64x128xf32, #tpu.memory_space<vmem>>, vector<16xf32>,
          %mul3A_154 = arith.mulf %get3A_153, %gather3A : vector<16xf32>
          %swap3A_155 = arith.index_cast %add3A_131 : i32 to index
          %swap3A_156 = arith.constant 48 : index
          %swap3A_157 = tpu.vector_load %arg14[%swap3A_155, %swap3A_156] {strides = array<i32>} : memref<64x128xf32, #tpu.memory_space<vmem>>, vector<16xf32>,
          tpu.vector_store %arg14[%swap3A_155, %swap3A_156], %mul3A_154 {strides = array<i32>} : memref<64x128xf32, #tpu.memory_space<vmem>>, vector<16xf32>,
          %get3A_158 = arith.index_cast %add3A_131 : i32 to index
          %get3A_159 = arith.constant 64 : index
          %get3A_160 = tpu.vector_load %arg14[%get3A_158, %get3A_159] {strides = array<i32>} : memref<64x128xf32, #tpu.memory_space<vmem>>, vector<16xf32>,
          %mul3A_161 = arith.mulf %get3A_160, %gather3A : vector<16xf32>
          %swap3A_162 = arith.index_cast %add3A_131 : i32 to index
          %swap3A_163 = arith.constant 64 : index
          %swap3A_164 = tpu.vector_load %arg14[%swap3A_162, %swap3A_163] {strides = array<i32>} : memref<64x128xf32, #tpu.memory_space<vmem>>, vector<16xf32>,
          tpu.vector_store %arg14[%swap3A_162, %swap3A_163], %mul3A_161 {strides = array<i32>} : memref<64x128xf32, #tpu.memory_space<vmem>>, vector<16xf32>,
          %get3A_165 = arith.index_cast %add3A_131 : i32 to index
          %get3A_166 = arith.constant 80 : index
          %get3A_167 = tpu.vector_load %arg14[%get3A_165, %get3A_166] {strides = array<i32>} : memref<64x128xf32, #tpu.memory_space<vmem>>, vector<16xf32>,
          %mul3A_168 = arith.mulf %get3A_167, %gather3A : vector<16xf32>
          %swap3A_169 = arith.index_cast %add3A_131 : i32 to index
          %swap3A_170 = arith.constant 80 : index
          %swap3A_171 = tpu.vector_load %arg14[%swap3A_169, %swap3A_170] {strides = array<i32>} : memref<64x128xf32, #tpu.memory_space<vmem>>, vector<16xf32>,
          tpu.vector_store %arg14[%swap3A_169, %swap3A_170], %mul3A_168 {strides = array<i32>} : memref<64x128xf32, #tpu.memory_space<vmem>>, vector<16xf32>,
          %get3A_172 = arith.index_cast %add3A_131 : i32 to index
          %get3A_173 = arith.constant 96 : index
          %get3A_174 = tpu.vector_load %arg14[%get3A_172, %get3A_173] {strides = array<i32>} : memref<64x128xf32, #tpu.memory_space<vmem>>, vector<16xf32>,
          %mul3A_175 = arith.mulf %get3A_174, %gather3A : vector<16xf32>
          %swap3A_176 = arith.index_cast %add3A_131 : i32 to index
          %swap3A_177 = arith.constant 96 : index
          %swap3A_178 = tpu.vector_load %arg14[%swap3A_176, %swap3A_177] {strides = array<i32>} : memref<64x128xf32, #tpu.memory_space<vmem>>, vector<16xf32>,
          tpu.vector_store %arg14[%swap3A_176, %swap3A_177], %mul3A_175 {strides = array<i32>} : memref<64x128xf32, #tpu.memory_space<vmem>>, vector<16xf32>,
          %get3A_179 = arith.index_cast %add3A_131 : i32 to index
          %get3A_180 = arith.constant 112 : index
          %get3A_181 = tpu.vector_load %arg14[%get3A_179, %get3A_180] {strides = array<i32>} : memref<64x128xf32, #tpu.memory_space<vmem>>, vector<16xf32>,
          %mul3A_182 = arith.mulf %get3A_181, %gather3A : vector<16xf32>
          %swap3A_183 = arith.index_cast %add3A_131 : i32 to index
          %swap3A_184 = arith.constant 112 : index
          %swap3A_185 = tpu.vector_load %arg14[%swap3A_183, %swap3A_184] {strides = array<i32>} : memref<64x128xf32, #tpu.memory_space<vmem>>, vector<16xf32>,
          tpu.vector_store %arg14[%swap3A_183, %swap3A_184], %mul3A_182 {strides = array<i32>} : memref<64x128xf32, #tpu.memory_space<vmem>>, vector<16xf32>,
          %mul3A_186 = arith.constant 2 : i32
          %mul3A_187 = arith.muli %mul3A_186, %scan3A_127 : i32
          %add3A_188 = arith.constant 1 : i32
          %add3A_189 = arith.addi %mul3A_187, %add3A_188 : i32
          %broadcast_in_dim3A_190 = vector.broadcast %add3A_189 : i32 to vector<16xi32>
          %gather3A_191 = tpu.vector_load_idx %arg18[%broadcast_in_dim3A_190] : memref<64xf32, #tpu.memory_space<vmem>>[vector<16xi32>], vector<16xf32>,
          %get3A_192 = arith.index_cast %add3A_189 : i32 to index
          %get3A_193 = arith.constant 0 : index
          %get3A_194 = tpu.vector_load %arg14[%get3A_192, %get3A_193] {strides = array<i32>} : memref<64x128xf32, #tpu.memory_space<vmem>>, vector<16xf32>,
          %mul3A_195 = arith.mulf %get3A_194, %gather3A_191 : vector<16xf32>
          %swap3A_196 = arith.index_cast %add3A_189 : i32 to index
          %swap3A_197 = arith.constant 0 : index
          %swap3A_198 = tpu.vector_load %arg14[%swap3A_196, %swap3A_197] {strides = array<i32>} : memref<64x128xf32, #tpu.memory_space<vmem>>, vector<16xf32>,
          tpu.vector_store %arg14[%swap3A_196, %swap3A_197], %mul3A_195 {strides = array<i32>} : memref<64x128xf32, #tpu.memory_space<vmem>>, vector<16xf32>,
          %get3A_199 = arith.index_cast %add3A_189 : i32 to index
          %get3A_200 = arith.constant 16 : index
          %get3A_201 = tpu.vector_load %arg14[%get3A_199, %get3A_200] {strides = array<i32>} : memref<64x128xf32, #tpu.memory_space<vmem>>, vector<16xf32>,
          %mul3A_202 = arith.mulf %get3A_201, %gather3A_191 : vector<16xf32>
          %swap3A_203 = arith.index_cast %add3A_189 : i32 to index
          %swap3A_204 = arith.constant 16 : index
          %swap3A_205 = tpu.vector_load %arg14[%swap3A_203, %swap3A_204] {strides = array<i32>} : memref<64x128xf32, #tpu.memory_space<vmem>>, vector<16xf32>,
          tpu.vector_store %arg14[%swap3A_203, %swap3A_204], %mul3A_202 {strides = array<i32>} : memref<64x128xf32, #tpu.memory_space<vmem>>, vector<16xf32>,
          %get3A_206 = arith.index_cast %add3A_189 : i32 to index
          %get3A_207 = arith.constant 32 : index
          %get3A_208 = tpu.vector_load %arg14[%get3A_206, %get3A_207] {strides = array<i32>} : memref<64x128xf32, #tpu.memory_space<vmem>>, vector<16xf32>,
          %mul3A_209 = arith.mulf %get3A_208, %gather3A_191 : vector<16xf32>
          %swap3A_210 = arith.index_cast %add3A_189 : i32 to index
          %swap3A_211 = arith.constant 32 : index
          %swap3A_212 = tpu.vector_load %arg14[%swap3A_210, %swap3A_211] {strides = array<i32>} : memref<64x128xf32, #tpu.memory_space<vmem>>, vector<16xf32>,
          tpu.vector_store %arg14[%swap3A_210, %swap3A_211], %mul3A_209 {strides = array<i32>} : memref<64x128xf32, #tpu.memory_space<vmem>>, vector<16xf32>,
          %get3A_213 = arith.index_cast %add3A_189 : i32 to index
          %get3A_214 = arith.constant 48 : index
          %get3A_215 = tpu.vector_load %arg14[%get3A_213, %get3A_214] {strides = array<i32>} : memref<64x128xf32, #tpu.memory_space<vmem>>, vector<16xf32>,
          %mul3A_216 = arith.mulf %get3A_215, %gather3A_191 : vector<16xf32>
          %swap3A_217 = arith.index_cast %add3A_189 : i32 to index
          %swap3A_218 = arith.constant 48 : index
          %swap3A_219 = tpu.vector_load %arg14[%swap3A_217, %swap3A_218] {strides = array<i32>} : memref<64x128xf32, #tpu.memory_space<vmem>>, vector<16xf32>,
          tpu.vector_store %arg14[%swap3A_217, %swap3A_218], %mul3A_216 {strides = array<i32>} : memref<64x128xf32, #tpu.memory_space<vmem>>, vector<16xf32>,
          %get3A_220 = arith.index_cast %add3A_189 : i32 to index
          %get3A_221 = arith.constant 64 : index
          %get3A_222 = tpu.vector_load %arg14[%get3A_220, %get3A_221] {strides = array<i32>} : memref<64x128xf32, #tpu.memory_space<vmem>>, vector<16xf32>,
          %mul3A_223 = arith.mulf %get3A_222, %gather3A_191 : vector<16xf32>
          %swap3A_224 = arith.index_cast %add3A_189 : i32 to index
          %swap3A_225 = arith.constant 64 : index
          %swap3A_226 = tpu.vector_load %arg14[%swap3A_224, %swap3A_225] {strides = array<i32>} : memref<64x128xf32, #tpu.memory_space<vmem>>, vector<16xf32>,
          tpu.vector_store %arg14[%swap3A_224, %swap3A_225], %mul3A_223 {strides = array<i32>} : memref<64x128xf32, #tpu.memory_space<vmem>>, vector<16xf32>,
          %get3A_227 = arith.index_cast %add3A_189 : i32 to index
          %get3A_228 = arith.constant 80 : index
          %get3A_229 = tpu.vector_load %arg14[%get3A_227, %get3A_228] {strides = array<i32>} : memref<64x128xf32, #tpu.memory_space<vmem>>, vector<16xf32>,
          %mul3A_230 = arith.mulf %get3A_229, %gather3A_191 : vector<16xf32>
          %swap3A_231 = arith.index_cast %add3A_189 : i32 to index
          %swap3A_232 = arith.constant 80 : index
          %swap3A_233 = tpu.vector_load %arg14[%swap3A_231, %swap3A_232] {strides = array<i32>} : memref<64x128xf32, #tpu.memory_space<vmem>>, vector<16xf32>,
          tpu.vector_store %arg14[%swap3A_231, %swap3A_232], %mul3A_230 {strides = array<i32>} : memref<64x128xf32, #tpu.memory_space<vmem>>, vector<16xf32>,
          %get3A_234 = arith.index_cast %add3A_189 : i32 to index
          %get3A_235 = arith.constant 96 : index
          %get3A_236 = tpu.vector_load %arg14[%get3A_234, %get3A_235] {strides = array<i32>} : memref<64x128xf32, #tpu.memory_space<vmem>>, vector<16xf32>,
          %mul3A_237 = arith.mulf %get3A_236, %gather3A_191 : vector<16xf32>
          %swap3A_238 = arith.index_cast %add3A_189 : i32 to index
          %swap3A_239 = arith.constant 96 : index
          %swap3A_240 = tpu.vector_load %arg14[%swap3A_238, %swap3A_239] {strides = array<i32>} : memref<64x128xf32, #tpu.memory_space<vmem>>, vector<16xf32>,
          tpu.vector_store %arg14[%swap3A_238, %swap3A_239], %mul3A_237 {strides = array<i32>} : memref<64x128xf32, #tpu.memory_space<vmem>>, vector<16xf32>,
          %get3A_241 = arith.index_cast %add3A_189 : i32 to index
          %get3A_242 = arith.constant 112 : index
          %get3A_243 = tpu.vector_load %arg14[%get3A_241, %get3A_242] {strides = array<i32>} : memref<64x128xf32, #tpu.memory_space<vmem>>, vector<16xf32>,
          %mul3A_244 = arith.mulf %get3A_243, %gather3A_191 : vector<16xf32>
          %swap3A_245 = arith.index_cast %add3A_189 : i32 to index
          %swap3A_246 = arith.constant 112 : index
          %swap3A_247 = tpu.vector_load %arg14[%swap3A_245, %swap3A_246] {strides = array<i32>} : memref<64x128xf32, #tpu.memory_space<vmem>>, vector<16xf32>,
          tpu.vector_store %arg14[%swap3A_245, %swap3A_246], %mul3A_244 {strides = array<i32>} : memref<64x128xf32, #tpu.memory_space<vmem>>, vector<16xf32>,
        }
        %scan3A_126 = arith.constant 32 : i32
        "tpu.region"() ({
          %run_scoped3A = tpu.sem_alloc : memref<!tpu.dma_semaphore, #tpu.memory_space<semaphore_mem>>
          %dma_start3A = arith.constant 0 : i32
          %dma_start3A_127 = arith.constant 0 : i32
          %dma_start3A_128 = tpu.memref_slice %arg19[%dma_start3A, %dma_start3A_127] : memref<10000x128xf32, #tpu.memory_space<vmem_shared>> -> memref<10000x128xf32, #tpu.memory_space<vmem_shared>>
          tpu.enqueue_indirect_dma source(%arg14 : memref<64x128xf32, #tpu.memory_space<vmem>>) target(%dma_start3A_128 : memref<10000x128xf32, #tpu.memory_space<vmem_shared>>) offsets(%arg12 : memref<64xi32, #tpu.memory_space<vmem>>) semaphore(%run_scoped3A : memref<!tpu.dma_semaphore, #tpu.memory_space<semaphore_mem>>) {add = true}
          %dma_wait3A = arith.constant 0 : i32
          %dma_wait3A_129 = arith.constant 0 : i32
          %dma_wait3A_130 = tpu.memref_slice %arg19[%dma_wait3A, %dma_wait3A_129] : memref<10000x128xf32, #tpu.memory_space<vmem_shared>> -> memref<10000x128xf32, #tpu.memory_space<vmem_shared>>
          tpu.wait_indirect_dma semaphore(%run_scoped3A : memref<!tpu.dma_semaphore, #tpu.memory_space<semaphore_mem>>) src(%arg14 : memref<64x128xf32, #tpu.memory_space<vmem>>) dst(%dma_wait3A_130 : memref<10000x128xf32, #tpu.memory_space<vmem_shared>>)
          tpu.yield
        }) : () -> ()
      } else {
      }
      %add3A_105 = arith.constant 2 : i32
      %add3A_106 = arith.addi %add3A_78, %add3A_105 : i32
      %mul3A_107 = arith.constant 32 : i32
      %mul3A_108 = arith.muli %add3A_106, %mul3A_107 : i32
      %add3A_109 = arith.addi %add3A, %mul3A_108 : i32
      %lt3A_110 = arith.constant 5000 : i32
      %lt3A_111 = arith.cmpi slt, %add3A_109, %lt3A_110 : i32
      %convert_element_type3A_112 = arith.extui %lt3A_111 : i1 to i32
      %cond3A_113 = arith.constant 0 : i32
      %cond3A_114 = arith.cmpi ne, %convert_element_type3A_112, %cond3A_113 : i32
      scf.if %cond3A_114 {
        %add3A_115 = arith.constant 2 : i32
        %add3A_116 = arith.addi %add3A_78, %add3A_115 : i32
        %mul3A_117 = arith.constant 32 : i32
        %mul3A_118 = arith.muli %add3A_116, %mul3A_117 : i32
        %add3A_119 = arith.addi %add3A, %mul3A_118 : i32
        %mul3A_120 = arith.constant 64 : i32
        %mul3A_121 = arith.muli %add3A_119, %mul3A_120 : i32
        %dma_start3A = tpu.memref_slice %arg2[%mul3A_121] : memref<320000xi32, #tpu.memory_space<hbm>> -> memref<64xi32, #tpu.memory_space<hbm>>
        %dma_start3A_122 = tpu.memref_slice %arg2[%mul3A_121] : memref<320000xi32, #tpu.memory_space<hbm>> -> memref<64xi32, #tpu.memory_space<hbm>>
        tpu.enqueue_dma source(%dma_start3A_122 : memref<64xi32, #tpu.memory_space<hbm>>) target(%arg10 : memref<64xi32, #tpu.memory_space<vmem>>) target_semaphore(%arg21 : memref<!tpu.dma_semaphore, #tpu.memory_space<semaphore_mem>>)
        %dma_start3A_123 = tpu.memref_slice %arg3[%mul3A_121] : memref<320000xi32, #tpu.memory_space<hbm>> -> memref<64xi32, #tpu.memory_space<hbm>>
        %dma_start3A_124 = tpu.memref_slice %arg3[%mul3A_121] : memref<320000xi32, #tpu.memory_space<hbm>> -> memref<64xi32, #tpu.memory_space<hbm>>
        tpu.enqueue_dma source(%dma_start3A_124 : memref<64xi32, #tpu.memory_space<hbm>>) target(%arg12 : memref<64xi32, #tpu.memory_space<vmem>>) target_semaphore(%arg21 : memref<!tpu.dma_semaphore, #tpu.memory_space<semaphore_mem>>)
      } else {
      }
    }
    %scan3A_28 = arith.constant 79 : i32
    %barrier3A_29 = arith.constant 0 : index
    tpu.barrier barrier_id(%barrier3A_29)
    %scan3A_30 = arith.constant 0 : i32
    %scan3A_31 = arith.constant 0 : i32
    %scan3A_32 = arith.constant 8 : i32
    %scan3A_33 = arith.addi %scan3A_31, %scan3A_32 : i32
    %scan3A_34 = arith.constant 1 : i32
    scf.for %scan3A_36 = %scan3A_31 to %scan3A_33 step %scan3A_34  : i32 {
      %mul3A_37 = arith.constant 16 : i32
      %mul3A_38 = arith.muli %scan3A_36, %mul3A_37 : i32
      %add3A_39 = arith.addi %arg1, %mul3A_38 : i32
      %lt3A_40 = arith.constant 125 : i32
      %lt3A_41 = arith.cmpi slt, %add3A_39, %lt3A_40 : i32
      %convert_element_type3A_42 = arith.extui %lt3A_41 : i1 to i32
      %cond3A_43 = arith.constant 0 : i32
      %cond3A_44 = arith.cmpi ne, %convert_element_type3A_42, %cond3A_43 : i32
      scf.if %cond3A_44 {
        %mul3A_45 = arith.constant 80 : i32
        %mul3A_46 = arith.muli %add3A_39, %mul3A_45 : i32
        %mul3A_47 = arith.constant 80 : i32
        %mul3A_48 = arith.muli %add3A_39, %mul3A_47 : i32
        "tpu.region"() ({
          %run_scoped3A = tpu.sem_alloc : memref<!tpu.dma_semaphore, #tpu.memory_space<semaphore_mem>>
          %dma_start3A = arith.constant 0 : i32
          %dma_start3A_49 = tpu.memref_slice %arg7[%arg0, %mul3A_48, %dma_start3A] : memref<2x10000x128xf32, #tpu.memory_space<hbm>> -> memref<1x80x128xf32, #tpu.memory_space<hbm>>
          %dma_start3A_50 = tpu.memref_squeeze %dma_start3A_49 : memref<1x80x128xf32, #tpu.memory_space<hbm>> -> memref<80x128xf32, #tpu.memory_space<hbm>>
          %dma_start3A_51 = arith.constant 0 : i32
          %dma_start3A_52 = tpu.memref_slice %arg19[%mul3A_46, %dma_start3A_51] : memref<10000x128xf32, #tpu.memory_space<vmem_shared>> -> memref<80x128xf32, #tpu.memory_space<vmem_shared>>
          tpu.enqueue_dma source(%dma_start3A_52 : memref<80x128xf32, #tpu.memory_space<vmem_shared>>) target(%dma_start3A_50 : memref<80x128xf32, #tpu.memory_space<hbm>>) target_semaphore(%run_scoped3A : memref<!tpu.dma_semaphore, #tpu.memory_space<semaphore_mem>>)
          %dma_wait3A = arith.constant 0 : i32
          %dma_wait3A_53 = tpu.memref_slice %arg7[%arg0, %mul3A_48, %dma_wait3A] : memref<2x10000x128xf32, #tpu.memory_space<hbm>> -> memref<1x80x128xf32, #tpu.memory_space<hbm>>
          %dma_wait3A_54 = tpu.memref_squeeze %dma_wait3A_53 : memref<1x80x128xf32, #tpu.memory_space<hbm>> -> memref<80x128xf32, #tpu.memory_space<hbm>>
          %dma_wait3A_55 = arith.constant 0 : i32
          %dma_wait3A_56 = tpu.memref_slice %arg19[%mul3A_46, %dma_wait3A_55] : memref<10000x128xf32, #tpu.memory_space<vmem_shared>> -> memref<80x128xf32, #tpu.memory_space<vmem_shared>>
          tpu.wait_dma2 semaphore(%run_scoped3A : memref<!tpu.dma_semaphore, #tpu.memory_space<semaphore_mem>>) src(%dma_wait3A_56 : memref<80x128xf32, #tpu.memory_space<vmem_shared>>) dst(%dma_wait3A_54 : memref<80x128xf32, #tpu.memory_space<hbm>>)
          tpu.yield
        }) : () -> ()
      } else {
      }
    }
    %scan3A_35 = arith.constant 8 : i32
    "tpu.region"() ({
      %run_scoped3A = tpu.sem_alloc : memref<!tpu.dma_semaphore, #tpu.memory_space<semaphore_mem>>
      %dma_start3A = arith.constant 0 : i32
      %dma_start3A_36 = arith.constant 0 : i32
      %dma_start3A_37 = tpu.memref_slice %arg8[%add3A, %dma_start3A, %dma_start3A_36] : memref<32x80x128xf32, #tpu.memory_space<hbm>> -> memref<1x80x128xf32, #tpu.memory_space<hbm>>
      %dma_start3A_38 = tpu.memref_squeeze %dma_start3A_37 : memref<1x80x128xf32, #tpu.memory_space<hbm>> -> memref<80x128xf32, #tpu.memory_space<hbm>>
      %dma_start3A_39 = arith.constant 0 : i32
      %dma_start3A_40 = arith.constant 0 : i32
      %dma_start3A_41 = tpu.memref_slice %arg8[%add3A, %dma_start3A_39, %dma_start3A_40] : memref<32x80x128xf32, #tpu.memory_space<hbm>> -> memref<1x80x128xf32, #tpu.memory_space<hbm>>
      %dma_start3A_42 = tpu.memref_squeeze %dma_start3A_41 : memref<1x80x128xf32, #tpu.memory_space<hbm>> -> memref<80x128xf32, #tpu.memory_space<hbm>>
      tpu.enqueue_dma source(%arg17 : memref<80x128xf32, #tpu.memory_space<vmem>>) target(%dma_start3A_42 : memref<80x128xf32, #tpu.memory_space<hbm>>) target_semaphore(%run_scoped3A : memref<!tpu.dma_semaphore, #tpu.memory_space<semaphore_mem>>)
      %dma_wait3A = arith.constant 0 : i32
      %dma_wait3A_43 = arith.constant 0 : i32
      %dma_wait3A_44 = tpu.memref_slice %arg8[%add3A, %dma_wait3A, %dma_wait3A_43] : memref<32x80x128xf32, #tpu.memory_space<hbm>> -> memref<1x80x128xf32, #tpu.memory_space<hbm>>
      %dma_wait3A_45 = tpu.memref_squeeze %dma_wait3A_44 : memref<1x80x128xf32, #tpu.memory_space<hbm>> -> memref<80x128xf32, #tpu.memory_space<hbm>>
      %dma_wait3A_46 = arith.constant 0 : i32
      %dma_wait3A_47 = arith.constant 0 : i32
      %dma_wait3A_48 = tpu.memref_slice %arg8[%add3A, %dma_wait3A_46, %dma_wait3A_47] : memref<32x80x128xf32, #tpu.memory_space<hbm>> -> memref<1x80x128xf32, #tpu.memory_space<hbm>>
      %dma_wait3A_49 = tpu.memref_squeeze %dma_wait3A_48 : memref<1x80x128xf32, #tpu.memory_space<hbm>> -> memref<80x128xf32, #tpu.memory_space<hbm>>
      tpu.wait_dma2 semaphore(%run_scoped3A : memref<!tpu.dma_semaphore, #tpu.memory_space<semaphore_mem>>) src(%arg17 : memref<80x128xf32, #tpu.memory_space<vmem>>) dst(%dma_wait3A_49 : memref<80x128xf32, #tpu.memory_space<hbm>>)
      tpu.yield
    }) : () -> ()
    return
  }
}

#map = affine_map<(d0, d1) -> (0)>
#map1 = affine_map<(d0, d1) -> (0, 0)>
#map2 = affine_map<(d0, d1) -> (0, 0, 0)>
module attributes {stable_mosaic.version = 14 : i64} {
  func.func @body(%arg0: i32, %arg1: i32, %arg2: memref<320000xi32, #tpu.memory_space<hbm>>, %arg3: memref<320000xi32, #tpu.memory_space<hbm>>, %arg4: memref<10000x128xf32, #tpu.memory_space<hbm>>, %arg5: memref<2x10000x128xf32, #tpu.memory_space<hbm>>, %arg6: memref<80xi32, #tpu.memory_space<vmem>>, %arg7: memref<80xi32, #tpu.memory_space<vmem>>, %arg8: memref<80xi32, #tpu.memory_space<vmem>>, %arg9: memref<80xi32, #tpu.memory_space<vmem>>, %arg10: memref<80x128xf32, #tpu.memory_space<vmem>>, %arg11: memref<80x128xf32, #tpu.memory_space<vmem>>, %arg12: memref<80x128xf32, #tpu.memory_space<vmem>>, %arg13: memref<80x128xf32, #tpu.memory_space<vmem>>, %arg14: memref<10000x128xf32, #tpu.memory_space<vmem_shared>>, %arg15: memref<!tpu.dma_semaphore, #tpu.memory_space<semaphore_mem>>, %arg16: memref<!tpu.dma_semaphore, #tpu.memory_space<semaphore_mem>>, %arg17: memref<!tpu.dma_semaphore, #tpu.memory_space<semaphore_mem>>, %arg18: memref<!tpu.dma_semaphore, #tpu.memory_space<semaphore_mem>>, %arg19: memref<!tpu.dma_semaphore, #tpu.memory_space<semaphore_mem>>, %arg20: memref<!tpu.dma_semaphore, #tpu.memory_space<semaphore_mem>>) attributes {dimension_semantics = [#tpu.dimension_semantics<core_parallel>, #tpu.dimension_semantics<subcore_parallel>], iteration_bounds = array<i64: 2, 16>, scalar_prefetch = 0 : i64, scratch_operands = 15 : i64, tpu.core_type = #tpu.core_type<sc_vector_subcore>, window_params = [{transform_indices = #map}, {transform_indices = #map}, {transform_indices = #map1}, {transform_indices = #map2}]} {
    %mul3A = arith.constant 16 : i32
    %mul3A_0 = arith.muli %arg0, %mul3A : i32
    %add3A = arith.addi %mul3A_0, %arg1 : i32
    %iota3A = tpu.iota {dimensions = array<i32: 0>} : vector<16xi32>
    %shift_right_arithmetic3A = arith.constant 3 : i32
    %shift_right_arithmetic3A_1 = vector.broadcast %shift_right_arithmetic3A : i32 to vector<16xi32>
    %shift_right_arithmetic3A_2 = arith.shrsi %iota3A, %shift_right_arithmetic3A_1 : vector<16xi32>
    %and3A = arith.constant 7 : i32
    %and3A_3 = vector.broadcast %and3A : i32 to vector<16xi32>
    %and3A_4 = arith.andi %iota3A, %and3A_3 : vector<16xi32>
    %scan3A = arith.constant 0 : i32
    %scan3A_5 = arith.constant 0 : i32
    %scan3A_6 = arith.constant 640 : i32
    %scan3A_7 = arith.addi %scan3A_5, %scan3A_6 : i32
    %scan3A_8 = arith.constant 1 : i32
    scf.for %scan3A_57 = %scan3A_5 to %scan3A_7 step %scan3A_8  : i32 {
      %broadcast_in_dim3A = arith.constant 0.000000e+00 : f32
      %broadcast_in_dim3A_58 = vector.broadcast %broadcast_in_dim3A : f32 to vector<16xf32>
      %jit3A = arith.constant 8 : i32
      %div3A = arith.divsi %scan3A_57, %jit3A : i32
      %sign3A = arith.constant 0 : i32
      %sign3A_59 = arith.cmpi sgt, %scan3A_57, %sign3A : i32
      %sign3A_60 = arith.extui %sign3A_59 : i1 to i32
      %sign3A_61 = arith.constant 0 : i32
      %sign3A_62 = arith.cmpi slt, %scan3A_57, %sign3A_61 : i32
      %sign3A_63 = arith.extui %sign3A_62 : i1 to i32
      %sign3A_64 = arith.subi %sign3A_60, %sign3A_63 : i32
      %sign3A_65 = arith.constant 0 : i32
      %sign3A_66 = arith.cmpi sgt, %jit3A, %sign3A_65 : i32
      %sign3A_67 = arith.extui %sign3A_66 : i1 to i32
      %sign3A_68 = arith.constant 0 : i32
      %sign3A_69 = arith.cmpi slt, %jit3A, %sign3A_68 : i32
      %sign3A_70 = arith.extui %sign3A_69 : i1 to i32
      %sign3A_71 = arith.subi %sign3A_67, %sign3A_70 : i32
      %ne3A = arith.cmpi ne, %sign3A_64, %sign3A_71 : i32
      %rem3A = arith.remsi %scan3A_57, %jit3A : i32
      %ne3A_72 = arith.constant 0 : i32
      %ne3A_73 = arith.cmpi ne, %rem3A, %ne3A_72 : i32
      %and3A_74 = arith.andi %ne3A, %ne3A_73 : i1
      %sub3A = arith.constant 1 : i32
      %sub3A_75 = arith.subi %div3A, %sub3A : i32
      %select_n3A = arith.select %and3A_74, %sub3A_75, %div3A : i32
      %jit3A_76 = arith.constant 8 : i32
      %eq3A = arith.constant 0 : i32
      %eq3A_77 = arith.cmpi eq, %jit3A_76, %eq3A : i32
      %jit3A_78 = arith.constant 1 : i32
      %select_n3A_79 = arith.select %eq3A_77, %jit3A_78, %jit3A_76 : i32
      %rem3A_80 = arith.remsi %scan3A_57, %select_n3A_79 : i32
      %ne3A_81 = arith.constant 0 : i32
      %ne3A_82 = arith.cmpi ne, %rem3A_80, %ne3A_81 : i32
      %lt3A = arith.constant 0 : i32
      %lt3A_83 = arith.cmpi slt, %rem3A_80, %lt3A : i32
      %lt3A_84 = arith.constant 0 : i32
      %lt3A_85 = arith.cmpi slt, %select_n3A_79, %lt3A_84 : i32
      %ne3A_86 = arith.xori %lt3A_83, %lt3A_85 : i1
      %and3A_87 = arith.andi %ne3A_86, %ne3A_82 : i1
      %add3A_88 = arith.addi %rem3A_80, %select_n3A_79 : i32
      %select_n3A_89 = arith.select %and3A_87, %add3A_88, %rem3A_80 : i32
      %mul3A_90 = arith.constant 16 : i32
      %mul3A_91 = arith.muli %select_n3A_89, %mul3A_90 : i32
      %swap3A = arith.index_cast %select_n3A : i32 to index
      %swap3A_92 = arith.index_cast %mul3A_91 : i32 to index
      %swap3A_93 = tpu.vector_load %arg10[%swap3A, %swap3A_92] {strides = array<i32>} : memref<80x128xf32, #tpu.memory_space<vmem>>, vector<16xf32>,
      tpu.vector_store %arg10[%swap3A, %swap3A_92], %broadcast_in_dim3A_58 {strides = array<i32>} : memref<80x128xf32, #tpu.memory_space<vmem>>, vector<16xf32>,
    }
    %scan3A_9 = arith.constant 640 : i32
    %scan3A_10 = arith.constant 0 : i32
    %scan3A_11 = arith.constant 0 : i32
    %scan3A_12 = arith.constant 8 : i32
    %scan3A_13 = arith.addi %scan3A_11, %scan3A_12 : i32
    %scan3A_14 = arith.constant 1 : i32
    scf.for %scan3A_57 = %scan3A_11 to %scan3A_13 step %scan3A_14  : i32 {
      %mul3A_58 = arith.constant 16 : i32
      %mul3A_59 = arith.muli %scan3A_57, %mul3A_58 : i32
      %add3A_60 = arith.addi %arg1, %mul3A_59 : i32
      %lt3A = arith.constant 125 : i32
      %lt3A_61 = arith.cmpi slt, %add3A_60, %lt3A : i32
      %convert_element_type3A = arith.extui %lt3A_61 : i1 to i32
      %cond3A = arith.constant 0 : i32
      %cond3A_62 = arith.cmpi ne, %convert_element_type3A, %cond3A : i32
      scf.if %cond3A_62 {
        %mul3A_63 = arith.constant 80 : i32
        %mul3A_64 = arith.muli %add3A_60, %mul3A_63 : i32
        "tpu.region"() ({
          %run_scoped3A = tpu.sem_alloc : memref<!tpu.dma_semaphore, #tpu.memory_space<semaphore_mem>>
          %dma_start3A_65 = arith.constant 0 : i32
          %dma_start3A_66 = tpu.memref_slice %arg14[%mul3A_64, %dma_start3A_65] : memref<10000x128xf32, #tpu.memory_space<vmem_shared>> -> memref<80x128xf32, #tpu.memory_space<vmem_shared>>
          %dma_start3A_67 = arith.constant 0 : i32
          %dma_start3A_68 = tpu.memref_slice %arg14[%mul3A_64, %dma_start3A_67] : memref<10000x128xf32, #tpu.memory_space<vmem_shared>> -> memref<80x128xf32, #tpu.memory_space<vmem_shared>>
          tpu.enqueue_dma source(%arg10 : memref<80x128xf32, #tpu.memory_space<vmem>>) target(%dma_start3A_68 : memref<80x128xf32, #tpu.memory_space<vmem_shared>>) target_semaphore(%run_scoped3A : memref<!tpu.dma_semaphore, #tpu.memory_space<semaphore_mem>>)
          %dma_wait3A_69 = arith.constant 0 : i32
          %dma_wait3A_70 = tpu.memref_slice %arg14[%mul3A_64, %dma_wait3A_69] : memref<10000x128xf32, #tpu.memory_space<vmem_shared>> -> memref<80x128xf32, #tpu.memory_space<vmem_shared>>
          %dma_wait3A_71 = arith.constant 0 : i32
          %dma_wait3A_72 = tpu.memref_slice %arg14[%mul3A_64, %dma_wait3A_71] : memref<10000x128xf32, #tpu.memory_space<vmem_shared>> -> memref<80x128xf32, #tpu.memory_space<vmem_shared>>
          tpu.wait_dma2 semaphore(%run_scoped3A : memref<!tpu.dma_semaphore, #tpu.memory_space<semaphore_mem>>) src(%arg10 : memref<80x128xf32, #tpu.memory_space<vmem>>) dst(%dma_wait3A_72 : memref<80x128xf32, #tpu.memory_space<vmem_shared>>)
          tpu.yield
        }) : () -> ()
      } else {
      }
    }
    %scan3A_15 = arith.constant 8 : i32
    %add3A_16 = arith.constant 0 : i32
    %add3A_17 = arith.addi %add3A, %add3A_16 : i32
    %mul3A_18 = arith.constant 80 : i32
    %mul3A_19 = arith.muli %add3A_17, %mul3A_18 : i32
    %dma_start3A = tpu.memref_slice %arg2[%mul3A_19] : memref<320000xi32, #tpu.memory_space<hbm>> -> memref<80xi32, #tpu.memory_space<hbm>>
    %dma_start3A_20 = tpu.memref_slice %arg2[%mul3A_19] : memref<320000xi32, #tpu.memory_space<hbm>> -> memref<80xi32, #tpu.memory_space<hbm>>
    tpu.enqueue_dma source(%dma_start3A_20 : memref<80xi32, #tpu.memory_space<hbm>>) target(%arg6 : memref<80xi32, #tpu.memory_space<vmem>>) target_semaphore(%arg15 : memref<!tpu.dma_semaphore, #tpu.memory_space<semaphore_mem>>)
    %dma_start3A_21 = tpu.memref_slice %arg3[%mul3A_19] : memref<320000xi32, #tpu.memory_space<hbm>> -> memref<80xi32, #tpu.memory_space<hbm>>
    %dma_start3A_22 = tpu.memref_slice %arg3[%mul3A_19] : memref<320000xi32, #tpu.memory_space<hbm>> -> memref<80xi32, #tpu.memory_space<hbm>>
    tpu.enqueue_dma source(%dma_start3A_22 : memref<80xi32, #tpu.memory_space<hbm>>) target(%arg8 : memref<80xi32, #tpu.memory_space<vmem>>) target_semaphore(%arg15 : memref<!tpu.dma_semaphore, #tpu.memory_space<semaphore_mem>>)
    %add3A_23 = arith.constant 0 : i32
    %add3A_24 = arith.addi %add3A, %add3A_23 : i32
    %mul3A_25 = arith.constant 80 : i32
    %mul3A_26 = arith.muli %add3A_24, %mul3A_25 : i32
    %dma_wait3A = tpu.memref_slice %arg2[%mul3A_26] : memref<320000xi32, #tpu.memory_space<hbm>> -> memref<80xi32, #tpu.memory_space<hbm>>
    %dma_wait3A_27 = tpu.memref_slice %arg2[%mul3A_26] : memref<320000xi32, #tpu.memory_space<hbm>> -> memref<80xi32, #tpu.memory_space<hbm>>
    tpu.wait_dma2 semaphore(%arg15 : memref<!tpu.dma_semaphore, #tpu.memory_space<semaphore_mem>>) src(%dma_wait3A_27 : memref<80xi32, #tpu.memory_space<hbm>>) dst(%arg6 : memref<80xi32, #tpu.memory_space<vmem>>)
    %dma_wait3A_28 = tpu.memref_slice %arg3[%mul3A_26] : memref<320000xi32, #tpu.memory_space<hbm>> -> memref<80xi32, #tpu.memory_space<hbm>>
    %dma_wait3A_29 = tpu.memref_slice %arg3[%mul3A_26] : memref<320000xi32, #tpu.memory_space<hbm>> -> memref<80xi32, #tpu.memory_space<hbm>>
    tpu.wait_dma2 semaphore(%arg15 : memref<!tpu.dma_semaphore, #tpu.memory_space<semaphore_mem>>) src(%dma_wait3A_29 : memref<80xi32, #tpu.memory_space<hbm>>) dst(%arg8 : memref<80xi32, #tpu.memory_space<vmem>>)
    %dma_start3A_30 = arith.constant 0 : i32
    %dma_start3A_31 = arith.constant 0 : i32
    %dma_start3A_32 = tpu.memref_slice %arg4[%dma_start3A_30, %dma_start3A_31] : memref<10000x128xf32, #tpu.memory_space<hbm>> -> memref<10000x128xf32, #tpu.memory_space<hbm>>
    tpu.enqueue_indirect_dma source(%dma_start3A_32 : memref<10000x128xf32, #tpu.memory_space<hbm>>) target(%arg10 : memref<80x128xf32, #tpu.memory_space<vmem>>) offsets(%arg6 : memref<80xi32, #tpu.memory_space<vmem>>) semaphore(%arg17 : memref<!tpu.dma_semaphore, #tpu.memory_space<semaphore_mem>>)
    %dma_start3A_33 = arith.constant 0 : i32
    %dma_start3A_34 = arith.constant 0 : i32
    %dma_start3A_35 = tpu.memref_slice %arg4[%dma_start3A_33, %dma_start3A_34] : memref<10000x128xf32, #tpu.memory_space<hbm>> -> memref<10000x128xf32, #tpu.memory_space<hbm>>
    tpu.enqueue_indirect_dma source(%dma_start3A_35 : memref<10000x128xf32, #tpu.memory_space<hbm>>) target(%arg12 : memref<80x128xf32, #tpu.memory_space<vmem>>) offsets(%arg8 : memref<80xi32, #tpu.memory_space<vmem>>) semaphore(%arg19 : memref<!tpu.dma_semaphore, #tpu.memory_space<semaphore_mem>>)
    %add3A_36 = arith.constant 32 : i32
    %add3A_37 = arith.addi %add3A, %add3A_36 : i32
    %mul3A_38 = arith.constant 80 : i32
    %mul3A_39 = arith.muli %add3A_37, %mul3A_38 : i32
    %dma_start3A_40 = tpu.memref_slice %arg2[%mul3A_39] : memref<320000xi32, #tpu.memory_space<hbm>> -> memref<80xi32, #tpu.memory_space<hbm>>
    %dma_start3A_41 = tpu.memref_slice %arg2[%mul3A_39] : memref<320000xi32, #tpu.memory_space<hbm>> -> memref<80xi32, #tpu.memory_space<hbm>>
    tpu.enqueue_dma source(%dma_start3A_41 : memref<80xi32, #tpu.memory_space<hbm>>) target(%arg7 : memref<80xi32, #tpu.memory_space<vmem>>) target_semaphore(%arg16 : memref<!tpu.dma_semaphore, #tpu.memory_space<semaphore_mem>>)
    %dma_start3A_42 = tpu.memref_slice %arg3[%mul3A_39] : memref<320000xi32, #tpu.memory_space<hbm>> -> memref<80xi32, #tpu.memory_space<hbm>>
    %dma_start3A_43 = tpu.memref_slice %arg3[%mul3A_39] : memref<320000xi32, #tpu.memory_space<hbm>> -> memref<80xi32, #tpu.memory_space<hbm>>
    tpu.enqueue_dma source(%dma_start3A_43 : memref<80xi32, #tpu.memory_space<hbm>>) target(%arg9 : memref<80xi32, #tpu.memory_space<vmem>>) target_semaphore(%arg16 : memref<!tpu.dma_semaphore, #tpu.memory_space<semaphore_mem>>)
    %barrier3A = arith.constant 0 : index
    tpu.barrier barrier_id(%barrier3A)
    %scan3A_44 = arith.constant 0 : i32
    %scan3A_45 = arith.constant 0 : i32
    %scan3A_46 = arith.constant 63 : i32
    %scan3A_47 = arith.addi %scan3A_45, %scan3A_46 : i32
    %scan3A_48 = arith.constant 1 : i32
    scf.for %scan3A_57 = %scan3A_45 to %scan3A_47 step %scan3A_48  : i32 {
      %mul3A_58 = arith.constant 2 : i32
      %mul3A_59 = arith.muli %mul3A_58, %scan3A_57 : i32
      %lt3A = arith.constant 125 : i32
      %lt3A_60 = arith.cmpi slt, %mul3A_59, %lt3A : i32
      %convert_element_type3A = arith.extui %lt3A_60 : i1 to i32
      %cond3A = arith.constant 0 : i32
      %cond3A_61 = arith.cmpi ne, %convert_element_type3A, %cond3A : i32
      scf.if %cond3A_61 {
        %dma_wait3A_109 = arith.constant 0 : i32
        %dma_wait3A_110 = arith.constant 0 : i32
        %dma_wait3A_111 = tpu.memref_slice %arg4[%dma_wait3A_109, %dma_wait3A_110] : memref<10000x128xf32, #tpu.memory_space<hbm>> -> memref<10000x128xf32, #tpu.memory_space<hbm>>
        tpu.wait_indirect_dma semaphore(%arg17 : memref<!tpu.dma_semaphore, #tpu.memory_space<semaphore_mem>>) src(%dma_wait3A_111 : memref<10000x128xf32, #tpu.memory_space<hbm>>) dst(%arg10 : memref<80x128xf32, #tpu.memory_space<vmem>>)
        %dma_wait3A_112 = arith.constant 0 : i32
        %dma_wait3A_113 = arith.constant 0 : i32
        %dma_wait3A_114 = tpu.memref_slice %arg4[%dma_wait3A_112, %dma_wait3A_113] : memref<10000x128xf32, #tpu.memory_space<hbm>> -> memref<10000x128xf32, #tpu.memory_space<hbm>>
        tpu.wait_indirect_dma semaphore(%arg19 : memref<!tpu.dma_semaphore, #tpu.memory_space<semaphore_mem>>) src(%dma_wait3A_114 : memref<10000x128xf32, #tpu.memory_space<hbm>>) dst(%arg12 : memref<80x128xf32, #tpu.memory_space<vmem>>)
      } else {
      }
      %add3A_62 = arith.constant 1 : i32
      %add3A_63 = arith.addi %mul3A_59, %add3A_62 : i32
      %lt3A_64 = arith.constant 125 : i32
      %lt3A_65 = arith.cmpi slt, %add3A_63, %lt3A_64 : i32
      %convert_element_type3A_66 = arith.extui %lt3A_65 : i1 to i32
      %cond3A_67 = arith.constant 0 : i32
      %cond3A_68 = arith.cmpi ne, %convert_element_type3A_66, %cond3A_67 : i32
      scf.if %cond3A_68 {
        %add3A_109 = arith.constant 1 : i32
        %add3A_110 = arith.addi %mul3A_59, %add3A_109 : i32
        %mul3A_111 = arith.constant 32 : i32
        %mul3A_112 = arith.muli %add3A_110, %mul3A_111 : i32
        %add3A_113 = arith.addi %add3A, %mul3A_112 : i32
        %mul3A_114 = arith.constant 80 : i32
        %mul3A_115 = arith.muli %add3A_113, %mul3A_114 : i32
        %dma_wait3A_116 = tpu.memref_slice %arg2[%mul3A_115] : memref<320000xi32, #tpu.memory_space<hbm>> -> memref<80xi32, #tpu.memory_space<hbm>>
        %dma_wait3A_117 = tpu.memref_slice %arg2[%mul3A_115] : memref<320000xi32, #tpu.memory_space<hbm>> -> memref<80xi32, #tpu.memory_space<hbm>>
        tpu.wait_dma2 semaphore(%arg16 : memref<!tpu.dma_semaphore, #tpu.memory_space<semaphore_mem>>) src(%dma_wait3A_117 : memref<80xi32, #tpu.memory_space<hbm>>) dst(%arg7 : memref<80xi32, #tpu.memory_space<vmem>>)
        %dma_wait3A_118 = tpu.memref_slice %arg3[%mul3A_115] : memref<320000xi32, #tpu.memory_space<hbm>> -> memref<80xi32, #tpu.memory_space<hbm>>
        %dma_wait3A_119 = tpu.memref_slice %arg3[%mul3A_115] : memref<320000xi32, #tpu.memory_space<hbm>> -> memref<80xi32, #tpu.memory_space<hbm>>
        tpu.wait_dma2 semaphore(%arg16 : memref<!tpu.dma_semaphore, #tpu.memory_space<semaphore_mem>>) src(%dma_wait3A_119 : memref<80xi32, #tpu.memory_space<hbm>>) dst(%arg9 : memref<80xi32, #tpu.memory_space<vmem>>)
        %dma_start3A_120 = arith.constant 0 : i32
        %dma_start3A_121 = arith.constant 0 : i32
        %dma_start3A_122 = tpu.memref_slice %arg4[%dma_start3A_120, %dma_start3A_121] : memref<10000x128xf32, #tpu.memory_space<hbm>> -> memref<10000x128xf32, #tpu.memory_space<hbm>>
        tpu.enqueue_indirect_dma source(%dma_start3A_122 : memref<10000x128xf32, #tpu.memory_space<hbm>>) target(%arg11 : memref<80x128xf32, #tpu.memory_space<vmem>>) offsets(%arg7 : memref<80xi32, #tpu.memory_space<vmem>>) semaphore(%arg18 : memref<!tpu.dma_semaphore, #tpu.memory_space<semaphore_mem>>)
        %dma_start3A_123 = arith.constant 0 : i32
        %dma_start3A_124 = arith.constant 0 : i32
        %dma_start3A_125 = tpu.memref_slice %arg4[%dma_start3A_123, %dma_start3A_124] : memref<10000x128xf32, #tpu.memory_space<hbm>> -> memref<10000x128xf32, #tpu.memory_space<hbm>>
        tpu.enqueue_indirect_dma source(%dma_start3A_125 : memref<10000x128xf32, #tpu.memory_space<hbm>>) target(%arg13 : memref<80x128xf32, #tpu.memory_space<vmem>>) offsets(%arg9 : memref<80xi32, #tpu.memory_space<vmem>>) semaphore(%arg20 : memref<!tpu.dma_semaphore, #tpu.memory_space<semaphore_mem>>)
      } else {
      }
      %lt3A_69 = arith.constant 125 : i32
      %lt3A_70 = arith.cmpi slt, %mul3A_59, %lt3A_69 : i32
      %convert_element_type3A_71 = arith.extui %lt3A_70 : i1 to i32
      %cond3A_72 = arith.constant 0 : i32
      %cond3A_73 = arith.cmpi ne, %convert_element_type3A_71, %cond3A_72 : i32
      scf.if %cond3A_73 {
        %scan3A_109 = arith.constant 0 : i32
        %scan3A_110 = arith.constant 0 : i32
        %scan3A_111 = arith.constant 20 : i32
        %scan3A_112 = arith.addi %scan3A_110, %scan3A_111 : i32
        %scan3A_113 = arith.constant 1 : i32
        scf.for %scan3A_121 = %scan3A_110 to %scan3A_112 step %scan3A_113  : i32 {
          %mul3A_122 = arith.constant 4 : i32
          %mul3A_123 = arith.muli %mul3A_122, %scan3A_121 : i32
          %add3A_124 = arith.constant 0 : i32
          %add3A_125 = arith.addi %mul3A_123, %add3A_124 : i32
          %add3A_126 = vector.broadcast %add3A_125 : i32 to vector<16xi32>
          %add3A_127 = arith.addi %add3A_126, %shift_right_arithmetic3A_2 : vector<16xi32>
          %add3A_128 = arith.constant 64 : i32
          %add3A_129 = vector.broadcast %add3A_128 : i32 to vector<16xi32>
          %add3A_130 = arith.addi %add3A_129, %and3A_4 : vector<16xi32>
          %gather3A = tpu.vector_load_idx %arg10[%add3A_127, %add3A_130] : memref<80x128xf32, #tpu.memory_space<vmem>>[vector<16xi32>, vector<16xi32>], vector<16xf32>,
          %add3A_131 = vector.broadcast %add3A_125 : i32 to vector<16xi32>
          %add3A_132 = arith.addi %add3A_131, %shift_right_arithmetic3A_2 : vector<16xi32>
          %add3A_133 = arith.constant 72 : i32
          %add3A_134 = vector.broadcast %add3A_133 : i32 to vector<16xi32>
          %add3A_135 = arith.addi %add3A_134, %and3A_4 : vector<16xi32>
          %gather3A_136 = tpu.vector_load_idx %arg12[%add3A_132, %add3A_135] : memref<80x128xf32, #tpu.memory_space<vmem>>[vector<16xi32>, vector<16xi32>], vector<16xf32>,
          %add3A_137 = arith.addf %gather3A, %gather3A_136 : vector<16xf32>
          %mul3A_138 = arith.constant 2.000000e-01 : f32
          %mul3A_139 = vector.broadcast %mul3A_138 : f32 to vector<16xf32>
          %mul3A_140 = arith.mulf %mul3A_139, %add3A_137 : vector<16xf32>
          %max3A = arith.maximumf %add3A_137, %mul3A_140 : vector<16xf32>
          %exp3A = math.exp %max3A : vector<16xf32>
          %add3A_141 = vector.broadcast %add3A_125 : i32 to vector<16xi32>
          %add3A_142 = arith.addi %add3A_141, %shift_right_arithmetic3A_2 : vector<16xi32>
          %add3A_143 = arith.constant 64 : i32
          %add3A_144 = vector.broadcast %add3A_143 : i32 to vector<16xi32>
          %add3A_145 = arith.addi %add3A_144, %and3A_4 : vector<16xi32>
          tpu.vector_store_idx %arg10[%add3A_142, %add3A_145], %exp3A : memref<80x128xf32, #tpu.memory_space<vmem>>[vector<16xi32>, vector<16xi32>], vector<16xf32>,
          %mul3A_146 = arith.constant 4 : i32
          %mul3A_147 = arith.muli %mul3A_146, %scan3A_121 : i32
          %add3A_148 = arith.constant 2 : i32
          %add3A_149 = arith.addi %mul3A_147, %add3A_148 : i32
          %add3A_150 = vector.broadcast %add3A_149 : i32 to vector<16xi32>
          %add3A_151 = arith.addi %add3A_150, %shift_right_arithmetic3A_2 : vector<16xi32>
          %add3A_152 = arith.constant 64 : i32
          %add3A_153 = vector.broadcast %add3A_152 : i32 to vector<16xi32>
          %add3A_154 = arith.addi %add3A_153, %and3A_4 : vector<16xi32>
          %gather3A_155 = tpu.vector_load_idx %arg10[%add3A_151, %add3A_154] : memref<80x128xf32, #tpu.memory_space<vmem>>[vector<16xi32>, vector<16xi32>], vector<16xf32>,
          %add3A_156 = vector.broadcast %add3A_149 : i32 to vector<16xi32>
          %add3A_157 = arith.addi %add3A_156, %shift_right_arithmetic3A_2 : vector<16xi32>
          %add3A_158 = arith.constant 72 : i32
          %add3A_159 = vector.broadcast %add3A_158 : i32 to vector<16xi32>
          %add3A_160 = arith.addi %add3A_159, %and3A_4 : vector<16xi32>
          %gather3A_161 = tpu.vector_load_idx %arg12[%add3A_157, %add3A_160] : memref<80x128xf32, #tpu.memory_space<vmem>>[vector<16xi32>, vector<16xi32>], vector<16xf32>,
          %add3A_162 = arith.addf %gather3A_155, %gather3A_161 : vector<16xf32>
          %mul3A_163 = arith.constant 2.000000e-01 : f32
          %mul3A_164 = vector.broadcast %mul3A_163 : f32 to vector<16xf32>
          %mul3A_165 = arith.mulf %mul3A_164, %add3A_162 : vector<16xf32>
          %max3A_166 = arith.maximumf %add3A_162, %mul3A_165 : vector<16xf32>
          %exp3A_167 = math.exp %max3A_166 : vector<16xf32>
          %add3A_168 = vector.broadcast %add3A_149 : i32 to vector<16xi32>
          %add3A_169 = arith.addi %add3A_168, %shift_right_arithmetic3A_2 : vector<16xi32>
          %add3A_170 = arith.constant 64 : i32
          %add3A_171 = vector.broadcast %add3A_170 : i32 to vector<16xi32>
          %add3A_172 = arith.addi %add3A_171, %and3A_4 : vector<16xi32>
          tpu.vector_store_idx %arg10[%add3A_169, %add3A_172], %exp3A_167 : memref<80x128xf32, #tpu.memory_space<vmem>>[vector<16xi32>, vector<16xi32>], vector<16xf32>,
        }
        %scan3A_114 = arith.constant 20 : i32
        %scan3A_115 = arith.constant 0 : i32
        %scan3A_116 = arith.constant 0 : i32
        %scan3A_117 = arith.constant 40 : i32
        %scan3A_118 = arith.addi %scan3A_116, %scan3A_117 : i32
        %scan3A_119 = arith.constant 1 : i32
        scf.for %scan3A_121 = %scan3A_116 to %scan3A_118 step %scan3A_119  : i32 {
          %mul3A_122 = arith.constant 2 : i32
          %mul3A_123 = arith.muli %mul3A_122, %scan3A_121 : i32
          %add3A_124 = arith.constant 0 : i32
          %add3A_125 = arith.addi %mul3A_123, %add3A_124 : i32
          %broadcast_in_dim3A = vector.broadcast %add3A_125 : i32 to vector<16xi32>
          %add3A_126 = arith.constant 64 : i32
          %add3A_127 = vector.broadcast %add3A_126 : i32 to vector<16xi32>
          %add3A_128 = arith.addi %add3A_127, %shift_right_arithmetic3A_2 : vector<16xi32>
          %gather3A = tpu.vector_load_idx %arg10[%broadcast_in_dim3A, %add3A_128] : memref<80x128xf32, #tpu.memory_space<vmem>>[vector<16xi32>, vector<16xi32>], vector<16xf32>,
          %get3A = arith.index_cast %add3A_125 : i32 to index
          %get3A_129 = arith.constant 0 : index
          %get3A_130 = tpu.vector_load %arg10[%get3A, %get3A_129] {strides = array<i32>} : memref<80x128xf32, #tpu.memory_space<vmem>>, vector<16xf32>,
          %mul3A_131 = arith.mulf %get3A_130, %gather3A : vector<16xf32>
          %swap3A = arith.index_cast %add3A_125 : i32 to index
          %swap3A_132 = arith.constant 0 : index
          %swap3A_133 = tpu.vector_load %arg10[%swap3A, %swap3A_132] {strides = array<i32>} : memref<80x128xf32, #tpu.memory_space<vmem>>, vector<16xf32>,
          tpu.vector_store %arg10[%swap3A, %swap3A_132], %mul3A_131 {strides = array<i32>} : memref<80x128xf32, #tpu.memory_space<vmem>>, vector<16xf32>,
          %add3A_134 = arith.constant 66 : i32
          %add3A_135 = vector.broadcast %add3A_134 : i32 to vector<16xi32>
          %add3A_136 = arith.addi %add3A_135, %shift_right_arithmetic3A_2 : vector<16xi32>
          %gather3A_137 = tpu.vector_load_idx %arg10[%broadcast_in_dim3A, %add3A_136] : memref<80x128xf32, #tpu.memory_space<vmem>>[vector<16xi32>, vector<16xi32>], vector<16xf32>,
          %get3A_138 = arith.index_cast %add3A_125 : i32 to index
          %get3A_139 = arith.constant 16 : index
          %get3A_140 = tpu.vector_load %arg10[%get3A_138, %get3A_139] {strides = array<i32>} : memref<80x128xf32, #tpu.memory_space<vmem>>, vector<16xf32>,
          %mul3A_141 = arith.mulf %get3A_140, %gather3A_137 : vector<16xf32>
          %swap3A_142 = arith.index_cast %add3A_125 : i32 to index
          %swap3A_143 = arith.constant 16 : index
          %swap3A_144 = tpu.vector_load %arg10[%swap3A_142, %swap3A_143] {strides = array<i32>} : memref<80x128xf32, #tpu.memory_space<vmem>>, vector<16xf32>,
          tpu.vector_store %arg10[%swap3A_142, %swap3A_143], %mul3A_141 {strides = array<i32>} : memref<80x128xf32, #tpu.memory_space<vmem>>, vector<16xf32>,
          %add3A_145 = arith.constant 68 : i32
          %add3A_146 = vector.broadcast %add3A_145 : i32 to vector<16xi32>
          %add3A_147 = arith.addi %add3A_146, %shift_right_arithmetic3A_2 : vector<16xi32>
          %gather3A_148 = tpu.vector_load_idx %arg10[%broadcast_in_dim3A, %add3A_147] : memref<80x128xf32, #tpu.memory_space<vmem>>[vector<16xi32>, vector<16xi32>], vector<16xf32>,
          %get3A_149 = arith.index_cast %add3A_125 : i32 to index
          %get3A_150 = arith.constant 32 : index
          %get3A_151 = tpu.vector_load %arg10[%get3A_149, %get3A_150] {strides = array<i32>} : memref<80x128xf32, #tpu.memory_space<vmem>>, vector<16xf32>,
          %mul3A_152 = arith.mulf %get3A_151, %gather3A_148 : vector<16xf32>
          %swap3A_153 = arith.index_cast %add3A_125 : i32 to index
          %swap3A_154 = arith.constant 32 : index
          %swap3A_155 = tpu.vector_load %arg10[%swap3A_153, %swap3A_154] {strides = array<i32>} : memref<80x128xf32, #tpu.memory_space<vmem>>, vector<16xf32>,
          tpu.vector_store %arg10[%swap3A_153, %swap3A_154], %mul3A_152 {strides = array<i32>} : memref<80x128xf32, #tpu.memory_space<vmem>>, vector<16xf32>,
          %add3A_156 = arith.constant 70 : i32
          %add3A_157 = vector.broadcast %add3A_156 : i32 to vector<16xi32>
          %add3A_158 = arith.addi %add3A_157, %shift_right_arithmetic3A_2 : vector<16xi32>
          %gather3A_159 = tpu.vector_load_idx %arg10[%broadcast_in_dim3A, %add3A_158] : memref<80x128xf32, #tpu.memory_space<vmem>>[vector<16xi32>, vector<16xi32>], vector<16xf32>,
          %get3A_160 = arith.index_cast %add3A_125 : i32 to index
          %get3A_161 = arith.constant 48 : index
          %get3A_162 = tpu.vector_load %arg10[%get3A_160, %get3A_161] {strides = array<i32>} : memref<80x128xf32, #tpu.memory_space<vmem>>, vector<16xf32>,
          %mul3A_163 = arith.mulf %get3A_162, %gather3A_159 : vector<16xf32>
          %swap3A_164 = arith.index_cast %add3A_125 : i32 to index
          %swap3A_165 = arith.constant 48 : index
          %swap3A_166 = tpu.vector_load %arg10[%swap3A_164, %swap3A_165] {strides = array<i32>} : memref<80x128xf32, #tpu.memory_space<vmem>>, vector<16xf32>,
          tpu.vector_store %arg10[%swap3A_164, %swap3A_165], %mul3A_163 {strides = array<i32>} : memref<80x128xf32, #tpu.memory_space<vmem>>, vector<16xf32>,
          %mul3A_167 = arith.constant 2 : i32
          %mul3A_168 = arith.muli %mul3A_167, %scan3A_121 : i32
          %add3A_169 = arith.constant 1 : i32
          %add3A_170 = arith.addi %mul3A_168, %add3A_169 : i32
          %broadcast_in_dim3A_171 = vector.broadcast %add3A_170 : i32 to vector<16xi32>
          %add3A_172 = arith.constant 64 : i32
          %add3A_173 = vector.broadcast %add3A_172 : i32 to vector<16xi32>
          %add3A_174 = arith.addi %add3A_173, %shift_right_arithmetic3A_2 : vector<16xi32>
          %gather3A_175 = tpu.vector_load_idx %arg10[%broadcast_in_dim3A_171, %add3A_174] : memref<80x128xf32, #tpu.memory_space<vmem>>[vector<16xi32>, vector<16xi32>], vector<16xf32>,
          %get3A_176 = arith.index_cast %add3A_170 : i32 to index
          %get3A_177 = arith.constant 0 : index
          %get3A_178 = tpu.vector_load %arg10[%get3A_176, %get3A_177] {strides = array<i32>} : memref<80x128xf32, #tpu.memory_space<vmem>>, vector<16xf32>,
          %mul3A_179 = arith.mulf %get3A_178, %gather3A_175 : vector<16xf32>
          %swap3A_180 = arith.index_cast %add3A_170 : i32 to index
          %swap3A_181 = arith.constant 0 : index
          %swap3A_182 = tpu.vector_load %arg10[%swap3A_180, %swap3A_181] {strides = array<i32>} : memref<80x128xf32, #tpu.memory_space<vmem>>, vector<16xf32>,
          tpu.vector_store %arg10[%swap3A_180, %swap3A_181], %mul3A_179 {strides = array<i32>} : memref<80x128xf32, #tpu.memory_space<vmem>>, vector<16xf32>,
          %add3A_183 = arith.constant 66 : i32
          %add3A_184 = vector.broadcast %add3A_183 : i32 to vector<16xi32>
          %add3A_185 = arith.addi %add3A_184, %shift_right_arithmetic3A_2 : vector<16xi32>
          %gather3A_186 = tpu.vector_load_idx %arg10[%broadcast_in_dim3A_171, %add3A_185] : memref<80x128xf32, #tpu.memory_space<vmem>>[vector<16xi32>, vector<16xi32>], vector<16xf32>,
          %get3A_187 = arith.index_cast %add3A_170 : i32 to index
          %get3A_188 = arith.constant 16 : index
          %get3A_189 = tpu.vector_load %arg10[%get3A_187, %get3A_188] {strides = array<i32>} : memref<80x128xf32, #tpu.memory_space<vmem>>, vector<16xf32>,
          %mul3A_190 = arith.mulf %get3A_189, %gather3A_186 : vector<16xf32>
          %swap3A_191 = arith.index_cast %add3A_170 : i32 to index
          %swap3A_192 = arith.constant 16 : index
          %swap3A_193 = tpu.vector_load %arg10[%swap3A_191, %swap3A_192] {strides = array<i32>} : memref<80x128xf32, #tpu.memory_space<vmem>>, vector<16xf32>,
          tpu.vector_store %arg10[%swap3A_191, %swap3A_192], %mul3A_190 {strides = array<i32>} : memref<80x128xf32, #tpu.memory_space<vmem>>, vector<16xf32>,
          %add3A_194 = arith.constant 68 : i32
          %add3A_195 = vector.broadcast %add3A_194 : i32 to vector<16xi32>
          %add3A_196 = arith.addi %add3A_195, %shift_right_arithmetic3A_2 : vector<16xi32>
          %gather3A_197 = tpu.vector_load_idx %arg10[%broadcast_in_dim3A_171, %add3A_196] : memref<80x128xf32, #tpu.memory_space<vmem>>[vector<16xi32>, vector<16xi32>], vector<16xf32>,
          %get3A_198 = arith.index_cast %add3A_170 : i32 to index
          %get3A_199 = arith.constant 32 : index
          %get3A_200 = tpu.vector_load %arg10[%get3A_198, %get3A_199] {strides = array<i32>} : memref<80x128xf32, #tpu.memory_space<vmem>>, vector<16xf32>,
          %mul3A_201 = arith.mulf %get3A_200, %gather3A_197 : vector<16xf32>
          %swap3A_202 = arith.index_cast %add3A_170 : i32 to index
          %swap3A_203 = arith.constant 32 : index
          %swap3A_204 = tpu.vector_load %arg10[%swap3A_202, %swap3A_203] {strides = array<i32>} : memref<80x128xf32, #tpu.memory_space<vmem>>, vector<16xf32>,
          tpu.vector_store %arg10[%swap3A_202, %swap3A_203], %mul3A_201 {strides = array<i32>} : memref<80x128xf32, #tpu.memory_space<vmem>>, vector<16xf32>,
          %add3A_205 = arith.constant 70 : i32
          %add3A_206 = vector.broadcast %add3A_205 : i32 to vector<16xi32>
          %add3A_207 = arith.addi %add3A_206, %shift_right_arithmetic3A_2 : vector<16xi32>
          %gather3A_208 = tpu.vector_load_idx %arg10[%broadcast_in_dim3A_171, %add3A_207] : memref<80x128xf32, #tpu.memory_space<vmem>>[vector<16xi32>, vector<16xi32>], vector<16xf32>,
          %get3A_209 = arith.index_cast %add3A_170 : i32 to index
          %get3A_210 = arith.constant 48 : index
          %get3A_211 = tpu.vector_load %arg10[%get3A_209, %get3A_210] {strides = array<i32>} : memref<80x128xf32, #tpu.memory_space<vmem>>, vector<16xf32>,
          %mul3A_212 = arith.mulf %get3A_211, %gather3A_208 : vector<16xf32>
          %swap3A_213 = arith.index_cast %add3A_170 : i32 to index
          %swap3A_214 = arith.constant 48 : index
          %swap3A_215 = tpu.vector_load %arg10[%swap3A_213, %swap3A_214] {strides = array<i32>} : memref<80x128xf32, #tpu.memory_space<vmem>>, vector<16xf32>,
          tpu.vector_store %arg10[%swap3A_213, %swap3A_214], %mul3A_212 {strides = array<i32>} : memref<80x128xf32, #tpu.memory_space<vmem>>, vector<16xf32>,
        }
        %scan3A_120 = arith.constant 40 : i32
        "tpu.region"() ({
          %run_scoped3A = tpu.sem_alloc : memref<!tpu.dma_semaphore, #tpu.memory_space<semaphore_mem>>
          %dma_start3A_121 = arith.constant 0 : i32
          %dma_start3A_122 = arith.constant 0 : i32
          %dma_start3A_123 = tpu.memref_slice %arg14[%dma_start3A_121, %dma_start3A_122] : memref<10000x128xf32, #tpu.memory_space<vmem_shared>> -> memref<10000x128xf32, #tpu.memory_space<vmem_shared>>
          tpu.enqueue_indirect_dma source(%arg10 : memref<80x128xf32, #tpu.memory_space<vmem>>) target(%dma_start3A_123 : memref<10000x128xf32, #tpu.memory_space<vmem_shared>>) offsets(%arg8 : memref<80xi32, #tpu.memory_space<vmem>>) semaphore(%run_scoped3A : memref<!tpu.dma_semaphore, #tpu.memory_space<semaphore_mem>>) {add = true}
          %dma_wait3A_124 = arith.constant 0 : i32
          %dma_wait3A_125 = arith.constant 0 : i32
          %dma_wait3A_126 = tpu.memref_slice %arg14[%dma_wait3A_124, %dma_wait3A_125] : memref<10000x128xf32, #tpu.memory_space<vmem_shared>> -> memref<10000x128xf32, #tpu.memory_space<vmem_shared>>
          tpu.wait_indirect_dma semaphore(%run_scoped3A : memref<!tpu.dma_semaphore, #tpu.memory_space<semaphore_mem>>) src(%arg10 : memref<80x128xf32, #tpu.memory_space<vmem>>) dst(%dma_wait3A_126 : memref<10000x128xf32, #tpu.memory_space<vmem_shared>>)
          tpu.yield
        }) : () -> ()
      } else {
      }
      %add3A_74 = arith.constant 2 : i32
      %add3A_75 = arith.addi %mul3A_59, %add3A_74 : i32
      %lt3A_76 = arith.constant 125 : i32
      %lt3A_77 = arith.cmpi slt, %add3A_75, %lt3A_76 : i32
      %convert_element_type3A_78 = arith.extui %lt3A_77 : i1 to i32
      %cond3A_79 = arith.constant 0 : i32
      %cond3A_80 = arith.cmpi ne, %convert_element_type3A_78, %cond3A_79 : i32
      scf.if %cond3A_80 {
        %add3A_109 = arith.constant 2 : i32
        %add3A_110 = arith.addi %mul3A_59, %add3A_109 : i32
        %mul3A_111 = arith.constant 32 : i32
        %mul3A_112 = arith.muli %add3A_110, %mul3A_111 : i32
        %add3A_113 = arith.addi %add3A, %mul3A_112 : i32
        %mul3A_114 = arith.constant 80 : i32
        %mul3A_115 = arith.muli %add3A_113, %mul3A_114 : i32
        %dma_start3A_116 = tpu.memref_slice %arg2[%mul3A_115] : memref<320000xi32, #tpu.memory_space<hbm>> -> memref<80xi32, #tpu.memory_space<hbm>>
        %dma_start3A_117 = tpu.memref_slice %arg2[%mul3A_115] : memref<320000xi32, #tpu.memory_space<hbm>> -> memref<80xi32, #tpu.memory_space<hbm>>
        tpu.enqueue_dma source(%dma_start3A_117 : memref<80xi32, #tpu.memory_space<hbm>>) target(%arg6 : memref<80xi32, #tpu.memory_space<vmem>>) target_semaphore(%arg15 : memref<!tpu.dma_semaphore, #tpu.memory_space<semaphore_mem>>)
        %dma_start3A_118 = tpu.memref_slice %arg3[%mul3A_115] : memref<320000xi32, #tpu.memory_space<hbm>> -> memref<80xi32, #tpu.memory_space<hbm>>
        %dma_start3A_119 = tpu.memref_slice %arg3[%mul3A_115] : memref<320000xi32, #tpu.memory_space<hbm>> -> memref<80xi32, #tpu.memory_space<hbm>>
        tpu.enqueue_dma source(%dma_start3A_119 : memref<80xi32, #tpu.memory_space<hbm>>) target(%arg8 : memref<80xi32, #tpu.memory_space<vmem>>) target_semaphore(%arg15 : memref<!tpu.dma_semaphore, #tpu.memory_space<semaphore_mem>>)
      } else {
      }
      %mul3A_81 = arith.constant 2 : i32
      %mul3A_82 = arith.muli %mul3A_81, %scan3A_57 : i32
      %add3A_83 = arith.constant 1 : i32
      %add3A_84 = arith.addi %mul3A_82, %add3A_83 : i32
      %lt3A_85 = arith.constant 125 : i32
      %lt3A_86 = arith.cmpi slt, %add3A_84, %lt3A_85 : i32
      %convert_element_type3A_87 = arith.extui %lt3A_86 : i1 to i32
      %cond3A_88 = arith.constant 0 : i32
      %cond3A_89 = arith.cmpi ne, %convert_element_type3A_87, %cond3A_88 : i32
      scf.if %cond3A_89 {
        %dma_wait3A_109 = arith.constant 0 : i32
        %dma_wait3A_110 = arith.constant 0 : i32
        %dma_wait3A_111 = tpu.memref_slice %arg4[%dma_wait3A_109, %dma_wait3A_110] : memref<10000x128xf32, #tpu.memory_space<hbm>> -> memref<10000x128xf32, #tpu.memory_space<hbm>>
        tpu.wait_indirect_dma semaphore(%arg18 : memref<!tpu.dma_semaphore, #tpu.memory_space<semaphore_mem>>) src(%dma_wait3A_111 : memref<10000x128xf32, #tpu.memory_space<hbm>>) dst(%arg11 : memref<80x128xf32, #tpu.memory_space<vmem>>)
        %dma_wait3A_112 = arith.constant 0 : i32
        %dma_wait3A_113 = arith.constant 0 : i32
        %dma_wait3A_114 = tpu.memref_slice %arg4[%dma_wait3A_112, %dma_wait3A_113] : memref<10000x128xf32, #tpu.memory_space<hbm>> -> memref<10000x128xf32, #tpu.memory_space<hbm>>
        tpu.wait_indirect_dma semaphore(%arg20 : memref<!tpu.dma_semaphore, #tpu.memory_space<semaphore_mem>>) src(%dma_wait3A_114 : memref<10000x128xf32, #tpu.memory_space<hbm>>) dst(%arg13 : memref<80x128xf32, #tpu.memory_space<vmem>>)
      } else {
      }
      %add3A_90 = arith.constant 1 : i32
      %add3A_91 = arith.addi %add3A_84, %add3A_90 : i32
      %lt3A_92 = arith.constant 125 : i32
      %lt3A_93 = arith.cmpi slt, %add3A_91, %lt3A_92 : i32
      %convert_element_type3A_94 = arith.extui %lt3A_93 : i1 to i32
      %cond3A_95 = arith.constant 0 : i32
      %cond3A_96 = arith.cmpi ne, %convert_element_type3A_94, %cond3A_95 : i32
      scf.if %cond3A_96 {
        %add3A_109 = arith.constant 1 : i32
        %add3A_110 = arith.addi %add3A_84, %add3A_109 : i32
        %mul3A_111 = arith.constant 32 : i32
        %mul3A_112 = arith.muli %add3A_110, %mul3A_111 : i32
        %add3A_113 = arith.addi %add3A, %mul3A_112 : i32
        %mul3A_114 = arith.constant 80 : i32
        %mul3A_115 = arith.muli %add3A_113, %mul3A_114 : i32
        %dma_wait3A_116 = tpu.memref_slice %arg2[%mul3A_115] : memref<320000xi32, #tpu.memory_space<hbm>> -> memref<80xi32, #tpu.memory_space<hbm>>
        %dma_wait3A_117 = tpu.memref_slice %arg2[%mul3A_115] : memref<320000xi32, #tpu.memory_space<hbm>> -> memref<80xi32, #tpu.memory_space<hbm>>
        tpu.wait_dma2 semaphore(%arg15 : memref<!tpu.dma_semaphore, #tpu.memory_space<semaphore_mem>>) src(%dma_wait3A_117 : memref<80xi32, #tpu.memory_space<hbm>>) dst(%arg6 : memref<80xi32, #tpu.memory_space<vmem>>)
        %dma_wait3A_118 = tpu.memref_slice %arg3[%mul3A_115] : memref<320000xi32, #tpu.memory_space<hbm>> -> memref<80xi32, #tpu.memory_space<hbm>>
        %dma_wait3A_119 = tpu.memref_slice %arg3[%mul3A_115] : memref<320000xi32, #tpu.memory_space<hbm>> -> memref<80xi32, #tpu.memory_space<hbm>>
        tpu.wait_dma2 semaphore(%arg15 : memref<!tpu.dma_semaphore, #tpu.memory_space<semaphore_mem>>) src(%dma_wait3A_119 : memref<80xi32, #tpu.memory_space<hbm>>) dst(%arg8 : memref<80xi32, #tpu.memory_space<vmem>>)
        %dma_start3A_120 = arith.constant 0 : i32
        %dma_start3A_121 = arith.constant 0 : i32
        %dma_start3A_122 = tpu.memref_slice %arg4[%dma_start3A_120, %dma_start3A_121] : memref<10000x128xf32, #tpu.memory_space<hbm>> -> memref<10000x128xf32, #tpu.memory_space<hbm>>
        tpu.enqueue_indirect_dma source(%dma_start3A_122 : memref<10000x128xf32, #tpu.memory_space<hbm>>) target(%arg10 : memref<80x128xf32, #tpu.memory_space<vmem>>) offsets(%arg6 : memref<80xi32, #tpu.memory_space<vmem>>) semaphore(%arg17 : memref<!tpu.dma_semaphore, #tpu.memory_space<semaphore_mem>>)
        %dma_start3A_123 = arith.constant 0 : i32
        %dma_start3A_124 = arith.constant 0 : i32
        %dma_start3A_125 = tpu.memref_slice %arg4[%dma_start3A_123, %dma_start3A_124] : memref<10000x128xf32, #tpu.memory_space<hbm>> -> memref<10000x128xf32, #tpu.memory_space<hbm>>
        tpu.enqueue_indirect_dma source(%dma_start3A_125 : memref<10000x128xf32, #tpu.memory_space<hbm>>) target(%arg12 : memref<80x128xf32, #tpu.memory_space<vmem>>) offsets(%arg8 : memref<80xi32, #tpu.memory_space<vmem>>) semaphore(%arg19 : memref<!tpu.dma_semaphore, #tpu.memory_space<semaphore_mem>>)
      } else {
      }
      %lt3A_97 = arith.constant 125 : i32
      %lt3A_98 = arith.cmpi slt, %add3A_84, %lt3A_97 : i32
      %convert_element_type3A_99 = arith.extui %lt3A_98 : i1 to i32
      %cond3A_100 = arith.constant 0 : i32
      %cond3A_101 = arith.cmpi ne, %convert_element_type3A_99, %cond3A_100 : i32
      scf.if %cond3A_101 {
        %scan3A_109 = arith.constant 0 : i32
        %scan3A_110 = arith.constant 0 : i32
        %scan3A_111 = arith.constant 20 : i32
        %scan3A_112 = arith.addi %scan3A_110, %scan3A_111 : i32
        %scan3A_113 = arith.constant 1 : i32
        scf.for %scan3A_121 = %scan3A_110 to %scan3A_112 step %scan3A_113  : i32 {
          %mul3A_122 = arith.constant 4 : i32
          %mul3A_123 = arith.muli %mul3A_122, %scan3A_121 : i32
          %add3A_124 = arith.constant 0 : i32
          %add3A_125 = arith.addi %mul3A_123, %add3A_124 : i32
          %add3A_126 = vector.broadcast %add3A_125 : i32 to vector<16xi32>
          %add3A_127 = arith.addi %add3A_126, %shift_right_arithmetic3A_2 : vector<16xi32>
          %add3A_128 = arith.constant 64 : i32
          %add3A_129 = vector.broadcast %add3A_128 : i32 to vector<16xi32>
          %add3A_130 = arith.addi %add3A_129, %and3A_4 : vector<16xi32>
          %gather3A = tpu.vector_load_idx %arg11[%add3A_127, %add3A_130] : memref<80x128xf32, #tpu.memory_space<vmem>>[vector<16xi32>, vector<16xi32>], vector<16xf32>,
          %add3A_131 = vector.broadcast %add3A_125 : i32 to vector<16xi32>
          %add3A_132 = arith.addi %add3A_131, %shift_right_arithmetic3A_2 : vector<16xi32>
          %add3A_133 = arith.constant 72 : i32
          %add3A_134 = vector.broadcast %add3A_133 : i32 to vector<16xi32>
          %add3A_135 = arith.addi %add3A_134, %and3A_4 : vector<16xi32>
          %gather3A_136 = tpu.vector_load_idx %arg13[%add3A_132, %add3A_135] : memref<80x128xf32, #tpu.memory_space<vmem>>[vector<16xi32>, vector<16xi32>], vector<16xf32>,
          %add3A_137 = arith.addf %gather3A, %gather3A_136 : vector<16xf32>
          %mul3A_138 = arith.constant 2.000000e-01 : f32
          %mul3A_139 = vector.broadcast %mul3A_138 : f32 to vector<16xf32>
          %mul3A_140 = arith.mulf %mul3A_139, %add3A_137 : vector<16xf32>
          %max3A = arith.maximumf %add3A_137, %mul3A_140 : vector<16xf32>
          %exp3A = math.exp %max3A : vector<16xf32>
          %add3A_141 = vector.broadcast %add3A_125 : i32 to vector<16xi32>
          %add3A_142 = arith.addi %add3A_141, %shift_right_arithmetic3A_2 : vector<16xi32>
          %add3A_143 = arith.constant 64 : i32
          %add3A_144 = vector.broadcast %add3A_143 : i32 to vector<16xi32>
          %add3A_145 = arith.addi %add3A_144, %and3A_4 : vector<16xi32>
          tpu.vector_store_idx %arg11[%add3A_142, %add3A_145], %exp3A : memref<80x128xf32, #tpu.memory_space<vmem>>[vector<16xi32>, vector<16xi32>], vector<16xf32>,
          %mul3A_146 = arith.constant 4 : i32
          %mul3A_147 = arith.muli %mul3A_146, %scan3A_121 : i32
          %add3A_148 = arith.constant 2 : i32
          %add3A_149 = arith.addi %mul3A_147, %add3A_148 : i32
          %add3A_150 = vector.broadcast %add3A_149 : i32 to vector<16xi32>
          %add3A_151 = arith.addi %add3A_150, %shift_right_arithmetic3A_2 : vector<16xi32>
          %add3A_152 = arith.constant 64 : i32
          %add3A_153 = vector.broadcast %add3A_152 : i32 to vector<16xi32>
          %add3A_154 = arith.addi %add3A_153, %and3A_4 : vector<16xi32>
          %gather3A_155 = tpu.vector_load_idx %arg11[%add3A_151, %add3A_154] : memref<80x128xf32, #tpu.memory_space<vmem>>[vector<16xi32>, vector<16xi32>], vector<16xf32>,
          %add3A_156 = vector.broadcast %add3A_149 : i32 to vector<16xi32>
          %add3A_157 = arith.addi %add3A_156, %shift_right_arithmetic3A_2 : vector<16xi32>
          %add3A_158 = arith.constant 72 : i32
          %add3A_159 = vector.broadcast %add3A_158 : i32 to vector<16xi32>
          %add3A_160 = arith.addi %add3A_159, %and3A_4 : vector<16xi32>
          %gather3A_161 = tpu.vector_load_idx %arg13[%add3A_157, %add3A_160] : memref<80x128xf32, #tpu.memory_space<vmem>>[vector<16xi32>, vector<16xi32>], vector<16xf32>,
          %add3A_162 = arith.addf %gather3A_155, %gather3A_161 : vector<16xf32>
          %mul3A_163 = arith.constant 2.000000e-01 : f32
          %mul3A_164 = vector.broadcast %mul3A_163 : f32 to vector<16xf32>
          %mul3A_165 = arith.mulf %mul3A_164, %add3A_162 : vector<16xf32>
          %max3A_166 = arith.maximumf %add3A_162, %mul3A_165 : vector<16xf32>
          %exp3A_167 = math.exp %max3A_166 : vector<16xf32>
          %add3A_168 = vector.broadcast %add3A_149 : i32 to vector<16xi32>
          %add3A_169 = arith.addi %add3A_168, %shift_right_arithmetic3A_2 : vector<16xi32>
          %add3A_170 = arith.constant 64 : i32
          %add3A_171 = vector.broadcast %add3A_170 : i32 to vector<16xi32>
          %add3A_172 = arith.addi %add3A_171, %and3A_4 : vector<16xi32>
          tpu.vector_store_idx %arg11[%add3A_169, %add3A_172], %exp3A_167 : memref<80x128xf32, #tpu.memory_space<vmem>>[vector<16xi32>, vector<16xi32>], vector<16xf32>,
        }
        %scan3A_114 = arith.constant 20 : i32
        %scan3A_115 = arith.constant 0 : i32
        %scan3A_116 = arith.constant 0 : i32
        %scan3A_117 = arith.constant 40 : i32
        %scan3A_118 = arith.addi %scan3A_116, %scan3A_117 : i32
        %scan3A_119 = arith.constant 1 : i32
        scf.for %scan3A_121 = %scan3A_116 to %scan3A_118 step %scan3A_119  : i32 {
          %mul3A_122 = arith.constant 2 : i32
          %mul3A_123 = arith.muli %mul3A_122, %scan3A_121 : i32
          %add3A_124 = arith.constant 0 : i32
          %add3A_125 = arith.addi %mul3A_123, %add3A_124 : i32
          %broadcast_in_dim3A = vector.broadcast %add3A_125 : i32 to vector<16xi32>
          %add3A_126 = arith.constant 64 : i32
          %add3A_127 = vector.broadcast %add3A_126 : i32 to vector<16xi32>
          %add3A_128 = arith.addi %add3A_127, %shift_right_arithmetic3A_2 : vector<16xi32>
          %gather3A = tpu.vector_load_idx %arg11[%broadcast_in_dim3A, %add3A_128] : memref<80x128xf32, #tpu.memory_space<vmem>>[vector<16xi32>, vector<16xi32>], vector<16xf32>,
          %get3A = arith.index_cast %add3A_125 : i32 to index
          %get3A_129 = arith.constant 0 : index
          %get3A_130 = tpu.vector_load %arg11[%get3A, %get3A_129] {strides = array<i32>} : memref<80x128xf32, #tpu.memory_space<vmem>>, vector<16xf32>,
          %mul3A_131 = arith.mulf %get3A_130, %gather3A : vector<16xf32>
          %swap3A = arith.index_cast %add3A_125 : i32 to index
          %swap3A_132 = arith.constant 0 : index
          %swap3A_133 = tpu.vector_load %arg11[%swap3A, %swap3A_132] {strides = array<i32>} : memref<80x128xf32, #tpu.memory_space<vmem>>, vector<16xf32>,
          tpu.vector_store %arg11[%swap3A, %swap3A_132], %mul3A_131 {strides = array<i32>} : memref<80x128xf32, #tpu.memory_space<vmem>>, vector<16xf32>,
          %add3A_134 = arith.constant 66 : i32
          %add3A_135 = vector.broadcast %add3A_134 : i32 to vector<16xi32>
          %add3A_136 = arith.addi %add3A_135, %shift_right_arithmetic3A_2 : vector<16xi32>
          %gather3A_137 = tpu.vector_load_idx %arg11[%broadcast_in_dim3A, %add3A_136] : memref<80x128xf32, #tpu.memory_space<vmem>>[vector<16xi32>, vector<16xi32>], vector<16xf32>,
          %get3A_138 = arith.index_cast %add3A_125 : i32 to index
          %get3A_139 = arith.constant 16 : index
          %get3A_140 = tpu.vector_load %arg11[%get3A_138, %get3A_139] {strides = array<i32>} : memref<80x128xf32, #tpu.memory_space<vmem>>, vector<16xf32>,
          %mul3A_141 = arith.mulf %get3A_140, %gather3A_137 : vector<16xf32>
          %swap3A_142 = arith.index_cast %add3A_125 : i32 to index
          %swap3A_143 = arith.constant 16 : index
          %swap3A_144 = tpu.vector_load %arg11[%swap3A_142, %swap3A_143] {strides = array<i32>} : memref<80x128xf32, #tpu.memory_space<vmem>>, vector<16xf32>,
          tpu.vector_store %arg11[%swap3A_142, %swap3A_143], %mul3A_141 {strides = array<i32>} : memref<80x128xf32, #tpu.memory_space<vmem>>, vector<16xf32>,
          %add3A_145 = arith.constant 68 : i32
          %add3A_146 = vector.broadcast %add3A_145 : i32 to vector<16xi32>
          %add3A_147 = arith.addi %add3A_146, %shift_right_arithmetic3A_2 : vector<16xi32>
          %gather3A_148 = tpu.vector_load_idx %arg11[%broadcast_in_dim3A, %add3A_147] : memref<80x128xf32, #tpu.memory_space<vmem>>[vector<16xi32>, vector<16xi32>], vector<16xf32>,
          %get3A_149 = arith.index_cast %add3A_125 : i32 to index
          %get3A_150 = arith.constant 32 : index
          %get3A_151 = tpu.vector_load %arg11[%get3A_149, %get3A_150] {strides = array<i32>} : memref<80x128xf32, #tpu.memory_space<vmem>>, vector<16xf32>,
          %mul3A_152 = arith.mulf %get3A_151, %gather3A_148 : vector<16xf32>
          %swap3A_153 = arith.index_cast %add3A_125 : i32 to index
          %swap3A_154 = arith.constant 32 : index
          %swap3A_155 = tpu.vector_load %arg11[%swap3A_153, %swap3A_154] {strides = array<i32>} : memref<80x128xf32, #tpu.memory_space<vmem>>, vector<16xf32>,
          tpu.vector_store %arg11[%swap3A_153, %swap3A_154], %mul3A_152 {strides = array<i32>} : memref<80x128xf32, #tpu.memory_space<vmem>>, vector<16xf32>,
          %add3A_156 = arith.constant 70 : i32
          %add3A_157 = vector.broadcast %add3A_156 : i32 to vector<16xi32>
          %add3A_158 = arith.addi %add3A_157, %shift_right_arithmetic3A_2 : vector<16xi32>
          %gather3A_159 = tpu.vector_load_idx %arg11[%broadcast_in_dim3A, %add3A_158] : memref<80x128xf32, #tpu.memory_space<vmem>>[vector<16xi32>, vector<16xi32>], vector<16xf32>,
          %get3A_160 = arith.index_cast %add3A_125 : i32 to index
          %get3A_161 = arith.constant 48 : index
          %get3A_162 = tpu.vector_load %arg11[%get3A_160, %get3A_161] {strides = array<i32>} : memref<80x128xf32, #tpu.memory_space<vmem>>, vector<16xf32>,
          %mul3A_163 = arith.mulf %get3A_162, %gather3A_159 : vector<16xf32>
          %swap3A_164 = arith.index_cast %add3A_125 : i32 to index
          %swap3A_165 = arith.constant 48 : index
          %swap3A_166 = tpu.vector_load %arg11[%swap3A_164, %swap3A_165] {strides = array<i32>} : memref<80x128xf32, #tpu.memory_space<vmem>>, vector<16xf32>,
          tpu.vector_store %arg11[%swap3A_164, %swap3A_165], %mul3A_163 {strides = array<i32>} : memref<80x128xf32, #tpu.memory_space<vmem>>, vector<16xf32>,
          %mul3A_167 = arith.constant 2 : i32
          %mul3A_168 = arith.muli %mul3A_167, %scan3A_121 : i32
          %add3A_169 = arith.constant 1 : i32
          %add3A_170 = arith.addi %mul3A_168, %add3A_169 : i32
          %broadcast_in_dim3A_171 = vector.broadcast %add3A_170 : i32 to vector<16xi32>
          %add3A_172 = arith.constant 64 : i32
          %add3A_173 = vector.broadcast %add3A_172 : i32 to vector<16xi32>
          %add3A_174 = arith.addi %add3A_173, %shift_right_arithmetic3A_2 : vector<16xi32>
          %gather3A_175 = tpu.vector_load_idx %arg11[%broadcast_in_dim3A_171, %add3A_174] : memref<80x128xf32, #tpu.memory_space<vmem>>[vector<16xi32>, vector<16xi32>], vector<16xf32>,
          %get3A_176 = arith.index_cast %add3A_170 : i32 to index
          %get3A_177 = arith.constant 0 : index
          %get3A_178 = tpu.vector_load %arg11[%get3A_176, %get3A_177] {strides = array<i32>} : memref<80x128xf32, #tpu.memory_space<vmem>>, vector<16xf32>,
          %mul3A_179 = arith.mulf %get3A_178, %gather3A_175 : vector<16xf32>
          %swap3A_180 = arith.index_cast %add3A_170 : i32 to index
          %swap3A_181 = arith.constant 0 : index
          %swap3A_182 = tpu.vector_load %arg11[%swap3A_180, %swap3A_181] {strides = array<i32>} : memref<80x128xf32, #tpu.memory_space<vmem>>, vector<16xf32>,
          tpu.vector_store %arg11[%swap3A_180, %swap3A_181], %mul3A_179 {strides = array<i32>} : memref<80x128xf32, #tpu.memory_space<vmem>>, vector<16xf32>,
          %add3A_183 = arith.constant 66 : i32
          %add3A_184 = vector.broadcast %add3A_183 : i32 to vector<16xi32>
          %add3A_185 = arith.addi %add3A_184, %shift_right_arithmetic3A_2 : vector<16xi32>
          %gather3A_186 = tpu.vector_load_idx %arg11[%broadcast_in_dim3A_171, %add3A_185] : memref<80x128xf32, #tpu.memory_space<vmem>>[vector<16xi32>, vector<16xi32>], vector<16xf32>,
          %get3A_187 = arith.index_cast %add3A_170 : i32 to index
          %get3A_188 = arith.constant 16 : index
          %get3A_189 = tpu.vector_load %arg11[%get3A_187, %get3A_188] {strides = array<i32>} : memref<80x128xf32, #tpu.memory_space<vmem>>, vector<16xf32>,
          %mul3A_190 = arith.mulf %get3A_189, %gather3A_186 : vector<16xf32>
          %swap3A_191 = arith.index_cast %add3A_170 : i32 to index
          %swap3A_192 = arith.constant 16 : index
          %swap3A_193 = tpu.vector_load %arg11[%swap3A_191, %swap3A_192] {strides = array<i32>} : memref<80x128xf32, #tpu.memory_space<vmem>>, vector<16xf32>,
          tpu.vector_store %arg11[%swap3A_191, %swap3A_192], %mul3A_190 {strides = array<i32>} : memref<80x128xf32, #tpu.memory_space<vmem>>, vector<16xf32>,
          %add3A_194 = arith.constant 68 : i32
          %add3A_195 = vector.broadcast %add3A_194 : i32 to vector<16xi32>
          %add3A_196 = arith.addi %add3A_195, %shift_right_arithmetic3A_2 : vector<16xi32>
          %gather3A_197 = tpu.vector_load_idx %arg11[%broadcast_in_dim3A_171, %add3A_196] : memref<80x128xf32, #tpu.memory_space<vmem>>[vector<16xi32>, vector<16xi32>], vector<16xf32>,
          %get3A_198 = arith.index_cast %add3A_170 : i32 to index
          %get3A_199 = arith.constant 32 : index
          %get3A_200 = tpu.vector_load %arg11[%get3A_198, %get3A_199] {strides = array<i32>} : memref<80x128xf32, #tpu.memory_space<vmem>>, vector<16xf32>,
          %mul3A_201 = arith.mulf %get3A_200, %gather3A_197 : vector<16xf32>
          %swap3A_202 = arith.index_cast %add3A_170 : i32 to index
          %swap3A_203 = arith.constant 32 : index
          %swap3A_204 = tpu.vector_load %arg11[%swap3A_202, %swap3A_203] {strides = array<i32>} : memref<80x128xf32, #tpu.memory_space<vmem>>, vector<16xf32>,
          tpu.vector_store %arg11[%swap3A_202, %swap3A_203], %mul3A_201 {strides = array<i32>} : memref<80x128xf32, #tpu.memory_space<vmem>>, vector<16xf32>,
          %add3A_205 = arith.constant 70 : i32
          %add3A_206 = vector.broadcast %add3A_205 : i32 to vector<16xi32>
          %add3A_207 = arith.addi %add3A_206, %shift_right_arithmetic3A_2 : vector<16xi32>
          %gather3A_208 = tpu.vector_load_idx %arg11[%broadcast_in_dim3A_171, %add3A_207] : memref<80x128xf32, #tpu.memory_space<vmem>>[vector<16xi32>, vector<16xi32>], vector<16xf32>,
          %get3A_209 = arith.index_cast %add3A_170 : i32 to index
          %get3A_210 = arith.constant 48 : index
          %get3A_211 = tpu.vector_load %arg11[%get3A_209, %get3A_210] {strides = array<i32>} : memref<80x128xf32, #tpu.memory_space<vmem>>, vector<16xf32>,
          %mul3A_212 = arith.mulf %get3A_211, %gather3A_208 : vector<16xf32>
          %swap3A_213 = arith.index_cast %add3A_170 : i32 to index
          %swap3A_214 = arith.constant 48 : index
          %swap3A_215 = tpu.vector_load %arg11[%swap3A_213, %swap3A_214] {strides = array<i32>} : memref<80x128xf32, #tpu.memory_space<vmem>>, vector<16xf32>,
          tpu.vector_store %arg11[%swap3A_213, %swap3A_214], %mul3A_212 {strides = array<i32>} : memref<80x128xf32, #tpu.memory_space<vmem>>, vector<16xf32>,
        }
        %scan3A_120 = arith.constant 40 : i32
        "tpu.region"() ({
          %run_scoped3A = tpu.sem_alloc : memref<!tpu.dma_semaphore, #tpu.memory_space<semaphore_mem>>
          %dma_start3A_121 = arith.constant 0 : i32
          %dma_start3A_122 = arith.constant 0 : i32
          %dma_start3A_123 = tpu.memref_slice %arg14[%dma_start3A_121, %dma_start3A_122] : memref<10000x128xf32, #tpu.memory_space<vmem_shared>> -> memref<10000x128xf32, #tpu.memory_space<vmem_shared>>
          tpu.enqueue_indirect_dma source(%arg11 : memref<80x128xf32, #tpu.memory_space<vmem>>) target(%dma_start3A_123 : memref<10000x128xf32, #tpu.memory_space<vmem_shared>>) offsets(%arg9 : memref<80xi32, #tpu.memory_space<vmem>>) semaphore(%run_scoped3A : memref<!tpu.dma_semaphore, #tpu.memory_space<semaphore_mem>>) {add = true}
          %dma_wait3A_124 = arith.constant 0 : i32
          %dma_wait3A_125 = arith.constant 0 : i32
          %dma_wait3A_126 = tpu.memref_slice %arg14[%dma_wait3A_124, %dma_wait3A_125] : memref<10000x128xf32, #tpu.memory_space<vmem_shared>> -> memref<10000x128xf32, #tpu.memory_space<vmem_shared>>
          tpu.wait_indirect_dma semaphore(%run_scoped3A : memref<!tpu.dma_semaphore, #tpu.memory_space<semaphore_mem>>) src(%arg11 : memref<80x128xf32, #tpu.memory_space<vmem>>) dst(%dma_wait3A_126 : memref<10000x128xf32, #tpu.memory_space<vmem_shared>>)
          tpu.yield
        }) : () -> ()
      } else {
      }
      %add3A_102 = arith.constant 2 : i32
      %add3A_103 = arith.addi %add3A_84, %add3A_102 : i32
      %lt3A_104 = arith.constant 125 : i32
      %lt3A_105 = arith.cmpi slt, %add3A_103, %lt3A_104 : i32
      %convert_element_type3A_106 = arith.extui %lt3A_105 : i1 to i32
      %cond3A_107 = arith.constant 0 : i32
      %cond3A_108 = arith.cmpi ne, %convert_element_type3A_106, %cond3A_107 : i32
      scf.if %cond3A_108 {
        %add3A_109 = arith.constant 2 : i32
        %add3A_110 = arith.addi %add3A_84, %add3A_109 : i32
        %mul3A_111 = arith.constant 32 : i32
        %mul3A_112 = arith.muli %add3A_110, %mul3A_111 : i32
        %add3A_113 = arith.addi %add3A, %mul3A_112 : i32
        %mul3A_114 = arith.constant 80 : i32
        %mul3A_115 = arith.muli %add3A_113, %mul3A_114 : i32
        %dma_start3A_116 = tpu.memref_slice %arg2[%mul3A_115] : memref<320000xi32, #tpu.memory_space<hbm>> -> memref<80xi32, #tpu.memory_space<hbm>>
        %dma_start3A_117 = tpu.memref_slice %arg2[%mul3A_115] : memref<320000xi32, #tpu.memory_space<hbm>> -> memref<80xi32, #tpu.memory_space<hbm>>
        tpu.enqueue_dma source(%dma_start3A_117 : memref<80xi32, #tpu.memory_space<hbm>>) target(%arg7 : memref<80xi32, #tpu.memory_space<vmem>>) target_semaphore(%arg16 : memref<!tpu.dma_semaphore, #tpu.memory_space<semaphore_mem>>)
        %dma_start3A_118 = tpu.memref_slice %arg3[%mul3A_115] : memref<320000xi32, #tpu.memory_space<hbm>> -> memref<80xi32, #tpu.memory_space<hbm>>
        %dma_start3A_119 = tpu.memref_slice %arg3[%mul3A_115] : memref<320000xi32, #tpu.memory_space<hbm>> -> memref<80xi32, #tpu.memory_space<hbm>>
        tpu.enqueue_dma source(%dma_start3A_119 : memref<80xi32, #tpu.memory_space<hbm>>) target(%arg9 : memref<80xi32, #tpu.memory_space<vmem>>) target_semaphore(%arg16 : memref<!tpu.dma_semaphore, #tpu.memory_space<semaphore_mem>>)
      } else {
      }
    }
    %scan3A_49 = arith.constant 63 : i32
    %barrier3A_50 = arith.constant 0 : index
    tpu.barrier barrier_id(%barrier3A_50)
    %scan3A_51 = arith.constant 0 : i32
    %scan3A_52 = arith.constant 0 : i32
    %scan3A_53 = arith.constant 8 : i32
    %scan3A_54 = arith.addi %scan3A_52, %scan3A_53 : i32
    %scan3A_55 = arith.constant 1 : i32
    scf.for %scan3A_57 = %scan3A_52 to %scan3A_54 step %scan3A_55  : i32 {
      %mul3A_58 = arith.constant 16 : i32
      %mul3A_59 = arith.muli %scan3A_57, %mul3A_58 : i32
      %add3A_60 = arith.addi %arg1, %mul3A_59 : i32
      %lt3A = arith.constant 125 : i32
      %lt3A_61 = arith.cmpi slt, %add3A_60, %lt3A : i32
      %convert_element_type3A = arith.extui %lt3A_61 : i1 to i32
      %cond3A = arith.constant 0 : i32
      %cond3A_62 = arith.cmpi ne, %convert_element_type3A, %cond3A : i32
      scf.if %cond3A_62 {
        %mul3A_63 = arith.constant 80 : i32
        %mul3A_64 = arith.muli %add3A_60, %mul3A_63 : i32
        %mul3A_65 = arith.constant 80 : i32
        %mul3A_66 = arith.muli %add3A_60, %mul3A_65 : i32
        "tpu.region"() ({
          %run_scoped3A = tpu.sem_alloc : memref<!tpu.dma_semaphore, #tpu.memory_space<semaphore_mem>>
          %dma_start3A_67 = arith.constant 0 : i32
          %dma_start3A_68 = tpu.memref_slice %arg5[%arg0, %mul3A_66, %dma_start3A_67] : memref<2x10000x128xf32, #tpu.memory_space<hbm>> -> memref<1x80x128xf32, #tpu.memory_space<hbm>>
          %dma_start3A_69 = tpu.memref_squeeze %dma_start3A_68 : memref<1x80x128xf32, #tpu.memory_space<hbm>> -> memref<80x128xf32, #tpu.memory_space<hbm>>
          %dma_start3A_70 = arith.constant 0 : i32
          %dma_start3A_71 = tpu.memref_slice %arg14[%mul3A_64, %dma_start3A_70] : memref<10000x128xf32, #tpu.memory_space<vmem_shared>> -> memref<80x128xf32, #tpu.memory_space<vmem_shared>>
          tpu.enqueue_dma source(%dma_start3A_71 : memref<80x128xf32, #tpu.memory_space<vmem_shared>>) target(%dma_start3A_69 : memref<80x128xf32, #tpu.memory_space<hbm>>) target_semaphore(%run_scoped3A : memref<!tpu.dma_semaphore, #tpu.memory_space<semaphore_mem>>)
          %dma_wait3A_72 = arith.constant 0 : i32
          %dma_wait3A_73 = tpu.memref_slice %arg5[%arg0, %mul3A_66, %dma_wait3A_72] : memref<2x10000x128xf32, #tpu.memory_space<hbm>> -> memref<1x80x128xf32, #tpu.memory_space<hbm>>
          %dma_wait3A_74 = tpu.memref_squeeze %dma_wait3A_73 : memref<1x80x128xf32, #tpu.memory_space<hbm>> -> memref<80x128xf32, #tpu.memory_space<hbm>>
          %dma_wait3A_75 = arith.constant 0 : i32
          %dma_wait3A_76 = tpu.memref_slice %arg14[%mul3A_64, %dma_wait3A_75] : memref<10000x128xf32, #tpu.memory_space<vmem_shared>> -> memref<80x128xf32, #tpu.memory_space<vmem_shared>>
          tpu.wait_dma2 semaphore(%run_scoped3A : memref<!tpu.dma_semaphore, #tpu.memory_space<semaphore_mem>>) src(%dma_wait3A_76 : memref<80x128xf32, #tpu.memory_space<vmem_shared>>) dst(%dma_wait3A_74 : memref<80x128xf32, #tpu.memory_space<hbm>>)
          tpu.yield
        }) : () -> ()
      } else {
      }
    }
    %scan3A_56 = arith.constant 8 : i32
    return
  }
}

module attributes {stable_mosaic.version = 14 : i64} {
  func.func @_tc1_body(%arg0: i32, %arg1: memref<1000x128xf32, #tpu.memory_space<vmem>>, %arg2: memref<1000x1xf32, #tpu.memory_space<vmem>>, %arg3: memref<128x64xf32, #tpu.memory_space<vmem>>, %arg4: memref<64x8xf32, #tpu.memory_space<vmem>>, %arg5: memref<64x8xf32, #tpu.memory_space<vmem>>, %arg6: memref<1000x128xf32, #tpu.memory_space<vmem>>) attributes {dimension_semantics = [#tpu.dimension_semantics<arbitrary>], iteration_bounds = array<i64: 10>, scalar_prefetch = 0 : i64, scratch_operands = 0 : i64, tpu.core_type = #tpu.core_type<tc>, window_params = [{transform_indices = @transform_0, window_bounds = array<i64: 1000, 128>}, {transform_indices = @transform_1, window_bounds = array<i64: 1000, 1>}, {pipeline_mode = #tpu.pipeline_mode<synchronous>, transform_indices = @transform_2, window_bounds = array<i64: 128, 64>}, {pipeline_mode = #tpu.pipeline_mode<synchronous>, transform_indices = @transform_3, window_bounds = array<i64: 64, 8>}, {pipeline_mode = #tpu.pipeline_mode<synchronous>, transform_indices = @transform_4, window_bounds = array<i64: 64, 8>}, {transform_indices = @transform_5, window_bounds = array<i64: 1000, 128>}]} {
    %get3A = arith.constant 0 : index
    %get3A_0 = arith.constant 0 : index
    %get3A_1 = vector.load %arg1[%get3A, %get3A_0] : memref<1000x128xf32, #tpu.memory_space<vmem>>, vector<1000x128xf32>
    %get3A_2 = arith.constant 0 : index
    %get3A_3 = arith.constant 0 : index
    %get3A_4 = vector.load %arg2[%get3A_2, %get3A_3] : memref<1000x1xf32, #tpu.memory_space<vmem>>, vector<1000x1xf32>
    %mul3A = vector.broadcast %get3A_4 : vector<1000x1xf32> to vector<1000x128xf32>
    %mul3A_5 = arith.mulf %get3A_1, %mul3A : vector<1000x128xf32>
    %get3A_6 = arith.constant 0 : index
    %get3A_7 = arith.constant 0 : index
    %get3A_8 = vector.load %arg3[%get3A_6, %get3A_7] : memref<128x64xf32, #tpu.memory_space<vmem>>, vector<128x64xf32>
    %dot_general3A = arith.constant dense<0.000000e+00> : vector<1000x64xf32>
    %dot_general3A_9 = tpu.matmul %mul3A_5, %get3A_8, %dot_general3A {dimension_numbers = #tpu.dot_dimension_numbers<[1], [0], [0], [1], [0, 0, 1, 1], [], []>, transpose_lhs_hint = false} : vector<1000x128xf32>, vector<128x64xf32>, vector<1000x64xf32> -> vector<1000x64xf32>
    %get3A_10 = arith.constant 0 : index
    %get3A_11 = arith.constant 0 : index
    %get3A_12 = vector.load %arg4[%get3A_10, %get3A_11] : memref<64x8xf32, #tpu.memory_space<vmem>>, vector<64x8xf32>
    %dot_general3A_13 = arith.constant dense<0.000000e+00> : vector<1000x8xf32>
    %dot_general3A_14 = tpu.matmul %dot_general3A_9, %get3A_12, %dot_general3A_13 {dimension_numbers = #tpu.dot_dimension_numbers<[1], [0], [0], [1], [0, 0, 1, 1], [], []>, transpose_lhs_hint = false} : vector<1000x64xf32>, vector<64x8xf32>, vector<1000x8xf32> -> vector<1000x8xf32>
    %get3A_15 = arith.constant 0 : index
    %get3A_16 = arith.constant 0 : index
    %get3A_17 = vector.load %arg5[%get3A_15, %get3A_16] : memref<64x8xf32, #tpu.memory_space<vmem>>, vector<64x8xf32>
    %dot_general3A_18 = arith.constant dense<0.000000e+00> : vector<1000x8xf32>
    %dot_general3A_19 = tpu.matmul %dot_general3A_9, %get3A_17, %dot_general3A_18 {dimension_numbers = #tpu.dot_dimension_numbers<[1], [0], [0], [1], [0, 0, 1, 1], [], []>, transpose_lhs_hint = false} : vector<1000x64xf32>, vector<64x8xf32>, vector<1000x8xf32> -> vector<1000x8xf32>
    %broadcast_in_dim3A = arith.constant 0.000000e+00 : f32
    %broadcast_in_dim3A_20 = vector.broadcast %broadcast_in_dim3A : f32 to vector<1000x48xf32>
    %concatenate3A = tpu.concatenate %dot_general3A_9, %dot_general3A_14, %dot_general3A_19, %broadcast_in_dim3A_20 in 1 : vector<1000x64xf32>, vector<1000x8xf32>, vector<1000x8xf32>, vector<1000x48xf32> -> vector<1000x128xf32>
    %swap3A = arith.constant 0 : index
    %swap3A_21 = arith.constant 0 : index
    %swap3A_22 = vector.load %arg6[%swap3A, %swap3A_21] : memref<1000x128xf32, #tpu.memory_space<vmem>>, vector<1000x128xf32>
    tpu.vector_store %arg6[%swap3A, %swap3A_21], %concatenate3A {strides = array<i32>} : memref<1000x128xf32, #tpu.memory_space<vmem>>, vector<1000x128xf32>,
    return
  }
  func.func @transform_0(%arg0: i32) -> (i32, i32) {
    %c0_i32 = arith.constant 0 : i32
    %c0_i32_0 = arith.constant 0 : i32
    return %arg0, %c0_i32 : i32, i32
  }
  func.func @transform_1(%arg0: i32) -> (i32, i32) {
    %c0_i32 = arith.constant 0 : i32
    %c0_i32_0 = arith.constant 0 : i32
    return %arg0, %c0_i32 : i32, i32
  }
  func.func @transform_2(%arg0: i32) -> (i32, i32) {
    %c0_i32 = arith.constant 0 : i32
    %c0_i32_0 = arith.constant 0 : i32
    %c0_i32_1 = arith.constant 0 : i32
    return %c0_i32, %c0_i32_0 : i32, i32
  }
  func.func @transform_3(%arg0: i32) -> (i32, i32) {
    %c0_i32 = arith.constant 0 : i32
    %c0_i32_0 = arith.constant 0 : i32
    %c0_i32_1 = arith.constant 0 : i32
    return %c0_i32, %c0_i32_0 : i32, i32
  }
  func.func @transform_4(%arg0: i32) -> (i32, i32) {
    %c0_i32 = arith.constant 0 : i32
    %c0_i32_0 = arith.constant 0 : i32
    %c0_i32_1 = arith.constant 0 : i32
    return %c0_i32, %c0_i32_0 : i32, i32
  }
  func.func @transform_5(%arg0: i32) -> (i32, i32) {
    %c0_i32 = arith.constant 0 : i32
    %c0_i32_0 = arith.constant 0 : i32
    return %arg0, %c0_i32 : i32, i32
  }
}

module attributes {stable_mosaic.version = 14 : i64} {
  func.func @_tc2_body(%arg0: i32, %arg1: memref<2x1000x128xf32, #tpu.memory_space<vmem>>, %arg2: memref<1000x128xf32, #tpu.memory_space<vmem>>, %arg3: memref<64x128xf32, #tpu.memory_space<vmem>>, %arg4: memref<128x1xf32, #tpu.memory_space<vmem>>, %arg5: memref<128x1xf32, #tpu.memory_space<vmem>>, %arg6: memref<1x64xf32, #tpu.memory_space<vmem>>, %arg7: memref<8x64xf32, #tpu.memory_space<vmem>>, %arg8: memref<1000x128xf32, #tpu.memory_space<vmem>>, %arg9: memref<1000x1xf32, #tpu.memory_space<vmem>>, %arg10: memref<1000x1xf32, #tpu.memory_space<vmem>>) attributes {dimension_semantics = [#tpu.dimension_semantics<arbitrary>], iteration_bounds = array<i64: 10>, scalar_prefetch = 0 : i64, scratch_operands = 0 : i64, tpu.core_type = #tpu.core_type<tc>, window_params = [{transform_indices = @transform_0, window_bounds = array<i64: 2, 1000, 128>}, {transform_indices = @transform_1, window_bounds = array<i64: 1000, 128>}, {pipeline_mode = #tpu.pipeline_mode<synchronous>, transform_indices = @transform_2, window_bounds = array<i64: 64, 128>}, {pipeline_mode = #tpu.pipeline_mode<synchronous>, transform_indices = @transform_3, window_bounds = array<i64: 128, 1>}, {pipeline_mode = #tpu.pipeline_mode<synchronous>, transform_indices = @transform_4, window_bounds = array<i64: 128, 1>}, {pipeline_mode = #tpu.pipeline_mode<synchronous>, transform_indices = @transform_5, window_bounds = array<i64: 1, 64>}, {pipeline_mode = #tpu.pipeline_mode<synchronous>, transform_indices = @transform_6, window_bounds = array<i64: 8, 64>}, {transform_indices = @transform_7, window_bounds = array<i64: 1000, 128>}, {transform_indices = @transform_8, window_bounds = array<i64: 1000, 1>}, {transform_indices = @transform_9, window_bounds = array<i64: 1000, 1>}]} {
    %get3A = arith.constant 0 : index
    %get3A_0 = arith.constant 0 : index
    %get3A_1 = vector.load %arg2[%get3A, %get3A_0] : memref<1000x128xf32, #tpu.memory_space<vmem>>, vector<1000x128xf32>
    %slice3A = vector.extract_strided_slice %get3A_1 {offsets = [0, 0], sizes = [1000, 64], strides = [1, 1]} : vector<1000x128xf32> to vector<1000x64xf32>
    %slice3A_2 = vector.extract_strided_slice %get3A_1 {offsets = [0, 64], sizes = [1000, 8], strides = [1, 1]} : vector<1000x128xf32> to vector<1000x8xf32>
    %slice3A_3 = vector.extract_strided_slice %get3A_1 {offsets = [0, 72], sizes = [1000, 8], strides = [1, 1]} : vector<1000x128xf32> to vector<1000x8xf32>
    %add3A = arith.addf %slice3A_2, %slice3A_3 : vector<1000x8xf32>
    %mul3A = arith.constant 2.000000e-01 : f32
    %mul3A_4 = vector.broadcast %mul3A : f32 to vector<1000x8xf32>
    %mul3A_5 = arith.mulf %mul3A_4, %add3A : vector<1000x8xf32>
    %max3A = arith.maximumf %add3A, %mul3A_5 : vector<1000x8xf32>
    %exp3A = math.exp %max3A : vector<1000x8xf32>
    %get3A_6 = arith.constant 0 : index
    %get3A_7 = arith.constant 0 : index
    %get3A_8 = arith.constant 0 : index
    %get3A_9 = vector.load %arg1[%get3A_6, %get3A_7, %get3A_8] : memref<2x1000x128xf32, #tpu.memory_space<vmem>>, vector<1x1000x128xf32>
    %get3A_10 = vector.shape_cast %get3A_9 : vector<1x1000x128xf32> to vector<1000x128xf32>
    %get3A_11 = arith.constant 1 : index
    %get3A_12 = arith.constant 0 : index
    %get3A_13 = arith.constant 0 : index
    %get3A_14 = vector.load %arg1[%get3A_11, %get3A_12, %get3A_13] : memref<2x1000x128xf32, #tpu.memory_space<vmem>>, vector<1x1000x128xf32>
    %get3A_15 = vector.shape_cast %get3A_14 : vector<1x1000x128xf32> to vector<1000x128xf32>
    %add3A_16 = arith.addf %get3A_10, %get3A_15 : vector<1000x128xf32>
    %get3A_17 = arith.constant 0 : index
    %get3A_18 = arith.constant 0 : index
    %get3A_19 = vector.load %arg7[%get3A_17, %get3A_18] : memref<8x64xf32, #tpu.memory_space<vmem>>, vector<8x64xf32>
    %slice3A_20 = vector.extract_strided_slice %add3A_16 {offsets = [0, 0], sizes = [1000, 64], strides = [1, 1]} : vector<1000x128xf32> to vector<1000x64xf32>
    %dot_general3A = arith.constant dense<0.000000e+00> : vector<1000x64xf32>
    %dot_general3A_21 = tpu.matmul %exp3A, %get3A_19, %dot_general3A {dimension_numbers = #tpu.dot_dimension_numbers<[1], [0], [0], [1], [0, 0, 1, 1], [], []>, transpose_lhs_hint = false} : vector<1000x8xf32>, vector<8x64xf32>, vector<1000x64xf32> -> vector<1000x64xf32>
    %mul3A_22 = arith.mulf %slice3A, %dot_general3A_21 : vector<1000x64xf32>
    %add3A_23 = arith.addf %slice3A_20, %mul3A_22 : vector<1000x64xf32>
    %slice3A_24 = vector.extract_strided_slice %add3A_16 {offsets = [0, 64], sizes = [1000, 8], strides = [1, 1]} : vector<1000x128xf32> to vector<1000x8xf32>
    %add3A_25 = arith.addf %slice3A_24, %exp3A : vector<1000x8xf32>
    %dot_general3A_26 = arith.constant dense<0.000000e+00> : vector<1000x64xf32>
    %dot_general3A_27 = tpu.matmul %add3A_25, %get3A_19, %dot_general3A_26 {dimension_numbers = #tpu.dot_dimension_numbers<[1], [0], [0], [1], [0, 0, 1, 1], [], []>, transpose_lhs_hint = false} : vector<1000x8xf32>, vector<8x64xf32>, vector<1000x64xf32> -> vector<1000x64xf32>
    %add3A_28 = arith.constant 1.000000e-16 : f32
    %add3A_29 = vector.broadcast %add3A_28 : f32 to vector<1000x64xf32>
    %add3A_30 = arith.addf %dot_general3A_27, %add3A_29 : vector<1000x64xf32>
    %div3A = arith.constant 1.000000e+00 : f32
    %div3A_31 = vector.broadcast %div3A : f32 to vector<1000x64xf32>
    %div3A_32 = arith.divf %div3A_31, %add3A_30 : vector<1000x64xf32>
    %mul3A_33 = arith.mulf %add3A_23, %div3A_32 : vector<1000x64xf32>
    %get3A_34 = arith.constant 0 : index
    %get3A_35 = arith.constant 0 : index
    %get3A_36 = vector.load %arg6[%get3A_34, %get3A_35] : memref<1x64xf32, #tpu.memory_space<vmem>>, vector<1x64xf32>
    %add3A_37 = vector.broadcast %get3A_36 : vector<1x64xf32> to vector<1000x64xf32>
    %add3A_38 = arith.addf %mul3A_33, %add3A_37 : vector<1000x64xf32>
    %gt3A = arith.constant 0.000000e+00 : f32
    %gt3A_39 = vector.broadcast %gt3A : f32 to vector<1000x64xf32>
    %gt3A_40 = arith.cmpf ogt, %add3A_38, %gt3A_39 : vector<1000x64xf32>
    %min3A = arith.constant 0.000000e+00 : f32
    %min3A_41 = vector.broadcast %min3A : f32 to vector<1000x64xf32>
    %min3A_42 = arith.minimumf %add3A_38, %min3A_41 : vector<1000x64xf32>
    %exp3A_43 = math.exp %min3A_42 : vector<1000x64xf32>
    %sub3A = arith.constant 1.000000e+00 : f32
    %sub3A_44 = vector.broadcast %sub3A : f32 to vector<1000x64xf32>
    %sub3A_45 = arith.subf %exp3A_43, %sub3A_44 : vector<1000x64xf32>
    %select_n3A = arith.select %gt3A_40, %add3A_38, %sub3A_45 : vector<1000x64xi1>, vector<1000x64xf32>
    %get3A_46 = arith.constant 0 : index
    %get3A_47 = arith.constant 0 : index
    %get3A_48 = vector.load %arg3[%get3A_46, %get3A_47] : memref<64x128xf32, #tpu.memory_space<vmem>>, vector<64x128xf32>
    %dot_general3A_49 = arith.constant dense<0.000000e+00> : vector<1000x128xf32>
    %dot_general3A_50 = tpu.matmul %select_n3A, %get3A_48, %dot_general3A_49 {dimension_numbers = #tpu.dot_dimension_numbers<[1], [0], [0], [1], [0, 0, 1, 1], [], []>, transpose_lhs_hint = false} : vector<1000x64xf32>, vector<64x128xf32>, vector<1000x128xf32> -> vector<1000x128xf32>
    %swap3A = arith.constant 0 : index
    %swap3A_51 = arith.constant 0 : index
    %swap3A_52 = vector.load %arg8[%swap3A, %swap3A_51] : memref<1000x128xf32, #tpu.memory_space<vmem>>, vector<1000x128xf32>
    tpu.vector_store %arg8[%swap3A, %swap3A_51], %dot_general3A_50 {strides = array<i32>} : memref<1000x128xf32, #tpu.memory_space<vmem>>, vector<1000x128xf32>,
    %get3A_53 = arith.constant 0 : index
    %get3A_54 = arith.constant 0 : index
    %get3A_55 = vector.load %arg4[%get3A_53, %get3A_54] : memref<128x1xf32, #tpu.memory_space<vmem>>, vector<128x1xf32>
    %dot_general3A_56 = arith.constant dense<0.000000e+00> : vector<1000x1xf32>
    %dot_general3A_57 = tpu.matmul %dot_general3A_50, %get3A_55, %dot_general3A_56 {dimension_numbers = #tpu.dot_dimension_numbers<[1], [0], [0], [1], [0, 0, 1, 1], [], []>, transpose_lhs_hint = false} : vector<1000x128xf32>, vector<128x1xf32>, vector<1000x1xf32> -> vector<1000x1xf32>
    %swap3A_58 = arith.constant 0 : index
    %swap3A_59 = arith.constant 0 : index
    %swap3A_60 = vector.load %arg9[%swap3A_58, %swap3A_59] : memref<1000x1xf32, #tpu.memory_space<vmem>>, vector<1000x1xf32>
    tpu.vector_store %arg9[%swap3A_58, %swap3A_59], %dot_general3A_57 {strides = array<i32>} : memref<1000x1xf32, #tpu.memory_space<vmem>>, vector<1000x1xf32>,
    %get3A_61 = arith.constant 0 : index
    %get3A_62 = arith.constant 0 : index
    %get3A_63 = vector.load %arg5[%get3A_61, %get3A_62] : memref<128x1xf32, #tpu.memory_space<vmem>>, vector<128x1xf32>
    %dot_general3A_64 = arith.constant dense<0.000000e+00> : vector<1000x1xf32>
    %dot_general3A_65 = tpu.matmul %dot_general3A_50, %get3A_63, %dot_general3A_64 {dimension_numbers = #tpu.dot_dimension_numbers<[1], [0], [0], [1], [0, 0, 1, 1], [], []>, transpose_lhs_hint = false} : vector<1000x128xf32>, vector<128x1xf32>, vector<1000x1xf32> -> vector<1000x1xf32>
    %swap3A_66 = arith.constant 0 : index
    %swap3A_67 = arith.constant 0 : index
    %swap3A_68 = vector.load %arg10[%swap3A_66, %swap3A_67] : memref<1000x1xf32, #tpu.memory_space<vmem>>, vector<1000x1xf32>
    tpu.vector_store %arg10[%swap3A_66, %swap3A_67], %dot_general3A_65 {strides = array<i32>} : memref<1000x1xf32, #tpu.memory_space<vmem>>, vector<1000x1xf32>,
    return
  }
  func.func @transform_0(%arg0: i32) -> (i32, i32, i32) {
    %c0_i32 = arith.constant 0 : i32
    %c0_i32_0 = arith.constant 0 : i32
    %c0_i32_1 = arith.constant 0 : i32
    return %c0_i32, %arg0, %c0_i32_0 : i32, i32, i32
  }
  func.func @transform_1(%arg0: i32) -> (i32, i32) {
    %c0_i32 = arith.constant 0 : i32
    %c0_i32_0 = arith.constant 0 : i32
    return %arg0, %c0_i32 : i32, i32
  }
  func.func @transform_2(%arg0: i32) -> (i32, i32) {
    %c0_i32 = arith.constant 0 : i32
    %c0_i32_0 = arith.constant 0 : i32
    %c0_i32_1 = arith.constant 0 : i32
    return %c0_i32, %c0_i32_0 : i32, i32
  }
  func.func @transform_3(%arg0: i32) -> (i32, i32) {
    %c0_i32 = arith.constant 0 : i32
    %c0_i32_0 = arith.constant 0 : i32
    %c0_i32_1 = arith.constant 0 : i32
    return %c0_i32, %c0_i32_0 : i32, i32
  }
  func.func @transform_4(%arg0: i32) -> (i32, i32) {
    %c0_i32 = arith.constant 0 : i32
    %c0_i32_0 = arith.constant 0 : i32
    %c0_i32_1 = arith.constant 0 : i32
    return %c0_i32, %c0_i32_0 : i32, i32
  }
  func.func @transform_5(%arg0: i32) -> (i32, i32) {
    %c0_i32 = arith.constant 0 : i32
    %c0_i32_0 = arith.constant 0 : i32
    %c0_i32_1 = arith.constant 0 : i32
    return %c0_i32, %c0_i32_0 : i32, i32
  }
  func.func @transform_6(%arg0: i32) -> (i32, i32) {
    %c0_i32 = arith.constant 0 : i32
    %c0_i32_0 = arith.constant 0 : i32
    %c0_i32_1 = arith.constant 0 : i32
    return %c0_i32, %c0_i32_0 : i32, i32
  }
  func.func @transform_7(%arg0: i32) -> (i32, i32) {
    %c0_i32 = arith.constant 0 : i32
    %c0_i32_0 = arith.constant 0 : i32
    return %arg0, %c0_i32 : i32, i32
  }
  func.func @transform_8(%arg0: i32) -> (i32, i32) {
    %c0_i32 = arith.constant 0 : i32
    %c0_i32_0 = arith.constant 0 : i32
    return %arg0, %c0_i32 : i32, i32
  }
  func.func @transform_9(%arg0: i32) -> (i32, i32) {
    %c0_i32 = arith.constant 0 : i32
    %c0_i32_0 = arith.constant 0 : i32
    return %arg0, %c0_i32 : i32, i32
  }
}

module attributes {stable_mosaic.version = 14 : i64} {
  func.func @_tcden_body(%arg0: i32, %arg1: memref<32x80x128xf32, #tpu.memory_space<vmem>>, %arg2: memref<80x128xf32, #tpu.memory_space<vmem>>) attributes {dimension_semantics = [#tpu.dimension_semantics<arbitrary>], iteration_bounds = array<i64: 1>, scalar_prefetch = 0 : i64, scratch_operands = 0 : i64, tpu.core_type = #tpu.core_type<tc>, window_params = [{pipeline_mode = #tpu.pipeline_mode<synchronous>, transform_indices = @transform_0, window_bounds = array<i64: 32, 80, 128>}, {pipeline_mode = #tpu.pipeline_mode<synchronous>, transform_indices = @transform_1, window_bounds = array<i64: 80, 128>}]} {
    %get3A = arith.constant 0 : index
    %get3A_0 = arith.constant 0 : index
    %get3A_1 = arith.constant 0 : index
    %get3A_2 = vector.load %arg1[%get3A, %get3A_0, %get3A_1] : memref<32x80x128xf32, #tpu.memory_space<vmem>>, vector<32x80x128xf32>
    %reduce_sum3A = arith.constant dense<0.000000e+00> : vector<80x128xf32>
    %reduce_sum3A_3 = vector.multi_reduction <add>, %get3A_2, %reduce_sum3A [0] : vector<32x80x128xf32> to vector<80x128xf32>
    %swap3A = arith.constant 0 : index
    %swap3A_4 = arith.constant 0 : index
    %swap3A_5 = vector.load %arg2[%swap3A, %swap3A_4] : memref<80x128xf32, #tpu.memory_space<vmem>>, vector<80x128xf32>
    tpu.vector_store %arg2[%swap3A, %swap3A_4], %reduce_sum3A_3 {strides = array<i32>} : memref<80x128xf32, #tpu.memory_space<vmem>>, vector<80x128xf32>,
    return
  }
  func.func @transform_0(%arg0: i32) -> (i32, i32, i32) {
    %c0_i32 = arith.constant 0 : i32
    %c0_i32_0 = arith.constant 0 : i32
    %c0_i32_1 = arith.constant 0 : i32
    %c0_i32_2 = arith.constant 0 : i32
    return %c0_i32, %c0_i32_0, %c0_i32_1 : i32, i32, i32
  }
  func.func @transform_1(%arg0: i32) -> (i32, i32) {
    %c0_i32 = arith.constant 0 : i32
    %c0_i32_0 = arith.constant 0 : i32
    %c0_i32_1 = arith.constant 0 : i32
    return %c0_i32, %c0_i32_0 : i32, i32
  }
}

module attributes {stable_mosaic.version = 14 : i64} {
  func.func @_tc3_body(%arg0: i32, %arg1: memref<2x1000x128xf32, #tpu.memory_space<vmem>>, %arg2: memref<1000x128xf32, #tpu.memory_space<vmem>>, %arg3: memref<1000x1xf32, #tpu.memory_space<vmem>>, %arg4: memref<1000x1xf32, #tpu.memory_space<vmem>>, %arg5: memref<1000x1xf32, #tpu.memory_space<vmem>>, %arg6: memref<1x128xf32, #tpu.memory_space<vmem>>, %arg7: memref<1000x128xf32, #tpu.memory_space<vmem>>) attributes {dimension_semantics = [#tpu.dimension_semantics<arbitrary>], iteration_bounds = array<i64: 10>, scalar_prefetch = 0 : i64, scratch_operands = 0 : i64, tpu.core_type = #tpu.core_type<tc>, window_params = [{transform_indices = @transform_0, window_bounds = array<i64: 2, 1000, 128>}, {transform_indices = @transform_1, window_bounds = array<i64: 1000, 128>}, {transform_indices = @transform_2, window_bounds = array<i64: 1000, 1>}, {transform_indices = @transform_3, window_bounds = array<i64: 1000, 1>}, {transform_indices = @transform_4, window_bounds = array<i64: 1000, 1>}, {pipeline_mode = #tpu.pipeline_mode<synchronous>, transform_indices = @transform_5, window_bounds = array<i64: 1, 128>}, {transform_indices = @transform_6, window_bounds = array<i64: 1000, 128>}]} {
    %get3A = arith.constant 0 : index
    %get3A_0 = arith.constant 0 : index
    %get3A_1 = vector.load %arg2[%get3A, %get3A_0] : memref<1000x128xf32, #tpu.memory_space<vmem>>, vector<1000x128xf32>
    %get3A_2 = arith.constant 0 : index
    %get3A_3 = arith.constant 0 : index
    %get3A_4 = vector.load %arg3[%get3A_2, %get3A_3] : memref<1000x1xf32, #tpu.memory_space<vmem>>, vector<1000x1xf32>
    %get3A_5 = arith.constant 0 : index
    %get3A_6 = arith.constant 0 : index
    %get3A_7 = vector.load %arg4[%get3A_5, %get3A_6] : memref<1000x1xf32, #tpu.memory_space<vmem>>, vector<1000x1xf32>
    %add3A = arith.addf %get3A_4, %get3A_7 : vector<1000x1xf32>
    %mul3A = arith.constant 2.000000e-01 : f32
    %mul3A_8 = vector.broadcast %mul3A : f32 to vector<1000x1xf32>
    %mul3A_9 = arith.mulf %mul3A_8, %add3A : vector<1000x1xf32>
    %max3A = arith.maximumf %add3A, %mul3A_9 : vector<1000x1xf32>
    %exp3A = math.exp %max3A : vector<1000x1xf32>
    %get3A_10 = arith.constant 0 : index
    %get3A_11 = arith.constant 0 : index
    %get3A_12 = arith.constant 0 : index
    %get3A_13 = vector.load %arg1[%get3A_10, %get3A_11, %get3A_12] : memref<2x1000x128xf32, #tpu.memory_space<vmem>>, vector<1x1000x128xf32>
    %get3A_14 = vector.shape_cast %get3A_13 : vector<1x1000x128xf32> to vector<1000x128xf32>
    %get3A_15 = arith.constant 1 : index
    %get3A_16 = arith.constant 0 : index
    %get3A_17 = arith.constant 0 : index
    %get3A_18 = vector.load %arg1[%get3A_15, %get3A_16, %get3A_17] : memref<2x1000x128xf32, #tpu.memory_space<vmem>>, vector<1x1000x128xf32>
    %get3A_19 = vector.shape_cast %get3A_18 : vector<1x1000x128xf32> to vector<1000x128xf32>
    %add3A_20 = arith.addf %get3A_14, %get3A_19 : vector<1000x128xf32>
    %mul3A_21 = vector.broadcast %exp3A : vector<1000x1xf32> to vector<1000x128xf32>
    %mul3A_22 = arith.mulf %get3A_1, %mul3A_21 : vector<1000x128xf32>
    %add3A_23 = arith.addf %add3A_20, %mul3A_22 : vector<1000x128xf32>
    %get3A_24 = arith.constant 0 : index
    %get3A_25 = arith.constant 0 : index
    %get3A_26 = vector.load %arg5[%get3A_24, %get3A_25] : memref<1000x1xf32, #tpu.memory_space<vmem>>, vector<1000x1xf32>
    %add3A_27 = arith.addf %get3A_26, %exp3A : vector<1000x1xf32>
    %add3A_28 = arith.constant 1.000000e-16 : f32
    %add3A_29 = vector.broadcast %add3A_28 : f32 to vector<1000x1xf32>
    %add3A_30 = arith.addf %add3A_27, %add3A_29 : vector<1000x1xf32>
    %div3A = vector.broadcast %add3A_30 : vector<1000x1xf32> to vector<1000x128xf32>
    %div3A_31 = arith.divf %add3A_23, %div3A : vector<1000x128xf32>
    %get3A_32 = arith.constant 0 : index
    %get3A_33 = arith.constant 0 : index
    %get3A_34 = vector.load %arg6[%get3A_32, %get3A_33] : memref<1x128xf32, #tpu.memory_space<vmem>>, vector<1x128xf32>
    %add3A_35 = vector.broadcast %get3A_34 : vector<1x128xf32> to vector<1000x128xf32>
    %add3A_36 = arith.addf %div3A_31, %add3A_35 : vector<1000x128xf32>
    %swap3A = arith.constant 0 : index
    %swap3A_37 = arith.constant 0 : index
    %swap3A_38 = vector.load %arg7[%swap3A, %swap3A_37] : memref<1000x128xf32, #tpu.memory_space<vmem>>, vector<1000x128xf32>
    tpu.vector_store %arg7[%swap3A, %swap3A_37], %add3A_36 {strides = array<i32>} : memref<1000x128xf32, #tpu.memory_space<vmem>>, vector<1000x128xf32>,
    return
  }
  func.func @transform_0(%arg0: i32) -> (i32, i32, i32) {
    %c0_i32 = arith.constant 0 : i32
    %c0_i32_0 = arith.constant 0 : i32
    %c0_i32_1 = arith.constant 0 : i32
    return %c0_i32, %arg0, %c0_i32_0 : i32, i32, i32
  }
  func.func @transform_1(%arg0: i32) -> (i32, i32) {
    %c0_i32 = arith.constant 0 : i32
    %c0_i32_0 = arith.constant 0 : i32
    return %arg0, %c0_i32 : i32, i32
  }
  func.func @transform_2(%arg0: i32) -> (i32, i32) {
    %c0_i32 = arith.constant 0 : i32
    %c0_i32_0 = arith.constant 0 : i32
    return %arg0, %c0_i32 : i32, i32
  }
  func.func @transform_3(%arg0: i32) -> (i32, i32) {
    %c0_i32 = arith.constant 0 : i32
    %c0_i32_0 = arith.constant 0 : i32
    return %arg0, %c0_i32 : i32, i32
  }
  func.func @transform_4(%arg0: i32) -> (i32, i32) {
    %c0_i32 = arith.constant 0 : i32
    %c0_i32_0 = arith.constant 0 : i32
    return %arg0, %c0_i32 : i32, i32
  }
  func.func @transform_5(%arg0: i32) -> (i32, i32) {
    %c0_i32 = arith.constant 0 : i32
    %c0_i32_0 = arith.constant 0 : i32
    %c0_i32_1 = arith.constant 0 : i32
    return %c0_i32, %c0_i32_0 : i32, i32
  }
  func.func @transform_6(%arg0: i32) -> (i32, i32) {
    %c0_i32 = arith.constant 0 : i32
    %c0_i32_0 = arith.constant 0 : i32
    return %arg0, %c0_i32 : i32, i32
  }
}

</mosaic_0001>

<sc_bundles>
// kernel: kernel.11.cloned.1.call-start
scs
__scs_entry_jumppad:
0x0: {  	(pc) =	sbr.rel $0x88, $3  }
0x1: {  	(tag) =	ssettag $0x0;
	lr =	simm.s32 $0x1  }
0x2: {  	[smem:$0x3F96] =	sst lr;
	_ =	strace $0xD0000000  }
0x3: {  	_ = 	snop  }
0x4: {  	_ = 	snop  }
0x5: {  	_ = 	snop  }
0x6: {  	_ = 	snop  }
0x7: {  	_ = 	snop  }
__scs_overlays_trampoline_lowered:
0x8: {  	[smem:$0x3FA5] =	sst s0  }
0x9: {  	[smem:$0x3FA6] =	sst s1  }
0xa: {  	[smem:$0x3FA7] =	sst s2  }
0xb: {  	[smem:$0x3FA8] =	sst s3  }
0xc: {  	[smem:$0x3FA9] =	sst s4  }
0xd: {  	[smem:$0x3FAA] =	sst s5  }
0xe: {  	[smem:$0x3FAB] =	sst s6  }
0xf: {  	[smem:$0x3FAC] =	sst s7  }
0x10: {  	[smem:$0x3FAD] =	sst s8  }
0x11: {  	[smem:$0x3FAE] =	sst s9;
	s0 =	simm.s32 @!p0 $0x0  }
0x12: {  	s1 =	sld [smem:$0x3F94];
	s0 =	simm.s32 @p0 $0x1  }
0x13: {  	[smem:$0x3FAF] =	sst s0;
	s0 =	simm.s32 @!p1 $0x0  }
0x14: {  	s2 =	sld [smem:$0x3F93];
	s0 =	simm.s32 @p1 $0x1  }
0x15: {  	[smem:$0x3FB0] =	sst s0;
	s0 =	simm.s32 @!p2 $0x0  }
0x16: {  	s3 =	sld [smem:$0x3FDB];
	s0 =	simm.s32 @p2 $0x1  }
0x17: {  	s4 =	simm.s32 $0x1BF5;
	[smem:$0x3FB2] =	sst s0  }
0x18: {  	s0 =	sld [smem:$0x3F95];
	_ =	swait.ge [sflag:s4], $0x0  }
0x19: {  	s7 =	sld [smem:$0x3F96]  }
0x1a: {  	s8 =	sadd.s32 $0xFFFFE003, lr  }
0x1b: {  	s9 =	sadd.s32 $0xFFFFFEF7, lr;
	s5 =	simm.s32 $0xFFFFFFFF;
	p2 =	slt.u32 s8, $0xFFFFF086  }
0x1c: {  	p1 =	slt.u32 s9, $0xF7A;
	s5 =	simm.s32 @!p2 $0x0  }
0x1d: {  	s5 =	simm.s32 @p1 $0x1;
	p0 =	seq.s32 s7, s2  }
0x1e: {  	s7 =	smul.u32 @!p0 $0xF7A, s2;
	p2 =	seq.s32 @!p0 s5, $0x0  }
0x1f: {  	s9 =	smul.u32 $0xF7A, s1;
	s8 =	simm.s32 @!p0 $0x1BF5;
	p2 =	por !p2, p0  }
0x20: {  	[sflag:s8] =	ssyncset.s32 @!p0 $0xFFFFF086;
	s6 =	sadd.s32 @!p0 s3, s7;
	s7 =	simm.s32 @!p0 $0x108  }
0x21: {  	s3 =	sadd.s32 s3, s9;
	s6 =	sadd.s32 @!p0 $0x88, s6;
	s7 =	simm.s32 @p2 $0x1082  }
0x22: {  	[simem:s7], [sflag:s8] =	dma.local @!p0 [hbm:s6], $0xF7A  }
0x23: {  	s9 =	sor.u32 $0xD0000000, s2;
	s6 =	simm.s32 $0x108;
	_ =	swait.ge @!p0 [sflag:s8], $0x0  }
0x24: {  	s3 =	sadd.s32 $0x88, s3;
	s6 =	simm.s32 @!p1 $0x1082;
	[sflag:s4] =	ssyncset.s32 $0xFFFFF086  }
0x25: {  	[simem:s6], [sflag:s4] =	dma.local [hbm:s3], $0xF7A  }
0x26: {  	[smem:$0x3F96] =	sst s1;
	(tag) =	ssettag s2;
	_ =	strace s9  }
0x27: {  	s1 =	sld [smem:$0x3FA6]  }
0x28: {  	s2 =	sld [smem:$0x3FA7]  }
0x29: {  	s4 =	sld [smem:$0x3FA9]  }
0x2a: {  	p0 =	seq.s32 s5, $0x0;
	s5 =	sld [smem:$0x3FAA]  }
0x2b: {  	s6 =	sld [smem:$0x3FAB]  }
0x2c: {  	s7 =	sld [smem:$0x3FAC]  }
0x2d: {  	s3 =	simm.s32 $0x108;
	s8 =	sld [smem:$0x3FAD]  }
0x2e: {  	s3 =	simm.s32 @!p0 $0x1082;
	s9 =	sld [smem:$0x3FAE]  }
0x2f: {  	lr =	sadd.s32 s0, s3;
	s0 =	sld [smem:$0x3FA5]  }
0x30: {  	s3 =	sld [smem:$0x3FA8]  }
0x31: {  	[smem:$0x3FB1] =	sst s10  }
0x32: {  	s10 =	sld [smem:$0x3FAF];
	_ =	sdelay $0x3  }
0x33: {  	p0 =	seq.s32 s10, $0x1;
	s10 =	sld [smem:$0x3FB1];
	_ =	sdelay $0x3  }
0x34: {  	[smem:$0x3FB1] =	sst s10  }
0x35: {  	s10 =	sld [smem:$0x3FB0];
	_ =	sdelay $0x3  }
0x36: {  	p1 =	seq.s32 s10, $0x1;
	s10 =	sld [smem:$0x3FB1];
	_ =	sdelay $0x3  }
0x37: {  	[smem:$0x3FB1] =	sst s10  }
0x38: {  	s10 =	sld [smem:$0x3FB2]  }
0x39: {  	_ = 	snop;
	(pc) =	sbr.ind lr, $3  }
0x3a: {  	_ = 	snop  }
0x3b: {  	_ = 	snop  }
0x3c: {  	p2 =	seq.s32 s10, $0x1;
	s10 =	sld [smem:$0x3FB1]  }
0x3d: {  	_ =	shalt  }
0x3e: {  	_ =	shalt  }
0x3f: {  	_ =	shalt  }
0x40: {  	_ =	shalt  }
0x41: {  	_ =	shalt  }
0x42: {  	_ =	shalt  }
0x43: {  	_ =	shalt  }
0x44: {  	_ =	shalt  }
0x45: {  	_ =	shalt  }
0x46: {  	_ =	shalt  }
0x47: {  	_ =	shalt  }
0x48: {  	_ =	shalt  }
0x49: {  	_ =	shalt  }
0x4a: {  	_ =	shalt  }
0x4b: {  	_ =	shalt  }
0x4c: {  	_ =	shalt  }
0x4d: {  	_ =	shalt  }
0x4e: {  	_ =	shalt  }
0x4f: {  	_ =	shalt  }
0x50: {  	_ =	shalt  }
0x51: {  	_ =	shalt  }
0x52: {  	_ =	shalt  }
0x53: {  	_ =	shalt  }
0x54: {  	_ =	shalt  }
0x55: {  	_ =	shalt  }
0x56: {  	_ =	shalt  }
0x57: {  	_ =	shalt  }
0x58: {  	_ =	shalt  }
0x59: {  	_ =	shalt  }
0x5a: {  	_ =	shalt  }
0x5b: {  	_ =	shalt  }
0x5c: {  	_ =	shalt  }
0x5d: {  	_ =	shalt  }
0x5e: {  	_ =	shalt  }
0x5f: {  	_ =	shalt  }
0x60: {  	_ =	shalt  }
0x61: {  	_ =	shalt  }
0x62: {  	_ =	shalt  }
0x63: {  	_ =	shalt  }
0x64: {  	_ =	shalt  }
0x65: {  	_ =	shalt  }
0x66: {  	_ =	shalt  }
0x67: {  	_ =	shalt  }
0x68: {  	_ =	shalt  }
0x69: {  	_ =	shalt  }
0x6a: {  	_ =	shalt  }
0x6b: {  	_ =	shalt  }
0x6c: {  	_ =	shalt  }
0x6d: {  	_ =	shalt  }
0x6e: {  	_ =	shalt  }
0x6f: {  	_ =	shalt  }
0x70: {  	_ =	shalt  }
0x71: {  	_ =	shalt  }
0x72: {  	_ =	shalt  }
0x73: {  	_ =	shalt  }
0x74: {  	_ =	shalt  }
0x75: {  	_ =	shalt  }
0x76: {  	_ =	shalt  }
0x77: {  	_ =	shalt  }
0x78: {  	_ =	shalt  }
0x79: {  	_ =	shalt  }
0x7a: {  	_ =	shalt  }
0x7b: {  	_ =	shalt  }
0x7c: {  	_ =	shalt  }
0x7d: {  	_ =	shalt  }
0x7e: {  	_ =	shalt  }
0x7f: {  	_ =	shalt  }
0x80: {  	_ =	shalt  }
0x81: {  	_ =	shalt  }
0x82: {  	_ =	shalt  }
0x83: {  	_ =	shalt  }
0x84: {  	_ =	shalt  }
0x85: {  	_ =	shalt  }
0x86: {  	_ =	shalt  }
0x87: {  	_ =	shalt  }
.Lfunc_end0:
.L_simem_size_0:
called_computation.1_lowered:
.L_overlay_start_0:
0x88: {  	s2 =	sld [smem:$0x3FD9]  }
0x89: {  	s3 =	sld [smem:$0x3FFE];
	_ =	sdelay $0x1  }
0x8a: {  	s1 =	srdreg.scid  }
0x8b: {  	s0 =	sand.u32 $0x1, s1  }
0x8c: {  	s17 =	sshll.u32 s0, $0xA;
	s2 =	sadd.s32 s3, s2  }
0x8d: {  	s2 =	sadd.s32 s2, s17  }
0x8e: {  	[smem:$0x3FBD] =	sst s2  }
0x8f: {  	_ = 	snop  }
0x90: {  	s2 =	sld [smem:$0x3FD0];
	(tm) =	ssettm $0x1  }
0x91: {  	s18 =	sld [smem:$0x3FFB];
	_ =	sdelay $0x3  }
0x92: {  	_ =	strace s18  }
0x93: {  	s3 =	sld [smem:$0x3FFC];
	_ =	sdelay $0x3  }
0x94: {  	_ =	strace s3  }
0x95: {  	s3 =	sld [smem:$0x3FFD];
	_ =	sdelay $0x3  }
0x96: {  	_ =	strace s3  }
0x97: {  	_ =	strace $0x8FFFFFFF  }
0x98: {  	s19 =	sld [smem:$0x3FDB];
	_ =	sdelay $0x1  }
0x99: {  	s4 =	simm.s32 $_scs_section_size  }
0x9a: {  	s5 =	simm.s32 $_size__tile_overlayer_lowered;
	s6 =	simm.s32 $_tile_overlayer_lowered  }
0x9b: {  	s22 =	simm.s32 $0x1BFF;
	s21 =	sshll.u32 s6, $0x1;
	s3 =	sadd.s32 s4, s19  }
0x9c: {  	s7 =	simm.s32 $0x0;
	s20 =	sshll.u32 s5, $0x1;
	s5 =	sadd.s32 s21, s3  }
0x9d: {  	[timem:s7], [sflag:s22] =	dma.local [hbm:s5], s20  }
0x9e: {  	_ =	swait.ge [sflag:s22], s20  }
0x9f: {  	s4 =	ssub.s32 $0x0, s20;
	[sflag:s22] =	ssyncset.done $0x0  }
0xa0: {  	[sflag:s22] =	ssyncadd.s32 s4;
	_ =	sdelay $0x1  }
0xa1: {  	s23 =	simm.s32 $0x1B8B  }
0xa2: {  	_ =	swait.ge [sflag:s23], $0x1  }
0xa3: {  	[sflag:s23] =	ssyncset.done $0x0  }
0xa4: {  	s25 =	simm.s32 $0x1B8E;
	s24 =	sld [smem:$0x3FFE];
	[sflag:s23] =	ssyncadd.s32 $0xFFFFFFFF  }
0xa5: {  	s26 =	simm.s32 $execute0_lowered;
	[smem:$0x3FD2] =	sst s25  }
0xa6: {  	s5 =	sshll.u32 s26, $0x1;
	_ =	strace $0x80000049;
	[dreg:$0x1] =	wrdreg $0xFFFFFFFF  }
0xa7: {  	s28 =	simm.s32 $_size_execute0_lowered;
	s3 =	sadd.s32 s3, s5;
	[dreg:$0x0] =	wrdreg $0x0  }
0xa8: {  	s5 =	sshll.u32 s28, $0x1;
	[dreg:$0x2] =	wrdreg s3  }
0xa9: {  	[dreg:$0x3] =	wrdreg s5  }
0xaa: {  	[dreg:$0x4] =	wrdreg $0xC0  }
0xab: {  	_ =	task [dreg:s7], $0x5FFFF  }
0xac: {  	[dreg:$0x1] =	wrdreg $0xFFFFFFFF  }
0xad: {  	[dreg:$0x0] =	wrdreg $0x60  }
0xae: {  	[dreg:$0x2] =	wrdreg s24  }
0xaf: {  	[dreg:$0x3] =	wrdreg s2  }
0xb0: {  	[dreg:$0x4] =	wrdreg $0xB9400  }
0xb1: {  	[dreg:$0x5] =	wrdreg $0x9  }
0xb2: {  	_ =	task.clear_ibuf [dreg:s7], $0x6FFFF;
	_ =	strace $0x90000049  }
0xb3: {  	s29 =	simm.s32 $0x9;
	_ =	strace $0x8000004B  }
0xb4: {  	_ =	swait.ge [sflag:s29], $0x1  }
0xb5: {  	[sflag:s29] =	ssyncadd.s32 $0xFFFFFFFF  }
0xb6: {  	_ =	strace $0x9000004B  }
0xb7: {  	_ =	sfence  }
0xb8: {  	s30 =	sld [smem:$0x0];
	_ =	sdelay $0x2  }
0xb9: {  	s31 =	sshll.u32 s1, $0xD;
	s1 =	sshrl.u32 s1, $0x2  }
0xba: {  	s3 =	sand.u32 $0x4000, s31;
	s1 =	sadd.s32 s1, s30  }
0xbb: {  	s0 =	sor.u32 s3, s0;
	s1 =	sshll.u32 s1, $0x11  }
0xbc: {  	s0 =	sor.u32 s1, s0  }
0xbd: {  	s0 =	sadd.s32 $0x8F2B, s0  }
0xbe: {  	[sflag:s0] =	ssyncadd.remote.s32 $0x1  }
0xbf: {  	_ =	sfence.sel $0xFFFF  }
0xc0: {  	[dreg:$0x0] =	wrdreg $0xFFFFFFFF;
	(pc) =	sbr.abs _section_cstart, $3  }
0xc1: {  	[dreg:$0x1] =	wrdreg $0xFFFFFFFF  }
0xc2: {  	_ =	task.clear_ibuf [dreg:s7], $0x2FFFF;
	_ =	strace $0x9FFFFFFF  }
0xc3: {  	(tm) =	ssettm $0x7FFFFFFF  }
tec
execute0_lowered:
.L_overlay_start_1:
0x0: {  	(tag) =	ssettag $0x1  }
0x1: {  	s1 =	srdreg.scid;
	s18 =	rddreg [dreg:$0x0]  }
0x2: {  	s0 =	simm.s32 $0x0;
	s24 =	stileid.u32;
	s29 =	simm.s32 $0x100  }
0x3: {  	s30 =	simm.s32 $0xC0;
	s31 =	simm.s32 $0xB900;
	s1 =	sand.u32 $0x1, s1  }
0x4: {  	[smem:$0x7FF] =	sst s0;
	s13 =	sadd.s32 $0x20200, s18;
	s19 =	sor.u32 $0x10, s24  }
0x5: {  	s20 =	sor.u32 $0x20, s24;
	s25 =	sor.u32 $0x30, s24;
	s16 =	sor.u32 $0x40, s24  }
0x6: {  	s12 =	sor.u32 $0x50, s24;
	s15 =	sor.u32 $0x60, s24;
	s10 =	smul.u32 $0x138800, s1  }
0x7: {  	s2 =	ssub.s32 $0x2, s1;
	s3 =	sshll.u32 s1, $0x4;
	s1 =	smul.u32 $0x2800, s24  }
0x8: {  	s4 =	sshrl.u32 s2, $0x1;
	s17 =	sor.u32 s24, s3;
	s3 =	smul.u32 $0x2800, s20  }
0x9: {  	s7 =	sor.u32 $0x70, s24;
	s11 =	ssub.s32 s2, s4;
	s2 =	smul.u32 $0x2800, s19  }
0xa: {  	p0 =	sgt.u32 s7, $0x7C;
	s23 =	sadd.s32 s10, s1;
	s4 =	smul.u32 $0x2800, s25  }
0xb: {  	s25 =	smul.u32 $0xA000, s25;
	s6 =	sshrl.u32 s23, $0x3;
	s8 =	sadd.s32 s10, s3  }
0xc: {  	s11 =	smax.u32 s11, $0x1;
	s5 =	sadd.s32 s10, s2;
	s8 =	sshrl.u32 s8, $0x3  }
0xd: {  	s6 =	sadd.s32 s13, s6;
	s9 =	sshrl.u32 s5, $0x3;
	s5 =	smul.u32 $0x2800, s16  }
0xe: {  	s14 =	sadd.s32 s10, s4;
	[dreg:$0x4] =	wrdreg s6;
	s6 =	smul.u32 $0x2800, s12  }
0xf: {  	s25 =	sshrl.u32 s25, $0x2;
	s14 =	sshrl.u32 s14, $0x3;
	s16 =	smul.u32 $0xA000, s16  }
0x10: {  	s12 =	smul.u32 $0xA000, s12;
	s26 =	sadd.s32 s13, s9;
	s9 =	sadd.s32 s13, s8  }
0x11: {  	s8 =	smul.u32 $0x2800, s15;
	s14 =	sadd.s32 s13, s14;
	[dreg:$0x5] =	wrdreg s26  }
0x12: {  	s15 =	smul.u32 $0xA000, s15;
	[dreg:$0x6] =	wrdreg s9;
	s21 =	sadd.s32 s10, s5  }
0x13: {  	[dreg:$0x7] =	wrdreg s14;
	s22 =	sadd.s32 s10, s6;
	s26 =	smul.u32 $0x2800, s7  }
0x14: {  	s16 =	sshrl.u32 s16, $0x2;
	s9 =	sshrl.u32 s21, $0x3;
	s23 =	sadd.s32 s10, s8  }
0x15: {  	s7 =	smul.u32 $0xA000, s7;
	s9 =	sadd.s32 s13, s9;
	s14 =	sshrl.u32 s23, $0x3  }
0x16: {  	s21 =	sadd.s32 s10, s26;
	s10 =	rddreg [dreg:$0x2];
	s23 =	sadd.s32 $0x15600, s18  }
0x17: {  	s7 =	sshrl.u32 s7, $0x2;
	[dreg:$0x8] =	wrdreg s9;
	s9 =	sshrl.u32 s22, $0x3  }
0x18: {  	s22 =	smul.u32 $0x500, s17;
	s14 =	sadd.s32 s13, s14;
	s21 =	sshrl.u32 s21, $0x3  }
0x19: {  	s16 =	sadd.s32 s16, s10;
	s9 =	sadd.s32 s13, s9;
	[dreg:$0xa] =	wrdreg s14  }
0x1a: {  	s7 =	sadd.s32 s7, s10;
	s1 =	sadd.s32 s1, s10;
	[dreg:$0x9] =	wrdreg s9  }
0x1b: {  	s13 =	sadd.s32 s13, s21;
	s14 =	sadd.s32 $0x1A00, s18;
	s9 =	rddreg [dreg:$0x1]  }
0x1c: {  	[dreg:$0xb] =	wrdreg s13;
	s28 =	sadd.s32 s22, s18;
	s13 =	sadd.s32 $0xB800, s18  }
0x1d: {  	s18 =	sadd.s32 $0x15C00, s18;
	_ =	strace $0x8000004A;
	[dreg:$0xc] =	wrdreg s23  }
0x1e: {  	s2 =	sadd.s32 s2, s10;
	s3 =	sadd.s32 s3, s10;
	[dreg:$0xd] =	wrdreg s18  }
0x1f: {  	s4 =	sadd.s32 s4, s10;
	s5 =	sadd.s32 s5, s10;
	[dreg:$0x13] =	wrdreg s11  }
0x20: {  	s6 =	sadd.s32 s6, s10;
	s21 =	sshll.u32 s17, $0x3;
	[dreg:$0x18] =	wrdreg s16  }
0x21: {  	s1 =	sshrl.u32 s1, $0x3;
	s22 =	sor.u32 $0x40, s17;
	[dreg:$0x1b] =	wrdreg s7  }
0x22: {  	s18 =	sor.u32 $0x100, s21;
	s23 =	sadd.s32 s13, s21;
	[dreg:$0x1c] =	wrdreg s1  }
0x23: {  	s21 =	sadd.s32 s14, s21;
	s1 =	simm.s32 $0x0;
	[dreg:$0xe] =	wrdreg s23  }
0x24: {  	[dreg:$0xf] =	wrdreg s21;
	s23 =	sadd.s32 s13, s18;
	s18 =	sadd.s32 s14, s18  }
0x25: {  	s21 =	ssub.s32 $0x1388, s17;
	[dreg:$0x11] =	wrdreg s18;
	s18 =	smul.u32 $0xA000, s19  }
0x26: {  	[dreg:$0x10] =	wrdreg s23;
	s23 =	sor.u32 $0x60, s17;
	s19 =	smul.u32 $0xA000, s24  }
0x27: {  	s24 =	ssub.s32 $0x1368, s17;
	s17 =	sadd.s32 $0x16200, s28;
	s28 =	simm.s32 $0x40  }
0x28: {  	[dreg:$0x12] =	wrdreg s17;
	s17 =	smul.u32 $0xA000, s20;
	s20 =	sshrl.u32 s19, $0x2  }
0x29: {  	s18 =	sshrl.u32 s18, $0x2;
	s19 =	sadd.s32 s8, s10;
	s8 =	sadd.s32 s26, s10  }
0x2a: {  	s26 =	sshrl.u32 s4, $0x3;
	s11 =	sadd.s32 s20, s10;
	s20 =	sshrl.u32 s17, $0x2  }
0x2b: {  	s17 =	sshrl.u32 s12, $0x2;
	[dreg:$0x1f] =	wrdreg s26;
	s12 =	sshrl.u32 s6, $0x3  }
0x2c: {  	s16 =	sshrl.u32 @!p0 s8, $0x3;
	s26 =	simm.s32 $0x1;
	s8 =	simm.s32 $0x2100  }
0x2d: {  	[dreg:$0x14] =	wrdreg s11;
	s11 =	sadd.s32 s18, s10;
	s18 =	sshrl.u32 s15, $0x2  }
0x2e: {  	s15 =	sshrl.u32 s19, $0x3;
	[dreg:$0x15] =	wrdreg s11;
	s11 =	sadd.s32 s20, s10  }
0x2f: {  	s19 =	simm.s32 $0x6900;
	s20 =	sshrl.u32 s2, $0x3;
	[dreg:$0x16] =	wrdreg s11  }
.Ltmp0:
0x30: {  	s11 =	sadd.s32 s25, s10;
	[dreg:$0x1d] =	wrdreg s20;
	(pc) =	sbr.rel .LBB2_1-.Ltmp0, $4  }
0x31: {  	s25 =	sshrl.u32 s3, $0x3;
	s20 =	simm.s32 $0x9100;
	[dreg:$0x17] =	wrdreg s11  }
0x32: {  	s11 =	sadd.s32 s17, s10;
	[dreg:$0x1e] =	wrdreg s25;
	s17 =	simm.s32 $0x4100  }
0x33: {  	v0 =	vimm.f32 $0.0e+00;
	v1 =	vlaneseq.u32;
	s25 =	simm.s32 $0x80;
	[dreg:$0x19] =	wrdreg s11;
	s11 =	sadd.s32 s18, s10  }
0x34: {  	v2 =	vor.u32 $0x10, v1;
	v3 =	vor.u32 $0x20, v1;
	v4 =	vor.u32 $0x30, v1;
	s18 =	simm.s32 $0x5;
	[dreg:$0x1a] =	wrdreg s11;
	s11 =	sshrl.u32 s5, $0x3  }
.LBB2_13:
0x35: {  	s2 =	stileid.u32;
	[bflag:$0x0] =	sbarrier.arrive $0xFFFF  }
0x36: {  	s2 =	sshll.u32 s2, $0x6;
	s3 =	rddreg [dreg:$0x4]  }
0x37: {  	s4 =	rddreg [dreg:$0x1c];
	s2 =	sor.u32 $0x1C05, s2  }
0x38: {  	[hbm:s3], [sflag:s2] =	dma.local [spmem:s4], $0x500  }
0x39: {  	_ =	swait.ge [sflag:s18], $0x500  }
0x3a: {  	[sflag:s18] =	ssyncset.done $0x0;
	s4 =	rddreg [dreg:$0x5]  }
0x3b: {  	s5 =	rddreg [dreg:$0x1d];
	[sflag:s18] =	ssyncadd.s32 $0xFFFFFB00  }
0x3c: {  	[hbm:s4], [sflag:s2] =	dma.local [spmem:s5], $0x500  }
0x3d: {  	_ =	swait.ge [sflag:s18], $0x500  }
0x3e: {  	[sflag:s18] =	ssyncset.done $0x0;
	s6 =	rddreg [dreg:$0x6]  }
0x3f: {  	s7 =	rddreg [dreg:$0x1e];
	[sflag:s18] =	ssyncadd.s32 $0xFFFFFB00  }
0x40: {  	[hbm:s6], [sflag:s2] =	dma.local [spmem:s7], $0x500  }
0x41: {  	_ =	swait.ge [sflag:s18], $0x500  }
0x42: {  	[sflag:s18] =	ssyncset.done $0x0;
	s5 =	rddreg [dreg:$0x7]  }
0x43: {  	s6 =	rddreg [dreg:$0x1f];
	[sflag:s18] =	ssyncadd.s32 $0xFFFFFB00  }
0x44: {  	[hbm:s5], [sflag:s2] =	dma.local [spmem:s6], $0x500  }
0x45: {  	_ =	swait.ge [sflag:s18], $0x500  }
0x46: {  	[sflag:s18] =	ssyncset.done $0x0  }
0x47: {  	s7 =	rddreg [dreg:$0x8];
	[sflag:s18] =	ssyncadd.s32 $0xFFFFFB00  }
0x48: {  	[hbm:s7], [sflag:s2] =	dma.local [spmem:s11], $0x500  }
0x49: {  	_ =	swait.ge [sflag:s18], $0x500  }
0x4a: {  	[sflag:s18] =	ssyncset.done $0x0  }
0x4b: {  	s4 =	rddreg [dreg:$0x9];
	[sflag:s18] =	ssyncadd.s32 $0xFFFFFB00  }
0x4c: {  	[hbm:s4], [sflag:s2] =	dma.local [spmem:s12], $0x500  }
0x4d: {  	_ =	swait.ge [sflag:s18], $0x500  }
0x4e: {  	[sflag:s18] =	ssyncset.done $0x0  }
0x4f: {  	s5 =	rddreg [dreg:$0xa];
	[sflag:s18] =	ssyncadd.s32 $0xFFFFFB00  }
0x50: {  	[hbm:s5], [sflag:s2] =	dma.local [spmem:s15], $0x500  }
0x51: {  	_ =	swait.ge [sflag:s18], $0x500  }
0x52: {  	[sflag:s18] =	ssyncset.done $0x0  }
0x53: {  	s3 =	rddreg [dreg:$0xb];
	[sflag:s18] =	ssyncadd.s32 $0xFFFFFB00  }
0x54: {  	[hbm:s3], [sflag:s2] =	dma.local @!p0 [spmem:s16], $0x500  }
0x55: {  	s2 =	simm.s32 @!p0 $0x5  }
0x56: {  	_ =	swait.ge @!p0 [sflag:s2], $0x500  }
0x57: {  	[sflag:s2] =	ssyncset.done @!p0 $0x0  }
0x58: {  	s6 =	rddreg [dreg:$0x12];
	[sflag:s2] =	ssyncadd.s32 @!p0 $0xFFFFFB00  }
0x59: {  	[hbm4b:s6+s0] =	stream.linear.scatter [tilespmem:s20], [sflag:$0x5], $0x2800, $0x38;
	[tilespmem:$0x1F1C0] =	vst v63  }
0x5a: {  	_ =	swait.ge [sflag:s18], $0x2800  }
0x5b: {  	s1 =	sadd.s32 $0x1, s1;
	s7 =	rddreg [dreg:$0x13]  }
0x5c: {  	p1 =	sne.s32 s1, s7  }
.Ltmp1:
0x5d: {  	_ = 	snop;
	(pc) =	sbr.rel @!p1 .LBB2_14-.Ltmp1, $3  }
0x5e: {  	_ =	sdelay $0x1  }
0x5f: {  	[sflag:s18] =	ssyncset.done $0x0  }
0x60: {  	[sflag:s18] =	ssyncadd.s32 $0xFFFFD800  }
.LBB2_1:
0x61: {  	s2 =	sand.u32 $0xFE00, s0  }
0x62: {  	s3 =	sand.u32 $0x70, s0;
	s4 =	sshrl.u32 s2, $0x2  }
0x63: {  	s2 =	simm.s32 $0x40;
	s4 =	sor.u32 s3, s4;
	s3 =	simm.s32 $0x0  }
.LBB2_2:
0x64: {  	p1 =	sne.s32 s2, $0x9FC0  }
0x65: {  	[tilespmem:s4+$0x9100] =	vst v0;
	s3 =	sadd.s32 $0x10, s3;
	s4 =	smov.u32 s2;
	s2 =	sadd.s32 $0x40, s2  }
.Ltmp2:
0x66: {  	(pc) =	sbr.rel @p1 .LBB2_2-.Ltmp2, $4  }
0x67: {  	_ = 	snop  }
0x68: {  	s4 =	sand.u32 $0xFE00, s4  }
0x69: {  	s5 =	sand.u32 $0x70, s3;
	s4 =	sshrl.u32 s4, $0x2  }
0x6a: {  	s4 =	sor.u32 s5, s4  }
0x6b: {  	[tilespmem:s4+$0x9100] =	vst v0;
	s2 =	rddreg [dreg:$0xc]  }
0x6c: {  	[tilespmem:s17], [sflag:$0x5] =	stream.linear.gather [hbm4b:s2+s0], $0x2800, $0x38;
	[tilespmem:$0x1F1C0] =	vst v63  }
0x6d: {  	_ =	swait.ge [sflag:s18], $0x2800  }
0x6e: {  	[sflag:s18] =	ssyncset.done $0x0  }
0x6f: {  	s6 =	rddreg [dreg:$0xd];
	[sflag:s18] =	ssyncadd.s32 $0xFFFFD800  }
0x70: {  	[tilespmem:s19], [sflag:$0x5] =	stream.linear.gather [hbm4b:s6+s0], $0x2800, $0x38;
	[tilespmem:$0x1F1C0] =	vst v63  }
0x71: {  	_ =	swait.ge [sflag:s18], $0x2800  }
0x72: {  	[sflag:s18] =	ssyncset.done $0x0  }
0x73: {  	s7 =	rddreg [dreg:$0x14];
	[sflag:s18] =	ssyncadd.s32 $0xFFFFD800  }
0x74: {  	[spmem:s7] =	stream.linear.scatter [tilespmem:s20], [sflag:$0x5], $0x2800, $0x38;
	[tilespmem:$0x1F1C0] =	vst v63  }
0x75: {  	_ =	swait.ge [sflag:s18], $0x2800  }
0x76: {  	[sflag:s18] =	ssyncset.done $0x0  }
0x77: {  	s3 =	rddreg [dreg:$0x15];
	[sflag:s18] =	ssyncadd.s32 $0xFFFFD800  }
0x78: {  	[spmem:s3] =	stream.linear.scatter [tilespmem:s20], [sflag:$0x5], $0x2800, $0x38;
	[tilespmem:$0x1F1C0] =	vst v63  }
0x79: {  	_ =	swait.ge [sflag:s18], $0x2800  }
0x7a: {  	[sflag:s18] =	ssyncset.done $0x0  }
0x7b: {  	s4 =	rddreg [dreg:$0x16];
	[sflag:s18] =	ssyncadd.s32 $0xFFFFD800  }
0x7c: {  	[spmem:s4] =	stream.linear.scatter [tilespmem:s20], [sflag:$0x5], $0x2800, $0x38;
	[tilespmem:$0x1F1C0] =	vst v63  }
0x7d: {  	_ =	swait.ge [sflag:s18], $0x2800  }
0x7e: {  	[sflag:s18] =	ssyncset.done $0x0  }
0x7f: {  	s5 =	rddreg [dreg:$0x17];
	[sflag:s18] =	ssyncadd.s32 $0xFFFFD800  }
0x80: {  	[spmem:s5] =	stream.linear.scatter [tilespmem:s20], [sflag:$0x5], $0x2800, $0x38;
	[tilespmem:$0x1F1C0] =	vst v63  }
0x81: {  	_ =	swait.ge [sflag:s18], $0x2800  }
0x82: {  	[sflag:s18] =	ssyncset.done $0x0  }
0x83: {  	s6 =	rddreg [dreg:$0x18];
	[sflag:s18] =	ssyncadd.s32 $0xFFFFD800  }
0x84: {  	[spmem:s6] =	stream.linear.scatter [tilespmem:s20], [sflag:$0x5], $0x2800, $0x38;
	[tilespmem:$0x1F1C0] =	vst v63  }
0x85: {  	_ =	swait.ge [sflag:s18], $0x2800  }
0x86: {  	[sflag:s18] =	ssyncset.done $0x0  }
0x87: {  	s7 =	rddreg [dreg:$0x19];
	[sflag:s18] =	ssyncadd.s32 $0xFFFFD800  }
0x88: {  	[spmem:s7] =	stream.linear.scatter [tilespmem:s20], [sflag:$0x5], $0x2800, $0x38;
	[tilespmem:$0x1F1C0] =	vst v63  }
0x89: {  	_ =	swait.ge [sflag:s18], $0x2800  }
0x8a: {  	[sflag:s18] =	ssyncset.done $0x0  }
0x8b: {  	s3 =	rddreg [dreg:$0x1a];
	[sflag:s18] =	ssyncadd.s32 $0xFFFFD800  }
0x8c: {  	[spmem:s3] =	stream.linear.scatter [tilespmem:s20], [sflag:$0x5], $0x2800, $0x38;
	[tilespmem:$0x1F1C0] =	vst v63  }
0x8d: {  	_ =	swait.ge [sflag:s18], $0x2800  }
0x8e: {  	[sflag:s18] =	ssyncset.done $0x0  }
0x8f: {  	s2 =	simm.s32 @!p0 $0x9100;
	s3 =	rddreg [dreg:$0x1b];
	[sflag:s18] =	ssyncadd.s32 $0xFFFFD800  }
0x90: {  	[spmem:s3] =	stream.linear.scatter @!p0 [tilespmem:s2], [sflag:$0x5], $0x2800, $0x38;
	[tilespmem:$0x1F1C0] =	vst v63  }
0x91: {  	s2 =	simm.s32 @!p0 $0x5  }
0x92: {  	_ =	swait.ge @!p0 [sflag:s2], $0x2800  }
0x93: {  	[sflag:s2] =	ssyncset.done @!p0 $0x0  }
0x94: {  	s4 =	rddreg [dreg:$0xe];
	[sflag:s2] =	ssyncadd.s32 @!p0 $0xFFFFD800;
	s2 =	simm.s32 $0x0  }
0x95: {  	[tilespmem:s2], [sflag:$0x1] =	stream.linear.gather [hbm4b:s4+s2], $0x40, $0x38;
	[tilespmem:$0x1F1C0] =	vst v63  }
0x96: {  	s5 =	rddreg [dreg:$0xf]  }
0x97: {  	[tilespmem:s25], [sflag:$0x1] =	stream.linear.gather [hbm4b:s5+s2], $0x40, $0x38;
	[tilespmem:$0x1F1C0] =	vst v63  }
0x98: {  	_ =	swait.ge [sflag:s26], $0x40  }
0x99: {  	[sflag:s26] =	ssyncset.done $0x0  }
0x9a: {  	[sflag:s26] =	ssyncadd.s32 $0xFFFFFFC0  }
0x9b: {  	_ =	swait.ge [sflag:s26], $0x40  }
0x9c: {  	[sflag:s26] =	ssyncset.done $0x0  }
0x9d: {  	[sflag:s26] =	ssyncadd.s32 $0xFFFFFFC0  }
0x9e: {  	[tilespmem:s29], [sflag:$0x3] =	stream.indirect.gather [hbm4b:s9+s28], $0x80, s2, s28, $0xb8;
	[tilespmem:$0x1F1C0] =	vst v63  }
0x9f: {  	s6 =	rddreg [dreg:$0x10]  }
0xa0: {  	[tilespmem:s28], [sflag:$0x2] =	stream.linear.gather [hbm4b:s6+s2], $0x40, $0x38;
	[tilespmem:$0x1F1C0] =	vst v63  }
.Ltmp3:
0xa1: {  	_ = 	snop;
	(pc) =	sbr.rel .LBB2_4-.Ltmp3, $3  }
0xa2: {  	s7 =	rddreg [dreg:$0x11]  }
0xa3: {  	[tilespmem:s30], [sflag:$0x2] =	stream.linear.gather [hbm4b:s7+s2], $0x40, $0x38;
	[tilespmem:$0x1F1C0] =	vst v63  }
0xa4: {  	[bflag:$0x0] =	sbarrier.arrive $0xFFFF;
	_ =	sdelay $0x1  }
.LBB2_12:
0xa5: {  	s3 =	sadd.s32 s23, s3  }
0xa6: {  	p1 =	sgt.u32 s3, $0x1387  }
0xa7: {  	s3 =	sshll.u32 @!p1 s3, $0x3  }
0xa8: {  	s5 =	simm.s32 @!p1 $0x0;
	s6 =	simm.s32 @!p1 $0x40;
	s4 =	sadd.s32 @!p1 s13, s3  }
0xa9: {  	[tilespmem:s6], [sflag:$0x2] =	stream.linear.gather @!p1 [hbm4b:s4+s5], $0x40, $0x38;
	[tilespmem:$0x1F1C0] =	vst v63  }
0xaa: {  	s2 =	sadd.s32 $0x1, s2;
	s3 =	sadd.s32 @!p1 s14, s3;
	s4 =	simm.s32 @!p1 $0xC0  }
0xab: {  	[tilespmem:s4], [sflag:$0x2] =	stream.linear.gather @!p1 [hbm4b:s3+s5], $0x40, $0x38;
	[tilespmem:$0x1F1C0] =	vst v63  }
0xac: {  	p1 =	sne.s32 s2, $0x4F  }
.Ltmp4:
0xad: {  	_ = 	snop;
	(pc) =	sbr.rel @!p1 .LBB2_13-.Ltmp4, $1  }
0xae: {  	_ =	sdelay $0x3  }
.LBB2_4:
0xaf: {  	s3 =	sshll.u32 s2, $0x6  }
0xb0: {  	p2 =	sge.u32 s3, s21  }
0xb1: {  	s4 =	simm.s32 @!p2 $0x3  }
0xb2: {  	_ =	swait.ge @!p2 [sflag:s4], $0x2000  }
0xb3: {  	p1 =	sge.u32 s3, s24;
	[sflag:s4] =	ssyncset.done @!p2 $0x0  }
0xb4: {  	[sflag:s4] =	ssyncadd.s32 @!p2 $0xFFFFE000;
	s4 =	simm.s32 @!p1 $0x2  }
0xb5: {  	_ =	swait.ge @!p1 [sflag:s4], $0x40  }
0xb6: {  	[sflag:s4] =	ssyncset.done @!p1 $0x0  }
.Ltmp5:
0xb7: {  	[sflag:s4] =	ssyncadd.s32 @!p1 $0xFFFFFFC0;
	(pc) =	sbr.rel @p2 .LBB2_8-.Ltmp5, $4  }
0xb8: {  	_ =	swait.ge @!p1 [sflag:s4], $0x40  }
0xb9: {  	[sflag:s4] =	ssyncset.done @!p1 $0x0  }
0xba: {  	s5 =	simm.s32 @!p1 $0x2100;
	[sflag:s4] =	ssyncadd.s32 @!p1 $0xFFFFFFC0;
	s4 =	simm.s32 @!p1 $0x40  }
0xbb: {  	[tilespmem:s5], [sflag:$0x4] =	stream.indirect.gather @!p1 [hbm4b:s9+s4], $0x80, s4, s4, $0xb8;
	[tilespmem:$0x1F1C0] =	vst v63  }
0xbc: {  	_ =	sdelay $0x3  }
0xbd: {  	s4 =	simm.s32 $0x0;
	v6 =	vld.idx.msk [tilespmem:v1+s25+$0x0], $0xffff  }
0xbe: {  	v5 =	vld.idx.msk [tilespmem:v1+s4+$0x0], $0xffff;
	_ =	sdelay $0x6  }
0xbf: {  	v7 =	vld.idx.msk [tilespmem:v6+s19+$0x0], $0xffff  }
0xc0: {  	v5 =	vld.idx.msk [tilespmem:v5+s17+$0x0], $0xffff;
	_ =	sdelay $0x4  }
0xc1: {  	v5 =	vadd.f32 v7, v5;
	_ =	sdelay $0x1  }
0xc2: {  	v7 =	vmul.f32 $2.000000030e-01, v5;
	_ =	sdelay $0x1  }
0xc3: {  	v5 =	vmax.f32 v5, v7  }
0xc4: {  	v5 =	vmul.f32 $1.442695020e+00, v5;
	_ =	sdelay $0x1  }
0xc5: {  	(erf) = vpow2.f32 v5;
	_ =	sdelay $0x8  }
0xc6: {  	v5 =	vpop (erf)  }
0xc7: {  	[tilespmem:v6+s20+$0x0] =	vst.idx.add.f32.msk $0xffff, v5  }
0xc8: {  	[tilespmem:$0xB900] =	vst v5  }
0xc9: {  	v5 =	vld.idx.msk [tilespmem:v2+s4+$0x0], $0xffff  }
0xca: {  	v6 =	vld.idx.msk [tilespmem:v2+s25+$0x0], $0xffff;
	_ =	sdelay $0x6  }
0xcb: {  	v5 =	vld.idx.msk [tilespmem:v5+s17+$0x0], $0xffff  }
0xcc: {  	v7 =	vld.idx.msk [tilespmem:v6+s19+$0x0], $0xffff;
	_ =	sdelay $0x4  }
0xcd: {  	v5 =	vadd.f32 v7, v5;
	_ =	sdelay $0x1  }
0xce: {  	v7 =	vmul.f32 $2.000000030e-01, v5;
	_ =	sdelay $0x1  }
0xcf: {  	v5 =	vmax.f32 v5, v7  }
0xd0: {  	v5 =	vmul.f32 $1.442695020e+00, v5;
	_ =	sdelay $0x1  }
0xd1: {  	(erf) = vpow2.f32 v5;
	_ =	sdelay $0x8  }
0xd2: {  	v5 =	vpop (erf)  }
0xd3: {  	[tilespmem:v6+s20+$0x0] =	vst.idx.add.f32.msk $0xffff, v5  }
0xd4: {  	[tilespmem:$0xB910] =	vst v5  }
0xd5: {  	v5 =	vld.idx.msk [tilespmem:v3+s4+$0x0], $0xffff  }
0xd6: {  	v6 =	vld.idx.msk [tilespmem:v3+s25+$0x0], $0xffff;
	_ =	sdelay $0x6  }
0xd7: {  	v5 =	vld.idx.msk [tilespmem:v5+s17+$0x0], $0xffff  }
0xd8: {  	v7 =	vld.idx.msk [tilespmem:v6+s19+$0x0], $0xffff;
	_ =	sdelay $0x4  }
0xd9: {  	v5 =	vadd.f32 v7, v5;
	_ =	sdelay $0x1  }
0xda: {  	v7 =	vmul.f32 $2.000000030e-01, v5;
	_ =	sdelay $0x1  }
0xdb: {  	v5 =	vmax.f32 v5, v7  }
0xdc: {  	v5 =	vmul.f32 $1.442695020e+00, v5;
	_ =	sdelay $0x1  }
0xdd: {  	(erf) = vpow2.f32 v5;
	_ =	sdelay $0x8  }
0xde: {  	v5 =	vpop (erf)  }
0xdf: {  	[tilespmem:v6+s20+$0x0] =	vst.idx.add.f32.msk $0xffff, v5  }
0xe0: {  	[tilespmem:$0xB920] =	vst v5  }
0xe1: {  	v5 =	vld.idx.msk [tilespmem:v4+s4+$0x0], $0xffff  }
0xe2: {  	v6 =	vld.idx.msk [tilespmem:v4+s25+$0x0], $0xffff;
	_ =	sdelay $0x6  }
0xe3: {  	v5 =	vld.idx.msk [tilespmem:v5+s17+$0x0], $0xffff  }
0xe4: {  	v7 =	vld.idx.msk [tilespmem:v6+s19+$0x0], $0xffff;
	_ =	sdelay $0x4  }
0xe5: {  	v5 =	vadd.f32 v7, v5;
	_ =	sdelay $0x1  }
0xe6: {  	v7 =	vmul.f32 $2.000000030e-01, v5;
	_ =	sdelay $0x1  }
0xe7: {  	v5 =	vmax.f32 v5, v7  }
0xe8: {  	v5 =	vmul.f32 $1.442695020e+00, v5;
	_ =	sdelay $0x1  }
0xe9: {  	(erf) = vpow2.f32 v5;
	_ =	sdelay $0x7  }
0xea: {  	v5 =	vmov s4  }
0xeb: {  	v5 =	vand.u32 $0xFFFFFFFE, v5;
	v7 =	vpop (erf)  }
0xec: {  	[tilespmem:v6+s20+$0x0] =	vst.idx.add.f32.msk $0xffff, v7;
	v6 =	vbroadcast v5, $0x0;
	_ =	sdelay $0x3  }
0xed: {  	s4 =	simm.s32 $0x180;
	[tilespmem:$0xB930] =	vst v7  }
0xee: {  	v9 =	vld [tilespmem:s4+$0xFFFFFFF0]  }
0xef: {  	v10 =	vld.idx.msk [tilespmem:v6+s31+$0x0], $0xffff  }
0xf0: {  	v11 =	vld [tilespmem:s4+$0xFFFFFF80]  }
0xf1: {  	v12 =	vld [tilespmem:s4+$0xFFFFFFA0]  }
0xf2: {  	v8 =	vld [tilespmem:s4+$0xFFFFFFB0]  }
0xf3: {  	v7 =	vld [tilespmem:s4+$0xFFFFFFD0]  }
0xf4: {  	v14 =	vld [tilespmem:s4+$0xFFFFFF90];
	v9 =	vmul.f32 v9, v10  }
0xf5: {  	v13 =	vld [tilespmem:s4+$0xFFFFFFE0];
	v11 =	vmul.f32 v11, v10  }
0xf6: {  	v15 =	vld [tilespmem:s4+$0xFFFFFFC0];
	v12 =	vmul.f32 v12, v10;
	[tilespmem:s4+$0xFFFFFFF0] =	vst v9  }
0xf7: {  	v8 =	vmul.f32 v8, v10;
	[tilespmem:s4+$0xFFFFFF80] =	vst v11  }
0xf8: {  	s5 =	simm.s32 $0x1;
	v7 =	vmul.f32 v7, v10;
	[tilespmem:s4+$0xFFFFFFA0] =	vst v12  }
0xf9: {  	v9 =	vmul.f32 v14, v10;
	[tilespmem:s4+$0xFFFFFFB0] =	vst v8;
	v11 =	vmov s5  }
0xfa: {  	v5 =	vld [tilespmem:s4+$0x0];
	v8 =	vmul.f32 v13, v10;
	[tilespmem:s4+$0xFFFFFFD0] =	vst v7  }
0xfb: {  	v6 =	vld [tilespmem:s4+$0x10];
	v7 =	vmul.f32 v15, v10;
	[tilespmem:s4+$0xFFFFFF90] =	vst v9  }
0xfc: {  	[tilespmem:s4+$0xFFFFFFE0] =	vst v8;
	v9 =	vld [tilespmem:s4+$0x30]  }
0xfd: {  	[tilespmem:s4+$0xFFFFFFC0] =	vst v7;
	v8 =	vld [tilespmem:s4+$0x70]  }
0xfe: {  	s6 =	simm.s32 $0x180;
	s5 =	simm.s32 $0x2;
	v7 =	vld.idx.msk [tilespmem:v11+s31+$0x0], $0xffff  }
.LBB2_6:
0xff: {  	p2 =	sne.s32 s5, $0x3E  }
0x100: {  	v10 =	vld [tilespmem:s4+$0x20];
	s6 =	sadd.s32 $0x100, s6;
	s7 =	smov.u32 s5;
	s5 =	sadd.s32 $0x2, s5  }
0x101: {  	v11 =	vld [tilespmem:s4+$0x40]  }
0x102: {  	v12 =	vld [tilespmem:s4+$0x50]  }
0x103: {  	v13 =	vld [tilespmem:s4+$0x60];
	_ =	sdelay $0x1  }
0x104: {  	v5 =	vmul.f32 v5, v7;
	v6 =	vmul.f32 v6, v7  }
0x105: {  	v9 =	vmul.f32 v9, v7;
	v10 =	vmul.f32 v10, v7  }
0x106: {  	v14 =	vmov s7;
	v11 =	vmul.f32 v11, v7;
	[tilespmem:s4+$0x0] =	vst v5;
	v12 =	vmul.f32 v12, v7  }
0x107: {  	v14 =	vand.u32 $0xFFFFFFFE, v14;
	v5 =	vld [tilespmem:s6+$0x0];
	[tilespmem:s4+$0x30] =	vst v9;
	v9 =	vmul.f32 v13, v7;
	v7 =	vmul.f32 v8, v7  }
0x108: {  	v8 =	vbroadcast v14, $0x0;
	[tilespmem:s4+$0x10] =	vst v6  }
0x109: {  	[tilespmem:s4+$0x70] =	vst v7  }
0x10a: {  	v7 =	vld [tilespmem:s6+$0xFFFFFFD0];
	[tilespmem:s4+$0x20] =	vst v10  }
0x10b: {  	v10 =	vld [tilespmem:s6+$0xFFFFFFB0];
	[tilespmem:s4+$0x60] =	vst v9  }
0x10c: {  	v9 =	vld [tilespmem:s6+$0xFFFFFFE0];
	[tilespmem:s4+$0x40] =	vst v11  }
0x10d: {  	v11 =	vld [tilespmem:s6+$0xFFFFFFF0];
	[tilespmem:s4+$0x50] =	vst v12;
	s4 =	smov.u32 s6  }
0x10e: {  	v8 =	vld.idx.msk [tilespmem:v8+s31+$0x0], $0xffff  }
0x10f: {  	v12 =	vld [tilespmem:s6+$0xFFFFFF80]  }
0x110: {  	v13 =	vld [tilespmem:s6+$0xFFFFFFA0]  }
0x111: {  	v14 =	vld [tilespmem:s6+$0xFFFFFF90]  }
0x112: {  	v15 =	vld [tilespmem:s6+$0xFFFFFFC0]  }
0x113: {  	v6 =	vld [tilespmem:s6+$0x10]  }
0x114: {  	v11 =	vmul.f32 v11, v8;
	v12 =	vmul.f32 v12, v8  }
0x115: {  	v9 =	vmul.f32 v9, v8;
	v13 =	vmul.f32 v13, v8  }
0x116: {  	v10 =	vmul.f32 v10, v8;
	v14 =	vmul.f32 v14, v8;
	[tilespmem:s6+$0xFFFFFFF0] =	vst v11  }
0x117: {  	v7 =	vmul.f32 v7, v8;
	[tilespmem:s6+$0xFFFFFF80] =	vst v12;
	v11 =	vmul.f32 v15, v8  }
0x118: {  	s7 =	sadd.s32 $0x1, s7;
	[tilespmem:s6+$0xFFFFFFA0] =	vst v13  }
0x119: {  	[tilespmem:s6+$0xFFFFFFB0] =	vst v10;
	v10 =	vmov s7  }
.Ltmp6:
0x11a: {  	[tilespmem:s6+$0xFFFFFFD0] =	vst v7;
	(pc) =	sbr.rel @p2 .LBB2_6-.Ltmp6, $4  }
0x11b: {  	[tilespmem:s6+$0xFFFFFF90] =	vst v14  }
0x11c: {  	[tilespmem:s6+$0xFFFFFFE0] =	vst v9;
	v9 =	vld [tilespmem:s6+$0x30]  }
0x11d: {  	[tilespmem:s6+$0xFFFFFFC0] =	vst v11;
	v8 =	vld [tilespmem:s6+$0x70]  }
0x11e: {  	v7 =	vld.idx.msk [tilespmem:v10+s31+$0x0], $0xffff  }
0x11f: {  	_ =	sdelay $0x1  }
0x120: {  	v10 =	vld [tilespmem:s4+$0x20];
	_ =	sdelay $0x1  }
0x121: {  	v11 =	vld [tilespmem:s4+$0x60];
	v5 =	vmul.f32 v5, v7  }
0x122: {  	v12 =	vld [tilespmem:s4+$0x40];
	v9 =	vmul.f32 v9, v7  }
0x123: {  	v13 =	vld [tilespmem:s4+$0x50];
	v6 =	vmul.f32 v6, v7;
	[tilespmem:s4+$0x0] =	vst v5  }
0x124: {  	v63 =	vmul.f32 v10, v7;
	[tilespmem:s4+$0x30] =	vst v9  }
0x125: {  	v5 =	vmul.f32 v8, v7;
	[tilespmem:s4+$0x10] =	vst v6  }
0x126: {  	v6 =	vmul.f32 v11, v7;
	[tilespmem:s4+$0x20] =	vst v63  }
0x127: {  	[tilespmem:s4+$0x70] =	vst v5;
	v5 =	vmul.f32 v12, v7  }
0x128: {  	v7 =	vmul.f32 v13, v7;
	[tilespmem:s4+$0x60] =	vst v6  }
0x129: {  	[tilespmem:s4+$0x40] =	vst v5  }
0x12a: {  	[tilespmem:s4+$0x50] =	vst v7  }
0x12b: {  	[spmem:s10] =	stream.indirect.scatter.add.f32 [tilespmem:s29], [sflag:$0x5], $0x80, s25, s28, $0xb8;
	[tilespmem:$0x1F1C0] =	vst v63  }
0x12c: {  	_ =	swait.ge [sflag:s18], $0x2000  }
0x12d: {  	[sflag:s18] =	ssyncset.done $0x0  }
0x12e: {  	[sflag:s18] =	ssyncadd.s32 $0xFFFFE000  }
.LBB2_8:
0x12f: {  	s4 =	sadd.s32 s22, s3  }
0x130: {  	p2 =	sgt.u32 s4, $0x1387  }
0x131: {  	s4 =	sshll.u32 @!p2 s4, $0x3  }
0x132: {  	s6 =	simm.s32 @!p2 $0x0;
	s5 =	sadd.s32 @!p2 s13, s4  }
0x133: {  	[tilespmem:s6], [sflag:$0x1] =	stream.linear.gather @!p2 [hbm4b:s5+s6], $0x40, $0x38;
	[tilespmem:$0x1F1C0] =	vst v63  }
0x134: {  	s4 =	sadd.s32 @!p2 s14, s4;
	s5 =	simm.s32 @!p2 $0x80  }
0x135: {  	[tilespmem:s5], [sflag:$0x1] =	stream.linear.gather @!p2 [hbm4b:s4+s6], $0x40, $0x38;
	[tilespmem:$0x1F1C0] =	vst v63  }
0x136: {  	s4 =	simm.s32 @!p1 $0x4  }
0x137: {  	_ =	swait.ge @!p1 [sflag:s4], $0x2000  }
0x138: {  	[sflag:s4] =	ssyncset.done @!p1 $0x0  }
0x139: {  	[sflag:s4] =	ssyncadd.s32 @!p1 $0xFFFFE000;
	s4 =	simm.s32 @!p2 $0x1  }
0x13a: {  	_ =	swait.ge @!p2 [sflag:s4], $0x40  }
0x13b: {  	[sflag:s4] =	ssyncset.done @!p2 $0x0  }
.Ltmp7:
0x13c: {  	[sflag:s4] =	ssyncadd.s32 @!p2 $0xFFFFFFC0;
	(pc) =	sbr.rel @p1 .LBB2_12-.Ltmp7, $4  }
0x13d: {  	_ =	swait.ge @!p2 [sflag:s4], $0x40  }
0x13e: {  	[sflag:s4] =	ssyncset.done @!p2 $0x0  }
0x13f: {  	s5 =	simm.s32 @!p2 $0x100;
	[sflag:s4] =	ssyncadd.s32 @!p2 $0xFFFFFFC0;
	s4 =	simm.s32 @!p2 $0x40  }
0x140: {  	[tilespmem:s5], [sflag:$0x3] =	stream.indirect.gather @!p2 [hbm4b:s9+s4], $0x80, s6, s4, $0xb8;
	[tilespmem:$0x1F1C0] =	vst v63  }
0x141: {  	_ =	sdelay $0x3  }
0x142: {  	v5 =	vld.idx.msk [tilespmem:v1+s28+$0x0], $0xffff  }
0x143: {  	v6 =	vld.idx.msk [tilespmem:v1+s30+$0x0], $0xffff;
	_ =	sdelay $0x6  }
0x144: {  	v5 =	vld.idx.msk [tilespmem:v5+s17+$0x0], $0xffff  }
0x145: {  	v7 =	vld.idx.msk [tilespmem:v6+s19+$0x0], $0xffff;
	_ =	sdelay $0x4  }
0x146: {  	v5 =	vadd.f32 v7, v5;
	_ =	sdelay $0x1  }
0x147: {  	v7 =	vmul.f32 $2.000000030e-01, v5;
	_ =	sdelay $0x1  }
0x148: {  	v5 =	vmax.f32 v5, v7  }
0x149: {  	v5 =	vmul.f32 $1.442695020e+00, v5;
	_ =	sdelay $0x1  }
0x14a: {  	(erf) = vpow2.f32 v5;
	_ =	sdelay $0x8  }
0x14b: {  	v5 =	vpop (erf)  }
0x14c: {  	[tilespmem:v6+s20+$0x0] =	vst.idx.add.f32.msk $0xffff, v5  }
0x14d: {  	[tilespmem:$0xB900] =	vst v5  }
0x14e: {  	v5 =	vld.idx.msk [tilespmem:v2+s28+$0x0], $0xffff  }
0x14f: {  	v6 =	vld.idx.msk [tilespmem:v2+s30+$0x0], $0xffff;
	_ =	sdelay $0x6  }
0x150: {  	v5 =	vld.idx.msk [tilespmem:v5+s17+$0x0], $0xffff  }
0x151: {  	v7 =	vld.idx.msk [tilespmem:v6+s19+$0x0], $0xffff;
	_ =	sdelay $0x4  }
0x152: {  	v5 =	vadd.f32 v7, v5;
	_ =	sdelay $0x1  }
0x153: {  	v7 =	vmul.f32 $2.000000030e-01, v5;
	_ =	sdelay $0x1  }
0x154: {  	v5 =	vmax.f32 v5, v7  }
0x155: {  	v5 =	vmul.f32 $1.442695020e+00, v5;
	_ =	sdelay $0x1  }
0x156: {  	(erf) = vpow2.f32 v5;
	_ =	sdelay $0x8  }
0x157: {  	v5 =	vpop (erf)  }
0x158: {  	[tilespmem:v6+s20+$0x0] =	vst.idx.add.f32.msk $0xffff, v5  }
0x159: {  	[tilespmem:$0xB910] =	vst v5  }
0x15a: {  	v5 =	vld.idx.msk [tilespmem:v3+s28+$0x0], $0xffff  }
0x15b: {  	v6 =	vld.idx.msk [tilespmem:v3+s30+$0x0], $0xffff;
	_ =	sdelay $0x6  }
0x15c: {  	v5 =	vld.idx.msk [tilespmem:v5+s17+$0x0], $0xffff  }
0x15d: {  	v7 =	vld.idx.msk [tilespmem:v6+s19+$0x0], $0xffff;
	_ =	sdelay $0x4  }
0x15e: {  	v5 =	vadd.f32 v7, v5;
	_ =	sdelay $0x1  }
0x15f: {  	v7 =	vmul.f32 $2.000000030e-01, v5;
	_ =	sdelay $0x1  }
0x160: {  	v5 =	vmax.f32 v5, v7  }
0x161: {  	v5 =	vmul.f32 $1.442695020e+00, v5;
	_ =	sdelay $0x1  }
0x162: {  	(erf) = vpow2.f32 v5;
	_ =	sdelay $0x8  }
0x163: {  	v5 =	vpop (erf)  }
0x164: {  	[tilespmem:v6+s20+$0x0] =	vst.idx.add.f32.msk $0xffff, v5  }
0x165: {  	[tilespmem:$0xB920] =	vst v5  }
0x166: {  	v5 =	vld.idx.msk [tilespmem:v4+s28+$0x0], $0xffff  }
0x167: {  	v6 =	vld.idx.msk [tilespmem:v4+s30+$0x0], $0xffff;
	_ =	sdelay $0x6  }
0x168: {  	v5 =	vld.idx.msk [tilespmem:v5+s17+$0x0], $0xffff  }
0x169: {  	v7 =	vld.idx.msk [tilespmem:v6+s19+$0x0], $0xffff;
	_ =	sdelay $0x4  }
0x16a: {  	v5 =	vadd.f32 v7, v5;
	_ =	sdelay $0x1  }
0x16b: {  	v7 =	vmul.f32 $2.000000030e-01, v5;
	_ =	sdelay $0x1  }
0x16c: {  	v5 =	vmax.f32 v5, v7  }
0x16d: {  	v5 =	vmul.f32 $1.442695020e+00, v5;
	_ =	sdelay $0x1  }
0x16e: {  	(erf) = vpow2.f32 v5;
	_ =	sdelay $0x6  }
0x16f: {  	s4 =	simm.s32 $0x0  }
0x170: {  	v5 =	vmov s4  }
0x171: {  	v5 =	vand.u32 $0xFFFFFFFE, v5;
	v7 =	vpop (erf)  }
0x172: {  	[tilespmem:v6+s20+$0x0] =	vst.idx.add.f32.msk $0xffff, v7;
	v6 =	vbroadcast v5, $0x0;
	_ =	sdelay $0x3  }
0x173: {  	s4 =	simm.s32 $0x2180;
	[tilespmem:$0xB930] =	vst v7  }
0x174: {  	v9 =	vld [tilespmem:s4+$0xFFFFFFF0]  }
0x175: {  	v10 =	vld.idx.msk [tilespmem:v6+s31+$0x0], $0xffff  }
0x176: {  	v11 =	vld [tilespmem:s4+$0xFFFFFF80]  }
0x177: {  	v12 =	vld [tilespmem:s4+$0xFFFFFFA0]  }
0x178: {  	v8 =	vld [tilespmem:s4+$0xFFFFFFB0]  }
0x179: {  	v7 =	vld [tilespmem:s4+$0xFFFFFFD0]  }
0x17a: {  	v14 =	vld [tilespmem:s4+$0xFFFFFF90];
	v9 =	vmul.f32 v9, v10  }
0x17b: {  	v13 =	vld [tilespmem:s4+$0xFFFFFFE0];
	v11 =	vmul.f32 v11, v10  }
0x17c: {  	v15 =	vld [tilespmem:s4+$0xFFFFFFC0];
	v12 =	vmul.f32 v12, v10;
	[tilespmem:s4+$0xFFFFFFF0] =	vst v9  }
0x17d: {  	v8 =	vmul.f32 v8, v10;
	[tilespmem:s4+$0xFFFFFF80] =	vst v11  }
0x17e: {  	s5 =	simm.s32 $0x1;
	v7 =	vmul.f32 v7, v10;
	[tilespmem:s4+$0xFFFFFFA0] =	vst v12  }
0x17f: {  	v9 =	vmul.f32 v14, v10;
	[tilespmem:s4+$0xFFFFFFB0] =	vst v8;
	v11 =	vmov s5  }
0x180: {  	v5 =	vld [tilespmem:s4+$0x0];
	v8 =	vmul.f32 v13, v10;
	[tilespmem:s4+$0xFFFFFFD0] =	vst v7  }
0x181: {  	v6 =	vld [tilespmem:s4+$0x10];
	v7 =	vmul.f32 v15, v10;
	[tilespmem:s4+$0xFFFFFF90] =	vst v9  }
0x182: {  	[tilespmem:s4+$0xFFFFFFE0] =	vst v8;
	v9 =	vld [tilespmem:s4+$0x30]  }
0x183: {  	[tilespmem:s4+$0xFFFFFFC0] =	vst v7;
	v8 =	vld [tilespmem:s4+$0x70]  }
0x184: {  	s6 =	simm.s32 $0x2180;
	s5 =	simm.s32 $0x2;
	v7 =	vld.idx.msk [tilespmem:v11+s31+$0x0], $0xffff  }
.LBB2_10:
0x185: {  	p1 =	sne.s32 s5, $0x3E  }
0x186: {  	v10 =	vld [tilespmem:s4+$0x20];
	s6 =	sadd.s32 $0x100, s6;
	s7 =	smov.u32 s5;
	s5 =	sadd.s32 $0x2, s5  }
0x187: {  	v11 =	vld [tilespmem:s4+$0x40]  }
0x188: {  	v12 =	vld [tilespmem:s4+$0x50]  }
0x189: {  	v13 =	vld [tilespmem:s4+$0x60];
	_ =	sdelay $0x1  }
0x18a: {  	v5 =	vmul.f32 v5, v7;
	v6 =	vmul.f32 v6, v7  }
0x18b: {  	v9 =	vmul.f32 v9, v7;
	v10 =	vmul.f32 v10, v7  }
0x18c: {  	v14 =	vmov s7;
	v11 =	vmul.f32 v11, v7;
	[tilespmem:s4+$0x0] =	vst v5;
	v12 =	vmul.f32 v12, v7  }
0x18d: {  	v14 =	vand.u32 $0xFFFFFFFE, v14;
	v5 =	vld [tilespmem:s6+$0x0];
	[tilespmem:s4+$0x30] =	vst v9;
	v9 =	vmul.f32 v13, v7;
	v7 =	vmul.f32 v8, v7  }
0x18e: {  	v8 =	vbroadcast v14, $0x0;
	[tilespmem:s4+$0x10] =	vst v6  }
0x18f: {  	[tilespmem:s4+$0x70] =	vst v7  }
0x190: {  	v7 =	vld [tilespmem:s6+$0xFFFFFFD0];
	[tilespmem:s4+$0x20] =	vst v10  }
0x191: {  	v10 =	vld [tilespmem:s6+$0xFFFFFFB0];
	[tilespmem:s4+$0x60] =	vst v9  }
0x192: {  	v9 =	vld [tilespmem:s6+$0xFFFFFFE0];
	[tilespmem:s4+$0x40] =	vst v11  }
0x193: {  	v11 =	vld [tilespmem:s6+$0xFFFFFFF0];
	[tilespmem:s4+$0x50] =	vst v12;
	s4 =	smov.u32 s6  }
0x194: {  	v8 =	vld.idx.msk [tilespmem:v8+s31+$0x0], $0xffff  }
0x195: {  	v12 =	vld [tilespmem:s6+$0xFFFFFF80]  }
0x196: {  	v13 =	vld [tilespmem:s6+$0xFFFFFFA0]  }
0x197: {  	v14 =	vld [tilespmem:s6+$0xFFFFFF90]  }
0x198: {  	v15 =	vld [tilespmem:s6+$0xFFFFFFC0]  }
0x199: {  	v6 =	vld [tilespmem:s6+$0x10]  }
0x19a: {  	v11 =	vmul.f32 v11, v8;
	v12 =	vmul.f32 v12, v8  }
0x19b: {  	v9 =	vmul.f32 v9, v8;
	v13 =	vmul.f32 v13, v8  }
0x19c: {  	v10 =	vmul.f32 v10, v8;
	v14 =	vmul.f32 v14, v8;
	[tilespmem:s6+$0xFFFFFFF0] =	vst v11  }
0x19d: {  	v7 =	vmul.f32 v7, v8;
	[tilespmem:s6+$0xFFFFFF80] =	vst v12;
	v11 =	vmul.f32 v15, v8  }
0x19e: {  	s7 =	sadd.s32 $0x1, s7;
	[tilespmem:s6+$0xFFFFFFA0] =	vst v13  }
0x19f: {  	[tilespmem:s6+$0xFFFFFFB0] =	vst v10;
	v10 =	vmov s7  }
.Ltmp8:
0x1a0: {  	[tilespmem:s6+$0xFFFFFFD0] =	vst v7;
	(pc) =	sbr.rel @p1 .LBB2_10-.Ltmp8, $4  }
0x1a1: {  	[tilespmem:s6+$0xFFFFFF90] =	vst v14  }
0x1a2: {  	[tilespmem:s6+$0xFFFFFFE0] =	vst v9;
	v9 =	vld [tilespmem:s6+$0x30]  }
0x1a3: {  	[tilespmem:s6+$0xFFFFFFC0] =	vst v11;
	v8 =	vld [tilespmem:s6+$0x70]  }
0x1a4: {  	v7 =	vld.idx.msk [tilespmem:v10+s31+$0x0], $0xffff  }
0x1a5: {  	_ =	sdelay $0x1  }
0x1a6: {  	v10 =	vld [tilespmem:s4+$0x20];
	_ =	sdelay $0x1  }
0x1a7: {  	v11 =	vld [tilespmem:s4+$0x60];
	v5 =	vmul.f32 v5, v7  }
0x1a8: {  	v12 =	vld [tilespmem:s4+$0x40];
	v9 =	vmul.f32 v9, v7  }
0x1a9: {  	v13 =	vld [tilespmem:s4+$0x50];
	v6 =	vmul.f32 v6, v7;
	[tilespmem:s4+$0x0] =	vst v5  }
0x1aa: {  	v63 =	vmul.f32 v10, v7;
	[tilespmem:s4+$0x30] =	vst v9  }
0x1ab: {  	v5 =	vmul.f32 v8, v7;
	[tilespmem:s4+$0x10] =	vst v6  }
0x1ac: {  	v6 =	vmul.f32 v11, v7;
	[tilespmem:s4+$0x20] =	vst v63  }
0x1ad: {  	[tilespmem:s4+$0x70] =	vst v5;
	v5 =	vmul.f32 v12, v7  }
0x1ae: {  	v7 =	vmul.f32 v13, v7;
	[tilespmem:s4+$0x60] =	vst v6  }
0x1af: {  	[tilespmem:s4+$0x40] =	vst v5  }
.Ltmp9:
0x1b0: {  	[tilespmem:s4+$0x50] =	vst v7;
	(pc) =	sbr.rel .LBB2_12-.Ltmp9, $4  }
0x1b1: {  	[spmem:s10] =	stream.indirect.scatter.add.f32 [tilespmem:s8], [sflag:$0x5], $0x80, s30, s28, $0xb8;
	[tilespmem:$0x1F1C0] =	vst v63  }
0x1b2: {  	_ =	swait.ge [sflag:s18], $0x2000  }
0x1b3: {  	[sflag:s18] =	ssyncset.done $0x0  }
0x1b4: {  	[sflag:s18] =	ssyncadd.s32 $0xFFFFE000  }
.LBB2_14:
0x1b5: {  	_ =	sfence.sel $0x180000  }
0x1b6: {  	[bflag:$0x0] =	sbarrier.arrive $0xFFFF  }
0x1b7: {  	_ =	strace $0x9000004A  }
0x1b8: {  	s0 =	stileid.u32;
	[bflag:$0x2] =	sbarrier.arrive $0xFFFF  }
0x1b9: {  	p0 =	sne.s32 s0, $0x0;
	s0 =	rddreg [dreg:$0x3]  }
0x1ba: {  	s0 =	sadd.s32 @!p0 $0x100000, s0  }
0x1bb: {  	[sflag:s0] =	ssyncadd.tile.s32 @!p0 $0x1;
	_ =	shalt  }
.Lfunc_end2:
_tile_overlayer_lowered:
.L_overlay_start_2:
0x1bc: {  	(tag) =	ssettag $0x2  }
0x1bd: {  	s0 =	rddreg [dreg:$0x0];
	s2 =	stileid.u32  }
0x1be: {  	s1 =	rddreg [dreg:$0x1];
	p0 =	sne.s32 s2, $0x0  }
0x1bf: {  	s3 =	rddreg [dreg:$0x2];
	[bflag:$0x3] =	sbarrier.arrive $0xFFFF;
	s2 =	simm.s32 @!p0 $0x1C05  }
0x1c0: {  	[timem:s3], [sflag:s2] =	dma.local @!p0 [hbm:s0], s1  }
0x1c1: {  	s0 =	simm.s32 @!p0 $0x5  }
0x1c2: {  	_ =	swait.ge @!p0 [sflag:s0], s1  }
0x1c3: {  	s1 =	ssub.s32 @!p0 $0x0, s1;
	[sflag:s0] =	ssyncset.done @!p0 $0x0  }
0x1c4: {  	[sflag:s0] =	ssyncadd.s32 @!p0 s1  }
0x1c5: {  	[bflag:$0x3] =	sbarrier.arrive $0xFFFF  }
0x1c6: {  	_ =	shalt  }

// kernel: kernel.8.cloned.1.call-start
scs
__scs_entry_jumppad:
0x0: {  	(pc) =	sbr.rel $0x88, $3  }
0x1: {  	(tag) =	ssettag $0x0;
	lr =	simm.s32 $0x1  }
0x2: {  	[smem:$0x3F96] =	sst lr;
	_ =	strace $0xD0000000  }
0x3: {  	_ = 	snop  }
0x4: {  	_ = 	snop  }
0x5: {  	_ = 	snop  }
0x6: {  	_ = 	snop  }
0x7: {  	_ = 	snop  }
__scs_overlays_trampoline_lowered:
0x8: {  	[smem:$0x3FA5] =	sst s0  }
0x9: {  	[smem:$0x3FA6] =	sst s1  }
0xa: {  	[smem:$0x3FA7] =	sst s2  }
0xb: {  	[smem:$0x3FA8] =	sst s3  }
0xc: {  	[smem:$0x3FA9] =	sst s4  }
0xd: {  	[smem:$0x3FAA] =	sst s5  }
0xe: {  	[smem:$0x3FAB] =	sst s6  }
0xf: {  	[smem:$0x3FAC] =	sst s7  }
0x10: {  	[smem:$0x3FAD] =	sst s8  }
0x11: {  	[smem:$0x3FAE] =	sst s9;
	s0 =	simm.s32 @!p0 $0x0  }
0x12: {  	s1 =	sld [smem:$0x3F94];
	s0 =	simm.s32 @p0 $0x1  }
0x13: {  	[smem:$0x3FAF] =	sst s0;
	s0 =	simm.s32 @!p1 $0x0  }
0x14: {  	s2 =	sld [smem:$0x3F93];
	s0 =	simm.s32 @p1 $0x1  }
0x15: {  	[smem:$0x3FB0] =	sst s0;
	s0 =	simm.s32 @!p2 $0x0  }
0x16: {  	s3 =	sld [smem:$0x3FDB];
	s0 =	simm.s32 @p2 $0x1  }
0x17: {  	s4 =	simm.s32 $0x1BF5;
	[smem:$0x3FB2] =	sst s0  }
0x18: {  	s0 =	sld [smem:$0x3F95];
	_ =	swait.ge [sflag:s4], $0x0  }
0x19: {  	s7 =	sld [smem:$0x3F96]  }
0x1a: {  	s8 =	sadd.s32 $0xFFFFE003, lr  }
0x1b: {  	s9 =	sadd.s32 $0xFFFFFEF7, lr;
	s5 =	simm.s32 $0xFFFFFFFF;
	p2 =	slt.u32 s8, $0xFFFFF086  }
0x1c: {  	p1 =	slt.u32 s9, $0xF7A;
	s5 =	simm.s32 @!p2 $0x0  }
0x1d: {  	s5 =	simm.s32 @p1 $0x1;
	p0 =	seq.s32 s7, s2  }
0x1e: {  	s7 =	smul.u32 @!p0 $0xF7A, s2;
	p2 =	seq.s32 @!p0 s5, $0x0  }
0x1f: {  	s9 =	smul.u32 $0xF7A, s1;
	s8 =	simm.s32 @!p0 $0x1BF5;
	p2 =	por !p2, p0  }
0x20: {  	[sflag:s8] =	ssyncset.s32 @!p0 $0xFFFFF086;
	s6 =	sadd.s32 @!p0 s3, s7;
	s7 =	simm.s32 @!p0 $0x108  }
0x21: {  	s3 =	sadd.s32 s3, s9;
	s6 =	sadd.s32 @!p0 $0x88, s6;
	s7 =	simm.s32 @p2 $0x1082  }
0x22: {  	[simem:s7], [sflag:s8] =	dma.local @!p0 [hbm:s6], $0xF7A  }
0x23: {  	s9 =	sor.u32 $0xD0000000, s2;
	s6 =	simm.s32 $0x108;
	_ =	swait.ge @!p0 [sflag:s8], $0x0  }
0x24: {  	s3 =	sadd.s32 $0x88, s3;
	s6 =	simm.s32 @!p1 $0x1082;
	[sflag:s4] =	ssyncset.s32 $0xFFFFF086  }
0x25: {  	[simem:s6], [sflag:s4] =	dma.local [hbm:s3], $0xF7A  }
0x26: {  	[smem:$0x3F96] =	sst s1;
	(tag) =	ssettag s2;
	_ =	strace s9  }
0x27: {  	s1 =	sld [smem:$0x3FA6]  }
0x28: {  	s2 =	sld [smem:$0x3FA7]  }
0x29: {  	s4 =	sld [smem:$0x3FA9]  }
0x2a: {  	p0 =	seq.s32 s5, $0x0;
	s5 =	sld [smem:$0x3FAA]  }
0x2b: {  	s6 =	sld [smem:$0x3FAB]  }
0x2c: {  	s7 =	sld [smem:$0x3FAC]  }
0x2d: {  	s3 =	simm.s32 $0x108;
	s8 =	sld [smem:$0x3FAD]  }
0x2e: {  	s3 =	simm.s32 @!p0 $0x1082;
	s9 =	sld [smem:$0x3FAE]  }
0x2f: {  	lr =	sadd.s32 s0, s3;
	s0 =	sld [smem:$0x3FA5]  }
0x30: {  	s3 =	sld [smem:$0x3FA8]  }
0x31: {  	[smem:$0x3FB1] =	sst s10  }
0x32: {  	s10 =	sld [smem:$0x3FAF];
	_ =	sdelay $0x3  }
0x33: {  	p0 =	seq.s32 s10, $0x1;
	s10 =	sld [smem:$0x3FB1];
	_ =	sdelay $0x3  }
0x34: {  	[smem:$0x3FB1] =	sst s10  }
0x35: {  	s10 =	sld [smem:$0x3FB0];
	_ =	sdelay $0x3  }
0x36: {  	p1 =	seq.s32 s10, $0x1;
	s10 =	sld [smem:$0x3FB1];
	_ =	sdelay $0x3  }
0x37: {  	[smem:$0x3FB1] =	sst s10  }
0x38: {  	s10 =	sld [smem:$0x3FB2]  }
0x39: {  	_ = 	snop;
	(pc) =	sbr.ind lr, $3  }
0x3a: {  	_ = 	snop  }
0x3b: {  	_ = 	snop  }
0x3c: {  	p2 =	seq.s32 s10, $0x1;
	s10 =	sld [smem:$0x3FB1]  }
0x3d: {  	_ =	shalt  }
0x3e: {  	_ =	shalt  }
0x3f: {  	_ =	shalt  }
0x40: {  	_ =	shalt  }
0x41: {  	_ =	shalt  }
0x42: {  	_ =	shalt  }
0x43: {  	_ =	shalt  }
0x44: {  	_ =	shalt  }
0x45: {  	_ =	shalt  }
0x46: {  	_ =	shalt  }
0x47: {  	_ =	shalt  }
0x48: {  	_ =	shalt  }
0x49: {  	_ =	shalt  }
0x4a: {  	_ =	shalt  }
0x4b: {  	_ =	shalt  }
0x4c: {  	_ =	shalt  }
0x4d: {  	_ =	shalt  }
0x4e: {  	_ =	shalt  }
0x4f: {  	_ =	shalt  }
0x50: {  	_ =	shalt  }
0x51: {  	_ =	shalt  }
0x52: {  	_ =	shalt  }
0x53: {  	_ =	shalt  }
0x54: {  	_ =	shalt  }
0x55: {  	_ =	shalt  }
0x56: {  	_ =	shalt  }
0x57: {  	_ =	shalt  }
0x58: {  	_ =	shalt  }
0x59: {  	_ =	shalt  }
0x5a: {  	_ =	shalt  }
0x5b: {  	_ =	shalt  }
0x5c: {  	_ =	shalt  }
0x5d: {  	_ =	shalt  }
0x5e: {  	_ =	shalt  }
0x5f: {  	_ =	shalt  }
0x60: {  	_ =	shalt  }
0x61: {  	_ =	shalt  }
0x62: {  	_ =	shalt  }
0x63: {  	_ =	shalt  }
0x64: {  	_ =	shalt  }
0x65: {  	_ =	shalt  }
0x66: {  	_ =	shalt  }
0x67: {  	_ =	shalt  }
0x68: {  	_ =	shalt  }
0x69: {  	_ =	shalt  }
0x6a: {  	_ =	shalt  }
0x6b: {  	_ =	shalt  }
0x6c: {  	_ =	shalt  }
0x6d: {  	_ =	shalt  }
0x6e: {  	_ =	shalt  }
0x6f: {  	_ =	shalt  }
0x70: {  	_ =	shalt  }
0x71: {  	_ =	shalt  }
0x72: {  	_ =	shalt  }
0x73: {  	_ =	shalt  }
0x74: {  	_ =	shalt  }
0x75: {  	_ =	shalt  }
0x76: {  	_ =	shalt  }
0x77: {  	_ =	shalt  }
0x78: {  	_ =	shalt  }
0x79: {  	_ =	shalt  }
0x7a: {  	_ =	shalt  }
0x7b: {  	_ =	shalt  }
0x7c: {  	_ =	shalt  }
0x7d: {  	_ =	shalt  }
0x7e: {  	_ =	shalt  }
0x7f: {  	_ =	shalt  }
0x80: {  	_ =	shalt  }
0x81: {  	_ =	shalt  }
0x82: {  	_ =	shalt  }
0x83: {  	_ =	shalt  }
0x84: {  	_ =	shalt  }
0x85: {  	_ =	shalt  }
0x86: {  	_ =	shalt  }
0x87: {  	_ =	shalt  }
.Lfunc_end0:
.L_simem_size_0:
called_computation_lowered:
.L_overlay_start_0:
0x88: {  	s2 =	sld [smem:$0x3FD9]  }
0x89: {  	s3 =	sld [smem:$0x3FFE];
	_ =	sdelay $0x1  }
0x8a: {  	s1 =	srdreg.scid  }
0x8b: {  	s0 =	sand.u32 $0x1, s1  }
0x8c: {  	s17 =	sshll.u32 s0, $0xA;
	s2 =	sadd.s32 s3, s2  }
0x8d: {  	s2 =	sadd.s32 s2, s17  }
0x8e: {  	[smem:$0x3FBD] =	sst s2  }
0x8f: {  	_ = 	snop  }
0x90: {  	s2 =	sld [smem:$0x3FD0];
	(tm) =	ssettm $0x1  }
0x91: {  	s18 =	sld [smem:$0x3FFB];
	_ =	sdelay $0x3  }
0x92: {  	_ =	strace s18  }
0x93: {  	s3 =	sld [smem:$0x3FFC];
	_ =	sdelay $0x3  }
0x94: {  	_ =	strace s3  }
0x95: {  	s3 =	sld [smem:$0x3FFD];
	_ =	sdelay $0x3  }
0x96: {  	_ =	strace s3  }
0x97: {  	_ =	strace $0x8FFFFFFF  }
0x98: {  	s19 =	sld [smem:$0x3FDB];
	_ =	sdelay $0x1  }
0x99: {  	s4 =	simm.s32 $_scs_section_size  }
0x9a: {  	s5 =	simm.s32 $_size__tile_overlayer_lowered;
	s6 =	simm.s32 $_tile_overlayer_lowered  }
0x9b: {  	s22 =	simm.s32 $0x1BFF;
	s21 =	sshll.u32 s6, $0x1;
	s3 =	sadd.s32 s4, s19  }
0x9c: {  	s7 =	simm.s32 $0x0;
	s20 =	sshll.u32 s5, $0x1;
	s5 =	sadd.s32 s21, s3  }
0x9d: {  	[timem:s7], [sflag:s22] =	dma.local [hbm:s5], s20  }
0x9e: {  	_ =	swait.ge [sflag:s22], s20  }
0x9f: {  	s4 =	ssub.s32 $0x0, s20;
	[sflag:s22] =	ssyncset.done $0x0  }
0xa0: {  	[sflag:s22] =	ssyncadd.s32 s4;
	_ =	sdelay $0x1  }
0xa1: {  	s23 =	simm.s32 $0x1B8B  }
0xa2: {  	_ =	swait.ge [sflag:s23], $0x1  }
0xa3: {  	[sflag:s23] =	ssyncset.done $0x0  }
0xa4: {  	s25 =	simm.s32 $0x1B8E;
	s24 =	sld [smem:$0x3FFE];
	[sflag:s23] =	ssyncadd.s32 $0xFFFFFFFF  }
0xa5: {  	s26 =	simm.s32 $execute0_lowered;
	[smem:$0x3FD2] =	sst s25  }
0xa6: {  	s5 =	sshll.u32 s26, $0x1;
	_ =	strace $0x80000046;
	[dreg:$0x1] =	wrdreg $0xFFFFFFFF  }
0xa7: {  	s28 =	simm.s32 $_size_execute0_lowered;
	s3 =	sadd.s32 s3, s5;
	[dreg:$0x0] =	wrdreg $0x0  }
0xa8: {  	s5 =	sshll.u32 s28, $0x1;
	[dreg:$0x2] =	wrdreg s3  }
0xa9: {  	[dreg:$0x3] =	wrdreg s5  }
0xaa: {  	[dreg:$0x4] =	wrdreg $0xC0  }
0xab: {  	_ =	task [dreg:s7], $0x5FFFF  }
0xac: {  	[dreg:$0x1] =	wrdreg $0xFFFFFFFF  }
0xad: {  	[dreg:$0x0] =	wrdreg $0x60  }
0xae: {  	[dreg:$0x2] =	wrdreg s24  }
0xaf: {  	[dreg:$0x3] =	wrdreg s2  }
0xb0: {  	[dreg:$0x4] =	wrdreg $0xA1400  }
0xb1: {  	[dreg:$0x5] =	wrdreg $0x9  }
0xb2: {  	_ =	task.clear_ibuf [dreg:s7], $0x6FFFF;
	_ =	strace $0x90000046  }
0xb3: {  	s29 =	simm.s32 $0x9;
	_ =	strace $0x80000048  }
0xb4: {  	_ =	swait.ge [sflag:s29], $0x1  }
0xb5: {  	[sflag:s29] =	ssyncadd.s32 $0xFFFFFFFF  }
0xb6: {  	_ =	strace $0x90000048  }
0xb7: {  	_ =	sfence  }
0xb8: {  	s30 =	sld [smem:$0x0];
	_ =	sdelay $0x2  }
0xb9: {  	s31 =	sshll.u32 s1, $0xD;
	s1 =	sshrl.u32 s1, $0x2  }
0xba: {  	s3 =	sand.u32 $0x4000, s31;
	s1 =	sadd.s32 s1, s30  }
0xbb: {  	s0 =	sor.u32 s3, s0;
	s1 =	sshll.u32 s1, $0x11  }
0xbc: {  	s0 =	sor.u32 s1, s0  }
0xbd: {  	s0 =	sadd.s32 $0x8F2B, s0  }
0xbe: {  	[sflag:s0] =	ssyncadd.remote.s32 $0x1  }
0xbf: {  	_ =	sfence.sel $0xFFFF  }
0xc0: {  	[dreg:$0x0] =	wrdreg $0xFFFFFFFF;
	(pc) =	sbr.abs _section_cstart, $3  }
0xc1: {  	[dreg:$0x1] =	wrdreg $0xFFFFFFFF  }
0xc2: {  	_ =	task.clear_ibuf [dreg:s7], $0x2FFFF;
	_ =	strace $0x9FFFFFFF  }
0xc3: {  	(tm) =	ssettm $0x7FFFFFFF  }
tec
execute0_lowered:
.L_overlay_start_1:
0x0: {  	(tag) =	ssettag $0x1  }
0x1: {  	s1 =	srdreg.scid;
	s7 =	rddreg [dreg:$0x0]  }
0x2: {  	s0 =	simm.s32 $0x0;
	s20 =	stileid.u32;
	s28 =	simm.s32 $0x0  }
0x3: {  	s1 =	sand.u32 $0x1, s1;
	[smem:$0x7FF] =	sst s0;
	s8 =	sadd.s32 $0x15600, s7  }
0x4: {  	s15 =	sor.u32 $0x10, s20;
	s17 =	sor.u32 $0x30, s20;
	s11 =	smul.u32 $0x138800, s1  }
0x5: {  	s2 =	ssub.s32 $0x2, s1;
	s4 =	sshll.u32 s1, $0x4;
	s1 =	smul.u32 $0x2800, s20  }
0x6: {  	s3 =	sshrl.u32 s2, $0x1;
	s12 =	sor.u32 s20, s4;
	s4 =	smul.u32 $0x2800, s17  }
0x7: {  	s16 =	sor.u32 $0x20, s20;
	s10 =	ssub.s32 s2, s3;
	s2 =	smul.u32 $0x2800, s15  }
0x8: {  	s18 =	sor.u32 $0x40, s20;
	s21 =	sor.u32 $0x50, s20;
	s3 =	smul.u32 $0x2800, s16  }
0x9: {  	s22 =	sor.u32 $0x60, s20;
	s23 =	sor.u32 $0x70, s20;
	s31 =	smul.u32 $0xA, s12  }
0xa: {  	p0 =	sgt.u32 s23, $0x7C;
	s9 =	sadd.s32 s11, s1;
	s15 =	smul.u32 $0xA000, s15  }
0xb: {  	s6 =	sshrl.u32 s9, $0x3;
	s19 =	sadd.s32 s11, s4;
	s10 =	smax.u32 s10, $0x1  }
0xc: {  	s5 =	sadd.s32 s11, s2;
	s9 =	sadd.s32 s11, s3;
	s6 =	sadd.s32 s8, s6  }
0xd: {  	s13 =	sshrl.u32 s5, $0x3;
	s9 =	sshrl.u32 s9, $0x3;
	s5 =	smul.u32 $0x2800, s18  }
0xe: {  	[dreg:$0x4] =	wrdreg s6;
	s6 =	smul.u32 $0x2800, s21;
	s13 =	sadd.s32 s8, s13  }
0xf: {  	s18 =	smul.u32 $0xA000, s18;
	s14 =	sadd.s32 s8, s9;
	[dreg:$0x5] =	wrdreg s13  }
0x10: {  	s9 =	sshrl.u32 s19, $0x3;
	s19 =	smul.u32 $0x50, s12;
	[dreg:$0x6] =	wrdreg s14  }
0x11: {  	s24 =	sadd.s32 s11, s5;
	s9 =	sadd.s32 s8, s9;
	s26 =	sadd.s32 s11, s6  }
0x12: {  	s14 =	sadd.s32 $0x1A00, s7;
	s13 =	sshrl.u32 s24, $0x3;
	s24 =	smul.u32 $0x2800, s22  }
0x13: {  	[dreg:$0x7] =	wrdreg s9;
	s9 =	sshrl.u32 s26, $0x3;
	s25 =	sadd.s32 s8, s13  }
0x14: {  	s26 =	sshrl.u32 s19, $0x3;
	s9 =	sadd.s32 s8, s9;
	[dreg:$0x8] =	wrdreg s25  }
0x15: {  	s29 =	sadd.s32 s11, s24;
	s25 =	smul.u32 $0x2800, s23;
	[dreg:$0x9] =	wrdreg s9  }
0x16: {  	s19 =	sor.u32 $0x40, s12;
	s9 =	rddreg [dreg:$0x1];
	s13 =	sshrl.u32 s29, $0x3  }
0x17: {  	s13 =	sadd.s32 s8, s13;
	s30 =	sadd.s32 s11, s25;
	s11 =	rddreg [dreg:$0x2]  }
0x18: {  	[dreg:$0xa] =	wrdreg s13;
	s13 =	sshrl.u32 s30, $0x3;
	s1 =	sadd.s32 s1, s11  }
0x19: {  	s2 =	sadd.s32 s2, s11;
	s3 =	sadd.s32 s3, s11;
	s4 =	sadd.s32 s4, s11  }
0x1a: {  	s5 =	sadd.s32 s5, s11;
	s6 =	sadd.s32 s6, s11;
	s8 =	sadd.s32 s8, s13  }
0x1b: {  	s13 =	sadd.s32 $0xB800, s7;
	s7 =	sadd.s32 $0x140, s26;
	s1 =	sshrl.u32 s1, $0x3  }
0x1c: {  	[dreg:$0xb] =	wrdreg s8;
	s29 =	sadd.s32 s13, s31;
	s8 =	sadd.s32 s14, s31  }
0x1d: {  	s30 =	sadd.s32 s13, s7;
	_ =	strace $0x80000047;
	[dreg:$0xc] =	wrdreg s29  }
0x1e: {  	s7 =	sadd.s32 s14, s7;
	s31 =	smul.u32 $0xA000, s20;
	[dreg:$0xd] =	wrdreg s8  }
0x1f: {  	s20 =	sor.u32 $0x60, s12;
	s8 =	smul.u32 $0xA000, s16;
	[dreg:$0xe] =	wrdreg s30  }
0x20: {  	s12 =	simm.s32 $0xA0;
	[dreg:$0xf] =	wrdreg s7;
	s16 =	smul.u32 $0xA000, s17  }
0x21: {  	[dreg:$0x10] =	wrdreg s10;
	s17 =	sshrl.u32 s15, $0x2;
	s29 =	smul.u32 $0xA000, s21  }
0x22: {  	s30 =	smul.u32 $0xA000, s22;
	s15 =	sshrl.u32 s18, $0x2;
	[dreg:$0x19] =	wrdreg s1  }
0x23: {  	s7 =	sshrl.u32 s31, $0x2;
	s26 =	sadd.s32 s17, s11;
	s31 =	smul.u32 $0xA000, s23  }
0x24: {  	s17 =	sadd.s32 s15, s11;
	s15 =	simm.s32 $0x1;
	s7 =	sadd.s32 s7, s11  }
0x25: {  	[dreg:$0x12] =	wrdreg s26;
	s8 =	sshrl.u32 s8, $0x2;
	s10 =	sshrl.u32 s16, $0x2  }
0x26: {  	[dreg:$0x15] =	wrdreg s17;
	s18 =	sshrl.u32 s30, $0x2;
	s26 =	sadd.s32 s24, s11  }
0x27: {  	s30 =	sshrl.u32 s3, $0x3;
	s3 =	sshrl.u32 s5, $0x3;
	s16 =	simm.s32 $0x50  }
0x28: {  	s17 =	simm.s32 $0x5140;
	s24 =	simm.s32 $0x6;
	[dreg:$0x11] =	wrdreg s7  }
0x29: {  	s8 =	sadd.s32 s8, s11;
	s10 =	sadd.s32 s10, s11;
	s7 =	sshrl.u32 s29, $0x2  }
0x2a: {  	s21 =	sshrl.u32 s31, $0x2;
	s22 =	sadd.s32 s18, s11;
	[dreg:$0x1b] =	wrdreg s30  }
0x2b: {  	s29 =	sshrl.u32 s2, $0x3;
	s31 =	sshrl.u32 s4, $0x3;
	[dreg:$0x13] =	wrdreg s8  }
0x2c: {  	s4 =	sshrl.u32 s6, $0x3;
	s5 =	sshrl.u32 s26, $0x3;
	[dreg:$0x14] =	wrdreg s10  }
0x2d: {  	s18 =	simm.s32 $0xF0;
	s26 =	simm.s32 $0x7940;
	[dreg:$0x17] =	wrdreg s22  }
.Ltmp0:
0x2e: {  	s7 =	sadd.s32 s7, s11;
	[dreg:$0x1a] =	wrdreg s29;
	(pc) =	sbr.rel .LBB2_1-.Ltmp0, $4  }
0x2f: {  	v4 =	vlaneseq.u32;
	s23 =	sadd.s32 s21, s11;
	s8 =	sadd.s32 s25, s11;
	[dreg:$0x1c] =	wrdreg s31  }
0x30: {  	v0 =	vimm.f32 $0.0e+00;
	v1 =	vshrl.u32 v4, $0x3;
	v3 =	vand.u32 $0x7, v4;
	s10 =	simm.s32 $0x7;
	s21 =	simm.s32 $0x3;
	[dreg:$0x16] =	wrdreg s7  }
0x31: {  	v4 =	vor.u32 $0x48, v4;
	v2 =	vmul.u32 $0x80, v1;
	v3 =	vor.u32 $0x40, v3;
	s22 =	simm.s32 $0x5;
	s25 =	simm.s32 $0x2940;
	[dreg:$0x18] =	wrdreg s23  }
0x32: {  	v5 =	vor.u32 $0x2, v1;
	v6 =	vor.u32 $0x4, v1;
	v7 =	vor.u32 $0x6, v1;
	s6 =	sshrl.u32 @!p0 s8, $0x3;
	s7 =	simm.s32 $0x140;
	s23 =	simm.s32 $0x4  }
.LBB2_16:
0x33: {  	s1 =	stileid.u32;
	[bflag:$0x0] =	sbarrier.arrive $0xFFFF  }
0x34: {  	s1 =	sshll.u32 s1, $0x6;
	s2 =	rddreg [dreg:$0x4]  }
0x35: {  	s8 =	rddreg [dreg:$0x19];
	s1 =	sor.u32 $0x1C07, s1  }
0x36: {  	[hbm:s2], [sflag:s1] =	dma.local [spmem:s8], $0x500  }
0x37: {  	_ =	swait.ge [sflag:s10], $0x500  }
0x38: {  	[sflag:s10] =	ssyncset.done $0x0;
	s30 =	rddreg [dreg:$0x5]  }
0x39: {  	s31 =	rddreg [dreg:$0x1a];
	[sflag:s10] =	ssyncadd.s32 $0xFFFFFB00  }
0x3a: {  	[hbm:s30], [sflag:s1] =	dma.local [spmem:s31], $0x500  }
0x3b: {  	_ =	swait.ge [sflag:s10], $0x500  }
0x3c: {  	[sflag:s10] =	ssyncset.done $0x0;
	s8 =	rddreg [dreg:$0x6]  }
0x3d: {  	s29 =	rddreg [dreg:$0x1b];
	[sflag:s10] =	ssyncadd.s32 $0xFFFFFB00  }
0x3e: {  	[hbm:s8], [sflag:s1] =	dma.local [spmem:s29], $0x500  }
0x3f: {  	_ =	swait.ge [sflag:s10], $0x500  }
0x40: {  	[sflag:s10] =	ssyncset.done $0x0;
	s30 =	rddreg [dreg:$0x7]  }
0x41: {  	s31 =	rddreg [dreg:$0x1c];
	[sflag:s10] =	ssyncadd.s32 $0xFFFFFB00  }
0x42: {  	[hbm:s30], [sflag:s1] =	dma.local [spmem:s31], $0x500  }
0x43: {  	_ =	swait.ge [sflag:s10], $0x500  }
0x44: {  	[sflag:s10] =	ssyncset.done $0x0  }
0x45: {  	s8 =	rddreg [dreg:$0x8];
	[sflag:s10] =	ssyncadd.s32 $0xFFFFFB00  }
0x46: {  	[hbm:s8], [sflag:s1] =	dma.local [spmem:s3], $0x500  }
0x47: {  	_ =	swait.ge [sflag:s10], $0x500  }
0x48: {  	[sflag:s10] =	ssyncset.done $0x0  }
0x49: {  	s29 =	rddreg [dreg:$0x9];
	[sflag:s10] =	ssyncadd.s32 $0xFFFFFB00  }
0x4a: {  	[hbm:s29], [sflag:s1] =	dma.local [spmem:s4], $0x500  }
0x4b: {  	_ =	swait.ge [sflag:s10], $0x500  }
0x4c: {  	[sflag:s10] =	ssyncset.done $0x0  }
0x4d: {  	s30 =	rddreg [dreg:$0xa];
	[sflag:s10] =	ssyncadd.s32 $0xFFFFFB00  }
0x4e: {  	[hbm:s30], [sflag:s1] =	dma.local [spmem:s5], $0x500  }
0x4f: {  	_ =	swait.ge [sflag:s10], $0x500  }
0x50: {  	[sflag:s10] =	ssyncset.done $0x0  }
0x51: {  	s2 =	rddreg [dreg:$0xb];
	[sflag:s10] =	ssyncadd.s32 $0xFFFFFB00  }
0x52: {  	[hbm:s2], [sflag:s1] =	dma.local @!p0 [spmem:s6], $0x500  }
0x53: {  	s1 =	simm.s32 @!p0 $0x7  }
0x54: {  	_ =	swait.ge @!p0 [sflag:s1], $0x500  }
0x55: {  	s28 =	sadd.s32 $0x1, s28;
	s31 =	rddreg [dreg:$0x10]  }
0x56: {  	p1 =	sne.s32 s28, s31  }
.Ltmp1:
0x57: {  	_ = 	snop;
	(pc) =	sbr.rel @!p1 .LBB2_17-.Ltmp1, $3  }
0x58: {  	_ =	sdelay $0x1  }
0x59: {  	[sflag:s1] =	ssyncset.done @!p0 $0x0  }
0x5a: {  	[sflag:s1] =	ssyncadd.s32 @!p0 $0xFFFFFB00  }
.LBB2_1:
0x5b: {  	s1 =	sand.u32 $0xFE00, s0  }
0x5c: {  	s8 =	sand.u32 $0x70, s0;
	s29 =	sshrl.u32 s1, $0x2  }
0x5d: {  	s1 =	simm.s32 $0x40;
	s29 =	sor.u32 s8, s29;
	s8 =	simm.s32 $0x0  }
.LBB2_2:
0x5e: {  	p1 =	sne.s32 s1, $0x9FC0  }
0x5f: {  	[tilespmem:s29+$0x140] =	vst v0;
	s8 =	sadd.s32 $0x10, s8;
	s29 =	smov.u32 s1;
	s1 =	sadd.s32 $0x40, s1  }
.Ltmp2:
0x60: {  	(pc) =	sbr.rel @p1 .LBB2_2-.Ltmp2, $4  }
0x61: {  	_ = 	snop  }
0x62: {  	s29 =	sand.u32 $0xFE00, s29  }
0x63: {  	s30 =	sand.u32 $0x70, s8;
	s29 =	sshrl.u32 s29, $0x2  }
0x64: {  	s29 =	sor.u32 s30, s29  }
0x65: {  	[tilespmem:s29+$0x140] =	vst v0;
	s1 =	rddreg [dreg:$0x11]  }
0x66: {  	[spmem:s1] =	stream.linear.scatter [tilespmem:s7], [sflag:$0x7], $0x2800, $0x38;
	[tilespmem:$0x1D9C0] =	vst v63  }
0x67: {  	_ =	swait.ge [sflag:s10], $0x2800  }
0x68: {  	[sflag:s10] =	ssyncset.done $0x0  }
0x69: {  	s30 =	rddreg [dreg:$0x12];
	[sflag:s10] =	ssyncadd.s32 $0xFFFFD800  }
0x6a: {  	[spmem:s30] =	stream.linear.scatter [tilespmem:s7], [sflag:$0x7], $0x2800, $0x38;
	[tilespmem:$0x1D9C0] =	vst v63  }
0x6b: {  	_ =	swait.ge [sflag:s10], $0x2800  }
0x6c: {  	[sflag:s10] =	ssyncset.done $0x0  }
0x6d: {  	s31 =	rddreg [dreg:$0x13];
	[sflag:s10] =	ssyncadd.s32 $0xFFFFD800  }
0x6e: {  	[spmem:s31] =	stream.linear.scatter [tilespmem:s7], [sflag:$0x7], $0x2800, $0x38;
	[tilespmem:$0x1D9C0] =	vst v63  }
0x6f: {  	_ =	swait.ge [sflag:s10], $0x2800  }
0x70: {  	[sflag:s10] =	ssyncset.done $0x0  }
0x71: {  	s2 =	rddreg [dreg:$0x14];
	[sflag:s10] =	ssyncadd.s32 $0xFFFFD800  }
0x72: {  	[spmem:s2] =	stream.linear.scatter [tilespmem:s7], [sflag:$0x7], $0x2800, $0x38;
	[tilespmem:$0x1D9C0] =	vst v63  }
0x73: {  	_ =	swait.ge [sflag:s10], $0x2800  }
0x74: {  	[sflag:s10] =	ssyncset.done $0x0  }
0x75: {  	s8 =	rddreg [dreg:$0x15];
	[sflag:s10] =	ssyncadd.s32 $0xFFFFD800  }
0x76: {  	[spmem:s8] =	stream.linear.scatter [tilespmem:s7], [sflag:$0x7], $0x2800, $0x38;
	[tilespmem:$0x1D9C0] =	vst v63  }
0x77: {  	_ =	swait.ge [sflag:s10], $0x2800  }
0x78: {  	[sflag:s10] =	ssyncset.done $0x0  }
0x79: {  	s30 =	rddreg [dreg:$0x16];
	[sflag:s10] =	ssyncadd.s32 $0xFFFFD800  }
0x7a: {  	[spmem:s30] =	stream.linear.scatter [tilespmem:s7], [sflag:$0x7], $0x2800, $0x38;
	[tilespmem:$0x1D9C0] =	vst v63  }
0x7b: {  	_ =	swait.ge [sflag:s10], $0x2800  }
0x7c: {  	[sflag:s10] =	ssyncset.done $0x0  }
0x7d: {  	s31 =	rddreg [dreg:$0x17];
	[sflag:s10] =	ssyncadd.s32 $0xFFFFD800  }
0x7e: {  	[spmem:s31] =	stream.linear.scatter [tilespmem:s7], [sflag:$0x7], $0x2800, $0x38;
	[tilespmem:$0x1D9C0] =	vst v63  }
0x7f: {  	_ =	swait.ge [sflag:s10], $0x2800  }
0x80: {  	[sflag:s10] =	ssyncset.done $0x0  }
0x81: {  	s1 =	simm.s32 @!p0 $0x140;
	s2 =	rddreg [dreg:$0x18];
	[sflag:s10] =	ssyncadd.s32 $0xFFFFD800  }
0x82: {  	[spmem:s2] =	stream.linear.scatter @!p0 [tilespmem:s1], [sflag:$0x7], $0x2800, $0x38;
	[tilespmem:$0x1D9C0] =	vst v63  }
0x83: {  	s1 =	simm.s32 @!p0 $0x7  }
0x84: {  	_ =	swait.ge @!p0 [sflag:s1], $0x2800  }
0x85: {  	[sflag:s1] =	ssyncset.done @!p0 $0x0  }
0x86: {  	s29 =	simm.s32 $0x0;
	s2 =	rddreg [dreg:$0xc];
	[sflag:s1] =	ssyncadd.s32 @!p0 $0xFFFFD800  }
0x87: {  	[tilespmem:s29], [sflag:$0x1] =	stream.linear.gather [hbm4b:s2+s29], $0x50, $0x38;
	[tilespmem:$0x1D9C0] =	vst v63  }
0x88: {  	s8 =	rddreg [dreg:$0xd]  }
0x89: {  	[tilespmem:s12], [sflag:$0x1] =	stream.linear.gather [hbm4b:s8+s29], $0x50, $0x38;
	[tilespmem:$0x1D9C0] =	vst v63  }
0x8a: {  	_ =	swait.ge [sflag:s15], $0x50  }
0x8b: {  	[sflag:s15] =	ssyncset.done $0x0  }
0x8c: {  	[sflag:s15] =	ssyncadd.s32 $0xFFFFFFB0  }
0x8d: {  	_ =	swait.ge [sflag:s15], $0x50  }
0x8e: {  	[sflag:s15] =	ssyncset.done $0x0  }
0x8f: {  	[sflag:s15] =	ssyncadd.s32 $0xFFFFFFB0  }
0x90: {  	[tilespmem:s7], [sflag:$0x3] =	stream.indirect.gather [hbm4b:s9+s16], $0x80, s29, s16, $0xb8;
	[tilespmem:$0x1D9C0] =	vst v63  }
0x91: {  	_ = 	snop  }
0x92: {  	[tilespmem:s17], [sflag:$0x5] =	stream.indirect.gather [hbm4b:s9+s16], $0x80, s12, s16, $0xb8;
	[tilespmem:$0x1D9C0] =	vst v63  }
0x93: {  	s30 =	rddreg [dreg:$0xe]  }
0x94: {  	[tilespmem:s16], [sflag:$0x2] =	stream.linear.gather [hbm4b:s30+s29], $0x50, $0x38;
	[tilespmem:$0x1D9C0] =	vst v63  }
.Ltmp3:
0x95: {  	_ = 	snop;
	(pc) =	sbr.rel .LBB2_4-.Ltmp3, $3  }
0x96: {  	s31 =	rddreg [dreg:$0xf]  }
0x97: {  	[tilespmem:s18], [sflag:$0x2] =	stream.linear.gather [hbm4b:s31+s29], $0x50, $0x38;
	[tilespmem:$0x1D9C0] =	vst v63  }
0x98: {  	[bflag:$0x0] =	sbarrier.arrive $0xFFFF;
	_ =	sdelay $0x1  }
.LBB2_15:
0x99: {  	_ =	swait.ge [sflag:s15], $0x50  }
0x9a: {  	[sflag:s15] =	ssyncset.done $0x0  }
0x9b: {  	[sflag:s15] =	ssyncadd.s32 $0xFFFFFFB0  }
0x9c: {  	_ =	swait.ge [sflag:s15], $0x50  }
0x9d: {  	[sflag:s15] =	ssyncset.done $0x0  }
0x9e: {  	[sflag:s15] =	ssyncadd.s32 $0xFFFFFFB0  }
0x9f: {  	[tilespmem:s7], [sflag:$0x3] =	stream.indirect.gather [hbm4b:s9+s16], $0x80, s0, s16, $0xb8;
	[tilespmem:$0x1D9C0] =	vst v63  }
0xa0: {  	s29 =	sadd.s32 $0x1, s29  }
0xa1: {  	[tilespmem:s17], [sflag:$0x5] =	stream.indirect.gather [hbm4b:s9+s16], $0x80, s12, s16, $0xb8;
	[tilespmem:$0x1D9C0] =	vst v63  }
.LBB2_4:
0xa2: {  	_ =	swait.ge [sflag:s21], $0x2800  }
0xa3: {  	[sflag:s21] =	ssyncset.done $0x0  }
0xa4: {  	[sflag:s21] =	ssyncadd.s32 $0xFFFFD800  }
0xa5: {  	_ =	swait.ge [sflag:s22], $0x2800  }
0xa6: {  	p1 =	sgt.u32 s29, $0x3D;
	[sflag:s22] =	ssyncset.done $0x0  }
0xa7: {  	s1 =	simm.s32 @!p1 $0x2;
	[sflag:s22] =	ssyncadd.s32 $0xFFFFD800  }
0xa8: {  	s8 =	simm.s32 $0x0;
	_ =	swait.ge @!p1 [sflag:s1], $0x50  }
0xa9: {  	v8 =	vmov s8;
	[sflag:s1] =	ssyncset.done @!p1 $0x0  }
0xaa: {  	v8 =	vshll.u32 v8, $0x7;
	[sflag:s1] =	ssyncadd.s32 @!p1 $0xFFFFFFB0  }
0xab: {  	v8 =	vor.u32 v2, v8;
	_ =	swait.ge @!p1 [sflag:s1], $0x50  }
0xac: {  	v9 =	vor.u32 v3, v8;
	[sflag:s1] =	ssyncset.done @!p1 $0x0  }
0xad: {  	s8 =	simm.s32 @!p1 $0x2940;
	v8 =	vor.u32 v4, v8;
	[sflag:s1] =	ssyncadd.s32 @!p1 $0xFFFFFFB0;
	s1 =	simm.s32 @!p1 $0x50  }
0xae: {  	[tilespmem:s8], [sflag:$0x4] =	stream.indirect.gather @!p1 [hbm4b:s9+s1], $0x80, s1, s1, $0xb8;
	[tilespmem:$0x1D9C0] =	vst v63  }
0xaf: {  	s30 =	simm.s32 @!p1 $0x7940;
	s8 =	simm.s32 @!p1 $0xF0  }
0xb0: {  	[tilespmem:s30], [sflag:$0x6] =	stream.indirect.gather @!p1 [hbm4b:s9+s1], $0x80, s8, s1, $0xb8;
	[tilespmem:$0x1D9C0] =	vst v63  }
0xb1: {  	v10 =	vld.idx.msk [tilespmem:v9+s7+$0x0], $0xffff  }
0xb2: {  	v8 =	vld.idx.msk [tilespmem:v8+s17+$0x0], $0xffff;
	_ =	sdelay $0x4  }
0xb3: {  	v8 =	vadd.f32 v8, v10;
	_ =	sdelay $0x1  }
0xb4: {  	v10 =	vmul.f32 $2.000000030e-01, v8;
	_ =	sdelay $0x1  }
0xb5: {  	v8 =	vmax.f32 v8, v10  }
0xb6: {  	v8 =	vmul.f32 $1.442695020e+00, v8;
	_ =	sdelay $0x1  }
0xb7: {  	(erf) = vpow2.f32 v8;
	_ =	sdelay $0x1  }
0xb8: {  	s30 =	simm.s32 $0x2  }
0xb9: {  	v8 =	vmov s30  }
0xba: {  	v8 =	vshll.u32 v8, $0x7  }
0xbb: {  	v10 =	vor.u32 v2, v8  }
0xbc: {  	v8 =	vor.u32 v3, v10  }
0xbd: {  	v10 =	vor.u32 v4, v10;
	_ =	sdelay $0x1  }
0xbe: {  	v11 =	vpop (erf)  }
0xbf: {  	[tilespmem:v9+s7+$0x0] =	vst.idx.msk $0xffff, v11  }
0xc0: {  	v9 =	vld.idx.msk [tilespmem:v8+s7+$0x0], $0xffff  }
0xc1: {  	v10 =	vld.idx.msk [tilespmem:v10+s17+$0x0], $0xffff;
	_ =	sdelay $0x4  }
0xc2: {  	v9 =	vadd.f32 v10, v9;
	_ =	sdelay $0x1  }
0xc3: {  	v10 =	vmul.f32 $2.000000030e-01, v9;
	_ =	sdelay $0x1  }
0xc4: {  	v9 =	vmax.f32 v9, v10  }
0xc5: {  	v9 =	vmul.f32 $1.442695020e+00, v9;
	_ =	sdelay $0x1  }
0xc6: {  	(erf) = vpow2.f32 v9;
	_ =	sdelay $0x1  }
0xc7: {  	s31 =	simm.s32 $0x4  }
0xc8: {  	v10 =	vmov s31  }
0xc9: {  	v10 =	vshll.u32 v10, $0x7  }
0xca: {  	v10 =	vor.u32 v2, v10  }
0xcb: {  	s1 =	simm.s32 $0x6;
	s8 =	simm.s32 $0xA;
	v9 =	vor.u32 v3, v10;
	v10 =	vor.u32 v4, v10  }
.LBB2_5:
0xcc: {  	_ = 	snop  }
0xcd: {  	p2 =	sne.s32 s8, $0x4E;
	s30 =	smov.u32 s8;
	s8 =	sadd.s32 $0x4, s8  }
0xce: {  	v11 =	vpop (erf)  }
0xcf: {  	[tilespmem:v8+s7+$0x0] =	vst.idx.msk $0xffff, v11  }
0xd0: {  	v8 =	vld.idx.msk [tilespmem:v9+s7+$0x0], $0xffff  }
0xd1: {  	v10 =	vld.idx.msk [tilespmem:v10+s17+$0x0], $0xffff;
	_ =	sdelay $0x5  }
0xd2: {  	v8 =	vadd.f32 v10, v8;
	_ =	sdelay $0x1  }
0xd3: {  	v10 =	vmul.f32 $2.000000030e-01, v8;
	_ =	sdelay $0x1  }
0xd4: {  	v8 =	vmax.f32 v8, v10  }
0xd5: {  	v8 =	vmul.f32 $1.442695020e+00, v8;
	_ =	sdelay $0x1  }
0xd6: {  	(erf) = vpow2.f32 v8;
	_ =	sdelay $0x2  }
0xd7: {  	v8 =	vmov s1;
	s1 =	smov.u32 s30  }
0xd8: {  	v8 =	vshll.u32 v8, $0x7  }
0xd9: {  	v10 =	vor.u32 v2, v8  }
0xda: {  	v8 =	vor.u32 v3, v10;
	v10 =	vor.u32 v4, v10;
	_ =	sdelay $0x2  }
0xdb: {  	v11 =	vpop (erf)  }
0xdc: {  	[tilespmem:v9+s7+$0x0] =	vst.idx.msk $0xffff, v11  }
0xdd: {  	v9 =	vld.idx.msk [tilespmem:v8+s7+$0x0], $0xffff  }
0xde: {  	v10 =	vld.idx.msk [tilespmem:v10+s17+$0x0], $0xffff;
	_ =	sdelay $0x5  }
0xdf: {  	v9 =	vadd.f32 v10, v9;
	_ =	sdelay $0x1  }
0xe0: {  	v10 =	vmul.f32 $2.000000030e-01, v9;
	_ =	sdelay $0x1  }
0xe1: {  	v9 =	vmax.f32 v9, v10  }
0xe2: {  	v9 =	vmul.f32 $1.442695020e+00, v9;
	_ =	sdelay $0x1  }
0xe3: {  	(erf) = vpow2.f32 v9;
	_ =	sdelay $0x1  }
.Ltmp4:
0xe4: {  	s30 =	sadd.s32 $0xFFFFFFFE, s1;
	(pc) =	sbr.rel @p2 .LBB2_5-.Ltmp4, $4  }
0xe5: {  	v9 =	vmov s30  }
0xe6: {  	v9 =	vshll.u32 v9, $0x7  }
0xe7: {  	v10 =	vor.u32 v2, v9  }
0xe8: {  	v9 =	vor.u32 v3, v10;
	v10 =	vor.u32 v4, v10  }
0xe9: {  	_ =	sdelay $0x2  }
0xea: {  	v11 =	vpop (erf)  }
0xeb: {  	[tilespmem:v8+s7+$0x0] =	vst.idx.msk $0xffff, v11  }
0xec: {  	v8 =	vld.idx.msk [tilespmem:v9+s7+$0x0], $0xffff  }
0xed: {  	v10 =	vld.idx.msk [tilespmem:v10+s17+$0x0], $0xffff;
	_ =	sdelay $0x4  }
0xee: {  	v8 =	vadd.f32 v10, v8;
	_ =	sdelay $0x1  }
0xef: {  	v10 =	vmul.f32 $2.000000030e-01, v8;
	_ =	sdelay $0x1  }
0xf0: {  	v8 =	vmax.f32 v8, v10  }
0xf1: {  	v8 =	vmul.f32 $1.442695020e+00, v8;
	_ =	sdelay $0x1  }
0xf2: {  	(erf) = vpow2.f32 v8;
	_ =	sdelay $0x2  }
0xf3: {  	v8 =	vmov s1  }
0xf4: {  	v8 =	vshll.u32 v8, $0x7  }
0xf5: {  	v8 =	vor.u32 v2, v8  }
0xf6: {  	v10 =	vor.u32 v3, v8  }
0xf7: {  	v8 =	vor.u32 v4, v8;
	_ =	sdelay $0x1  }
0xf8: {  	v11 =	vpop (erf)  }
0xf9: {  	[tilespmem:v9+s7+$0x0] =	vst.idx.msk $0xffff, v11  }
0xfa: {  	v9 =	vld.idx.msk [tilespmem:v10+s7+$0x0], $0xffff  }
0xfb: {  	v8 =	vld.idx.msk [tilespmem:v8+s17+$0x0], $0xffff;
	_ =	sdelay $0x4  }
0xfc: {  	v8 =	vadd.f32 v8, v9;
	_ =	sdelay $0x1  }
0xfd: {  	v9 =	vmul.f32 $2.000000030e-01, v8;
	_ =	sdelay $0x1  }
0xfe: {  	v8 =	vmax.f32 v8, v9  }
0xff: {  	v8 =	vmul.f32 $1.442695020e+00, v8;
	_ =	sdelay $0x1  }
0x100: {  	(erf) = vpow2.f32 v8  }
0x101: {  	s2 =	simm.s32 $0x0  }
0x102: {  	v8 =	vmov s2  }
0x103: {  	v8 =	vor.u32 $0x40, v8  }
0x104: {  	v8 =	vbroadcast v8, $0x0;
	_ =	sdelay $0x1  }
0x105: {  	v9 =	vor.u32 v1, v8;
	_ =	sdelay $0x2  }
0x106: {  	v11 =	vpop (erf)  }
0x107: {  	[tilespmem:v10+s7+$0x0] =	vst.idx.msk $0xffff, v11  }
0x108: {  	s30 =	simm.s32 $0x1C0;
	v9 =	vld.idx.msk [tilespmem:v9+s7+$0x0], $0xffff  }
0x109: {  	v10 =	vld [tilespmem:s30+$0xFFFFFF80];
	_ =	sdelay $0x2  }
0x10a: {  	v11 =	vor.u32 v5, v8;
	_ =	sdelay $0x1  }
0x10b: {  	v9 =	vmul.f32 v10, v9;
	_ =	sdelay $0x1  }
0x10c: {  	v10 =	vld [tilespmem:s30+$0xFFFFFF90];
	[tilespmem:s30+$0xFFFFFF80] =	vst v9  }
0x10d: {  	v9 =	vld.idx.msk [tilespmem:v11+s7+$0x0], $0xffff;
	_ =	sdelay $0x2  }
0x10e: {  	v11 =	vor.u32 v6, v8;
	_ =	sdelay $0x1  }
0x10f: {  	v9 =	vmul.f32 v10, v9;
	_ =	sdelay $0x1  }
0x110: {  	v10 =	vld [tilespmem:s30+$0xFFFFFFA0];
	[tilespmem:s30+$0xFFFFFF90] =	vst v9  }
0x111: {  	v9 =	vld.idx.msk [tilespmem:v11+s7+$0x0], $0xffff;
	_ =	sdelay $0x2  }
0x112: {  	v8 =	vor.u32 v7, v8;
	_ =	sdelay $0x1  }
0x113: {  	v9 =	vmul.f32 v10, v9  }
0x114: {  	s8 =	simm.s32 $0x80  }
0x115: {  	v10 =	vld [tilespmem:s30+$0xFFFFFFB0];
	[tilespmem:s30+$0xFFFFFFA0] =	vst v9;
	v9 =	vmov s8  }
0x116: {  	v8 =	vld.idx.msk [tilespmem:v8+s7+$0x0], $0xffff;
	v9 =	vor.u32 $0x40, v9  }
0x117: {  	v9 =	vbroadcast v9, $0x0;
	_ =	sdelay $0x1  }
0x118: {  	v11 =	vor.u32 v1, v9;
	_ =	sdelay $0x1  }
0x119: {  	v8 =	vmul.f32 v10, v8;
	_ =	sdelay $0x1  }
0x11a: {  	v10 =	vld [tilespmem:s30+$0x0];
	[tilespmem:s30+$0xFFFFFFB0] =	vst v8  }
0x11b: {  	v8 =	vld.idx.msk [tilespmem:v11+s7+$0x0], $0xffff;
	_ =	sdelay $0x2  }
0x11c: {  	v11 =	vor.u32 v5, v9;
	_ =	sdelay $0x1  }
0x11d: {  	v8 =	vmul.f32 v10, v8;
	_ =	sdelay $0x1  }
0x11e: {  	v10 =	vld [tilespmem:s30+$0x10];
	[tilespmem:s30+$0x0] =	vst v8  }
0x11f: {  	v8 =	vld.idx.msk [tilespmem:v11+s7+$0x0], $0xffff;
	_ =	sdelay $0x2  }
0x120: {  	v11 =	vor.u32 v6, v9;
	_ =	sdelay $0x1  }
0x121: {  	v8 =	vmul.f32 v10, v8;
	_ =	sdelay $0x1  }
0x122: {  	[tilespmem:s30+$0x10] =	vst v8  }
0x123: {  	v10 =	vld.idx.msk [tilespmem:v11+s7+$0x0], $0xffff  }
0x124: {  	v11 =	vld [tilespmem:s30+$0x20];
	_ =	sdelay $0x2  }
0x125: {  	v8 =	vor.u32 v7, v9;
	_ =	sdelay $0x1  }
0x126: {  	v9 =	vmul.f32 v11, v10  }
0x127: {  	s31 =	simm.s32 $0x5;
	s8 =	simm.s32 $0x180  }
.LBB2_7:
0x128: {  	p2 =	sne.s32 s31, $0x4F;
	s1 =	sadd.s32 $0xFFFFFF80, s8;
	[tilespmem:s30+$0x20] =	vst v9  }
0x129: {  	v9 =	vmov s1;
	v8 =	vld.idx.msk [tilespmem:v8+s7+$0x0], $0xffff  }
0x12a: {  	v9 =	vor.u32 $0x40, v9;
	v10 =	vld [tilespmem:s30+$0x30]  }
0x12b: {  	v9 =	vbroadcast v9, $0x0;
	_ =	sdelay $0x1  }
0x12c: {  	v11 =	vor.u32 v1, v9;
	_ =	sdelay $0x1  }
0x12d: {  	v8 =	vmul.f32 v10, v8;
	_ =	sdelay $0x1  }
0x12e: {  	[tilespmem:s30+$0x30] =	vst v8  }
0x12f: {  	s30 =	sadd.s32 $0x100, s30;
	v8 =	vld.idx.msk [tilespmem:v11+s7+$0x0], $0xffff  }
0x130: {  	v10 =	vld [tilespmem:s30+$0xFFFFFF80];
	_ =	sdelay $0x2  }
0x131: {  	v11 =	vor.u32 v5, v9;
	_ =	sdelay $0x1  }
0x132: {  	v8 =	vmul.f32 v10, v8;
	_ =	sdelay $0x1  }
0x133: {  	[tilespmem:s30+$0xFFFFFF80] =	vst v8  }
0x134: {  	v8 =	vld.idx.msk [tilespmem:v11+s7+$0x0], $0xffff  }
0x135: {  	v10 =	vld [tilespmem:s30+$0xFFFFFF90];
	_ =	sdelay $0x2  }
0x136: {  	v11 =	vor.u32 v6, v9;
	_ =	sdelay $0x1  }
0x137: {  	v8 =	vmul.f32 v10, v8;
	_ =	sdelay $0x1  }
0x138: {  	[tilespmem:s30+$0xFFFFFF90] =	vst v8  }
0x139: {  	v8 =	vld.idx.msk [tilespmem:v11+s7+$0x0], $0xffff  }
0x13a: {  	v10 =	vld [tilespmem:s30+$0xFFFFFFA0];
	_ =	sdelay $0x2  }
0x13b: {  	v9 =	vor.u32 v7, v9;
	_ =	sdelay $0x1  }
0x13c: {  	v8 =	vmul.f32 v10, v8;
	_ =	sdelay $0x1  }
0x13d: {  	[tilespmem:s30+$0xFFFFFFA0] =	vst v8  }
0x13e: {  	v8 =	vld.idx.msk [tilespmem:v9+s7+$0x0], $0xffff;
	v9 =	vmov s8  }
0x13f: {  	v10 =	vld [tilespmem:s30+$0xFFFFFFB0];
	v9 =	vor.u32 $0x40, v9  }
0x140: {  	v9 =	vbroadcast v9, $0x0;
	_ =	sdelay $0x1  }
0x141: {  	v11 =	vor.u32 v1, v9;
	_ =	sdelay $0x1  }
0x142: {  	v8 =	vmul.f32 v10, v8;
	_ =	sdelay $0x1  }
0x143: {  	[tilespmem:s30+$0xFFFFFFB0] =	vst v8  }
0x144: {  	v8 =	vld.idx.msk [tilespmem:v11+s7+$0x0], $0xffff  }
0x145: {  	v10 =	vld [tilespmem:s30+$0x0];
	_ =	sdelay $0x2  }
0x146: {  	v11 =	vor.u32 v5, v9;
	_ =	sdelay $0x1  }
0x147: {  	v8 =	vmul.f32 v10, v8;
	_ =	sdelay $0x1  }
0x148: {  	[tilespmem:s30+$0x0] =	vst v8  }
0x149: {  	v8 =	vld.idx.msk [tilespmem:v11+s7+$0x0], $0xffff  }
0x14a: {  	v10 =	vld [tilespmem:s30+$0x10];
	_ =	sdelay $0x2  }
0x14b: {  	v11 =	vor.u32 v6, v9;
	_ =	sdelay $0x1  }
0x14c: {  	v8 =	vmul.f32 v10, v8;
	_ =	sdelay $0x1  }
0x14d: {  	[tilespmem:s30+$0x10] =	vst v8  }
0x14e: {  	v10 =	vld.idx.msk [tilespmem:v11+s7+$0x0], $0xffff  }
0x14f: {  	v11 =	vld [tilespmem:s30+$0x20];
	_ =	sdelay $0x1  }
.Ltmp5:
0x150: {  	(pc) =	sbr.rel @p2 .LBB2_7-.Ltmp5, $3  }
0x151: {  	v8 =	vor.u32 v7, v9;
	_ =	sdelay $0x1  }
0x152: {  	v9 =	vmul.f32 v11, v10  }
0x153: {  	s8 =	sshll.u32 s31, $0x7;
	s31 =	sadd.s32 $0x2, s31  }
0x154: {  	_ =	sdelay $0x1  }
0x155: {  	s1 =	sadd.s32 $0xFFFFFF80, s8  }
0x156: {  	[tilespmem:s30+$0x20] =	vst v9;
	v10 =	vld [tilespmem:s30+$0x30];
	v49 =	vmov s1  }
0x157: {  	v8 =	vld.idx.msk [tilespmem:v8+s7+$0x0], $0xffff;
	v9 =	vor.u32 $0x40, v49  }
0x158: {  	v9 =	vbroadcast v9, $0x0;
	_ =	sdelay $0x1  }
0x159: {  	v11 =	vor.u32 v1, v9;
	_ =	sdelay $0x1  }
0x15a: {  	v8 =	vmul.f32 v10, v8  }
0x15b: {  	s31 =	sadd.s32 $0x100, s30  }
0x15c: {  	v50 =	vld [tilespmem:s31+$0xFFFFFF80];
	[tilespmem:s30+$0x30] =	vst v8  }
0x15d: {  	v8 =	vld.idx.msk [tilespmem:v11+s7+$0x0], $0xffff;
	_ =	sdelay $0x2  }
0x15e: {  	v51 =	vor.u32 v5, v9;
	_ =	sdelay $0x1  }
0x15f: {  	v8 =	vmul.f32 v50, v8;
	_ =	sdelay $0x1  }
0x160: {  	v52 =	vld [tilespmem:s31+$0xFFFFFF90];
	[tilespmem:s31+$0xFFFFFF80] =	vst v8  }
0x161: {  	v8 =	vld.idx.msk [tilespmem:v51+s7+$0x0], $0xffff;
	_ =	sdelay $0x2  }
0x162: {  	v53 =	vor.u32 v6, v9;
	_ =	sdelay $0x1  }
0x163: {  	v8 =	vmul.f32 v52, v8;
	_ =	sdelay $0x1  }
0x164: {  	v54 =	vld [tilespmem:s31+$0xFFFFFFA0];
	[tilespmem:s31+$0xFFFFFF90] =	vst v8  }
0x165: {  	v8 =	vld.idx.msk [tilespmem:v53+s7+$0x0], $0xffff;
	_ =	sdelay $0x2  }
0x166: {  	v9 =	vor.u32 v7, v9;
	_ =	sdelay $0x1  }
0x167: {  	v8 =	vmul.f32 v54, v8;
	_ =	sdelay $0x1  }
0x168: {  	v55 =	vmov s8;
	v56 =	vld [tilespmem:s31+$0xFFFFFFB0];
	[tilespmem:s31+$0xFFFFFFA0] =	vst v8  }
0x169: {  	v8 =	vld.idx.msk [tilespmem:v9+s7+$0x0], $0xffff;
	v9 =	vor.u32 $0x40, v55  }
0x16a: {  	v9 =	vbroadcast v9, $0x0;
	_ =	sdelay $0x1  }
0x16b: {  	v57 =	vor.u32 v1, v9;
	_ =	sdelay $0x1  }
0x16c: {  	v8 =	vmul.f32 v56, v8;
	_ =	sdelay $0x1  }
0x16d: {  	v58 =	vld [tilespmem:s31+$0x0];
	[tilespmem:s31+$0xFFFFFFB0] =	vst v8  }
0x16e: {  	v8 =	vld.idx.msk [tilespmem:v57+s7+$0x0], $0xffff;
	_ =	sdelay $0x2  }
0x16f: {  	v59 =	vor.u32 v5, v9;
	_ =	sdelay $0x1  }
0x170: {  	v8 =	vmul.f32 v58, v8;
	_ =	sdelay $0x1  }
0x171: {  	v60 =	vld [tilespmem:s31+$0x10];
	[tilespmem:s31+$0x0] =	vst v8  }
0x172: {  	v8 =	vld.idx.msk [tilespmem:v59+s7+$0x0], $0xffff;
	_ =	sdelay $0x2  }
0x173: {  	v61 =	vor.u32 v6, v9;
	_ =	sdelay $0x1  }
0x174: {  	v8 =	vmul.f32 v60, v8;
	_ =	sdelay $0x1  }
0x175: {  	v62 =	vld [tilespmem:s31+$0x20];
	[tilespmem:s31+$0x10] =	vst v8  }
0x176: {  	v8 =	vld.idx.msk [tilespmem:v61+s7+$0x0], $0xffff;
	_ =	sdelay $0x2  }
0x177: {  	v9 =	vor.u32 v7, v9;
	_ =	sdelay $0x1  }
0x178: {  	v8 =	vmul.f32 v62, v8;
	_ =	sdelay $0x1  }
0x179: {  	v63 =	vld [tilespmem:s31+$0x30];
	[tilespmem:s31+$0x20] =	vst v8  }
0x17a: {  	v8 =	vld.idx.msk [tilespmem:v9+s7+$0x0], $0xffff;
	_ =	sdelay $0x4  }
0x17b: {  	v8 =	vmul.f32 v63, v8  }
0x17c: {  	p2 =	seq.s32 s29, $0x3E  }
.Ltmp6:
0x17d: {  	[tilespmem:s31+$0x30] =	vst v8;
	(pc) =	sbr.rel @p2 .LBB2_16-.Ltmp6, $4  }
0x17e: {  	[spmem:s11] =	stream.indirect.scatter.add.f32 [tilespmem:s7], [sflag:$0x7], $0x80, s12, s16, $0xb8;
	[tilespmem:$0x1D9C0] =	vst v63  }
0x17f: {  	_ =	swait.ge [sflag:s10], $0x2800  }
0x180: {  	[sflag:s10] =	ssyncset.done $0x0  }
0x181: {  	[sflag:s10] =	ssyncadd.s32 $0xFFFFD800  }
0x182: {  	s30 =	sshll.u32 s29, $0x6  }
0x183: {  	s1 =	sadd.s32 s19, s30  }
0x184: {  	s1 =	smul.u32 $0xA, s1  }
.Ltmp7:
0x185: {  	_ = 	snop;
	(pc) =	sbr.rel @p1 .LBB2_15-.Ltmp7, $4  }
0x186: {  	s8 =	sadd.s32 s13, s1  }
0x187: {  	[tilespmem:s0], [sflag:$0x1] =	stream.linear.gather [hbm4b:s8+s0], $0x50, $0x38;
	[tilespmem:$0x1D9C0] =	vst v63  }
0x188: {  	s1 =	sadd.s32 s14, s1  }
0x189: {  	[tilespmem:s12], [sflag:$0x1] =	stream.linear.gather [hbm4b:s1+s0], $0x50, $0x38;
	[tilespmem:$0x1D9C0] =	vst v63  }
0x18a: {  	_ =	swait.ge [sflag:s23], $0x2800  }
0x18b: {  	[sflag:s23] =	ssyncset.done $0x0  }
0x18c: {  	[sflag:s23] =	ssyncadd.s32 $0xFFFFD800  }
0x18d: {  	_ =	swait.ge [sflag:s24], $0x2800  }
0x18e: {  	[sflag:s24] =	ssyncset.done $0x0  }
0x18f: {  	[sflag:s24] =	ssyncadd.s32 $0xFFFFD800  }
0x190: {  	s1 =	simm.s32 $0x0;
	_ =	swait.ge [sflag:s15], $0x50  }
0x191: {  	v8 =	vmov s1;
	[sflag:s15] =	ssyncset.done $0x0  }
0x192: {  	v8 =	vshll.u32 v8, $0x7;
	[sflag:s15] =	ssyncadd.s32 $0xFFFFFFB0  }
0x193: {  	v8 =	vor.u32 v2, v8;
	_ =	swait.ge [sflag:s15], $0x50  }
0x194: {  	v9 =	vor.u32 v3, v8;
	[sflag:s15] =	ssyncset.done $0x0  }
0x195: {  	v8 =	vor.u32 v4, v8;
	[sflag:s15] =	ssyncadd.s32 $0xFFFFFFB0  }
0x196: {  	[tilespmem:s7], [sflag:$0x3] =	stream.indirect.gather [hbm4b:s9+s16], $0x80, s0, s16, $0xb8;
	[tilespmem:$0x1D9C0] =	vst v63  }
0x197: {  	_ = 	snop  }
0x198: {  	[tilespmem:s17], [sflag:$0x5] =	stream.indirect.gather [hbm4b:s9+s16], $0x80, s12, s16, $0xb8;
	[tilespmem:$0x1D9C0] =	vst v63  }
0x199: {  	v10 =	vld.idx.msk [tilespmem:v9+s25+$0x0], $0xffff  }
0x19a: {  	v8 =	vld.idx.msk [tilespmem:v8+s26+$0x0], $0xffff;
	_ =	sdelay $0x4  }
0x19b: {  	v8 =	vadd.f32 v8, v10;
	_ =	sdelay $0x1  }
0x19c: {  	v10 =	vmul.f32 $2.000000030e-01, v8;
	_ =	sdelay $0x1  }
0x19d: {  	v8 =	vmax.f32 v8, v10  }
0x19e: {  	v8 =	vmul.f32 $1.442695020e+00, v8;
	_ =	sdelay $0x1  }
0x19f: {  	(erf) = vpow2.f32 v8;
	_ =	sdelay $0x1  }
0x1a0: {  	s8 =	simm.s32 $0x2  }
0x1a1: {  	v8 =	vmov s8  }
0x1a2: {  	v8 =	vshll.u32 v8, $0x7  }
0x1a3: {  	v10 =	vor.u32 v2, v8  }
0x1a4: {  	v8 =	vor.u32 v3, v10  }
0x1a5: {  	v10 =	vor.u32 v4, v10;
	_ =	sdelay $0x1  }
0x1a6: {  	v11 =	vpop (erf)  }
0x1a7: {  	[tilespmem:v9+s25+$0x0] =	vst.idx.msk $0xffff, v11  }
0x1a8: {  	v9 =	vld.idx.msk [tilespmem:v8+s25+$0x0], $0xffff  }
0x1a9: {  	v10 =	vld.idx.msk [tilespmem:v10+s26+$0x0], $0xffff;
	_ =	sdelay $0x4  }
0x1aa: {  	v9 =	vadd.f32 v10, v9;
	_ =	sdelay $0x1  }
0x1ab: {  	v10 =	vmul.f32 $2.000000030e-01, v9;
	_ =	sdelay $0x1  }
0x1ac: {  	v9 =	vmax.f32 v9, v10  }
0x1ad: {  	v9 =	vmul.f32 $1.442695020e+00, v9;
	_ =	sdelay $0x1  }
0x1ae: {  	(erf) = vpow2.f32 v9;
	_ =	sdelay $0x1  }
0x1af: {  	s31 =	simm.s32 $0x4  }
0x1b0: {  	v10 =	vmov s31  }
0x1b1: {  	v10 =	vshll.u32 v10, $0x7  }
0x1b2: {  	v10 =	vor.u32 v2, v10  }
0x1b3: {  	s1 =	simm.s32 $0x6;
	s8 =	simm.s32 $0xA;
	v9 =	vor.u32 v3, v10;
	v10 =	vor.u32 v4, v10  }
.LBB2_11:
0x1b4: {  	_ = 	snop  }
0x1b5: {  	p1 =	sne.s32 s8, $0x4E;
	s31 =	smov.u32 s8;
	s8 =	sadd.s32 $0x4, s8  }
0x1b6: {  	v11 =	vpop (erf)  }
0x1b7: {  	[tilespmem:v8+s25+$0x0] =	vst.idx.msk $0xffff, v11  }
0x1b8: {  	v8 =	vld.idx.msk [tilespmem:v9+s25+$0x0], $0xffff  }
0x1b9: {  	v10 =	vld.idx.msk [tilespmem:v10+s26+$0x0], $0xffff;
	_ =	sdelay $0x5  }
0x1ba: {  	v8 =	vadd.f32 v10, v8;
	_ =	sdelay $0x1  }
0x1bb: {  	v10 =	vmul.f32 $2.000000030e-01, v8;
	_ =	sdelay $0x1  }
0x1bc: {  	v8 =	vmax.f32 v8, v10  }
0x1bd: {  	v8 =	vmul.f32 $1.442695020e+00, v8;
	_ =	sdelay $0x1  }
0x1be: {  	(erf) = vpow2.f32 v8;
	_ =	sdelay $0x2  }
0x1bf: {  	v8 =	vmov s1;
	s1 =	smov.u32 s31  }
0x1c0: {  	v8 =	vshll.u32 v8, $0x7  }
0x1c1: {  	v10 =	vor.u32 v2, v8  }
0x1c2: {  	v8 =	vor.u32 v3, v10;
	v10 =	vor.u32 v4, v10;
	_ =	sdelay $0x2  }
0x1c3: {  	v11 =	vpop (erf)  }
0x1c4: {  	[tilespmem:v9+s25+$0x0] =	vst.idx.msk $0xffff, v11  }
0x1c5: {  	v9 =	vld.idx.msk [tilespmem:v8+s25+$0x0], $0xffff  }
0x1c6: {  	v10 =	vld.idx.msk [tilespmem:v10+s26+$0x0], $0xffff;
	_ =	sdelay $0x5  }
0x1c7: {  	v9 =	vadd.f32 v10, v9;
	_ =	sdelay $0x1  }
0x1c8: {  	v10 =	vmul.f32 $2.000000030e-01, v9;
	_ =	sdelay $0x1  }
0x1c9: {  	v9 =	vmax.f32 v9, v10  }
0x1ca: {  	v9 =	vmul.f32 $1.442695020e+00, v9;
	_ =	sdelay $0x1  }
0x1cb: {  	(erf) = vpow2.f32 v9;
	_ =	sdelay $0x1  }
.Ltmp8:
0x1cc: {  	s31 =	sadd.s32 $0xFFFFFFFE, s1;
	(pc) =	sbr.rel @p1 .LBB2_11-.Ltmp8, $4  }
0x1cd: {  	v9 =	vmov s31  }
0x1ce: {  	v9 =	vshll.u32 v9, $0x7  }
0x1cf: {  	v10 =	vor.u32 v2, v9  }
0x1d0: {  	v9 =	vor.u32 v3, v10;
	v10 =	vor.u32 v4, v10  }
0x1d1: {  	_ =	sdelay $0x2  }
0x1d2: {  	v11 =	vpop (erf)  }
0x1d3: {  	[tilespmem:v8+s25+$0x0] =	vst.idx.msk $0xffff, v11  }
0x1d4: {  	v8 =	vld.idx.msk [tilespmem:v9+s25+$0x0], $0xffff  }
0x1d5: {  	v10 =	vld.idx.msk [tilespmem:v10+s26+$0x0], $0xffff;
	_ =	sdelay $0x4  }
0x1d6: {  	v8 =	vadd.f32 v10, v8;
	_ =	sdelay $0x1  }
0x1d7: {  	v10 =	vmul.f32 $2.000000030e-01, v8;
	_ =	sdelay $0x1  }
0x1d8: {  	v8 =	vmax.f32 v8, v10  }
0x1d9: {  	v8 =	vmul.f32 $1.442695020e+00, v8;
	_ =	sdelay $0x1  }
0x1da: {  	(erf) = vpow2.f32 v8;
	_ =	sdelay $0x2  }
0x1db: {  	v8 =	vmov s1  }
0x1dc: {  	v8 =	vshll.u32 v8, $0x7  }
0x1dd: {  	v8 =	vor.u32 v2, v8  }
0x1de: {  	v10 =	vor.u32 v3, v8  }
0x1df: {  	v8 =	vor.u32 v4, v8;
	_ =	sdelay $0x1  }
0x1e0: {  	v11 =	vpop (erf)  }
0x1e1: {  	[tilespmem:v9+s25+$0x0] =	vst.idx.msk $0xffff, v11  }
0x1e2: {  	v9 =	vld.idx.msk [tilespmem:v10+s25+$0x0], $0xffff  }
0x1e3: {  	v8 =	vld.idx.msk [tilespmem:v8+s26+$0x0], $0xffff;
	_ =	sdelay $0x4  }
0x1e4: {  	v8 =	vadd.f32 v8, v9;
	_ =	sdelay $0x1  }
0x1e5: {  	v9 =	vmul.f32 $2.000000030e-01, v8;
	_ =	sdelay $0x1  }
0x1e6: {  	v8 =	vmax.f32 v8, v9  }
0x1e7: {  	v8 =	vmul.f32 $1.442695020e+00, v8;
	_ =	sdelay $0x1  }
0x1e8: {  	(erf) = vpow2.f32 v8  }
0x1e9: {  	s2 =	simm.s32 $0x0  }
0x1ea: {  	v8 =	vmov s2  }
0x1eb: {  	v8 =	vor.u32 $0x40, v8  }
0x1ec: {  	v8 =	vbroadcast v8, $0x0;
	_ =	sdelay $0x1  }
0x1ed: {  	v9 =	vor.u32 v1, v8;
	_ =	sdelay $0x2  }
0x1ee: {  	v11 =	vpop (erf)  }
0x1ef: {  	[tilespmem:v10+s25+$0x0] =	vst.idx.msk $0xffff, v11  }
0x1f0: {  	s31 =	simm.s32 $0x29C0;
	v9 =	vld.idx.msk [tilespmem:v9+s25+$0x0], $0xffff  }
0x1f1: {  	v10 =	vld [tilespmem:s31+$0xFFFFFF80];
	_ =	sdelay $0x2  }
0x1f2: {  	v11 =	vor.u32 v5, v8;
	_ =	sdelay $0x1  }
0x1f3: {  	v9 =	vmul.f32 v10, v9;
	_ =	sdelay $0x1  }
0x1f4: {  	v10 =	vld [tilespmem:s31+$0xFFFFFF90];
	[tilespmem:s31+$0xFFFFFF80] =	vst v9  }
0x1f5: {  	v9 =	vld.idx.msk [tilespmem:v11+s25+$0x0], $0xffff;
	_ =	sdelay $0x2  }
0x1f6: {  	v11 =	vor.u32 v6, v8;
	_ =	sdelay $0x1  }
0x1f7: {  	v9 =	vmul.f32 v10, v9;
	_ =	sdelay $0x1  }
0x1f8: {  	v10 =	vld [tilespmem:s31+$0xFFFFFFA0];
	[tilespmem:s31+$0xFFFFFF90] =	vst v9  }
0x1f9: {  	v9 =	vld.idx.msk [tilespmem:v11+s25+$0x0], $0xffff;
	_ =	sdelay $0x2  }
0x1fa: {  	v8 =	vor.u32 v7, v8;
	_ =	sdelay $0x1  }
0x1fb: {  	v9 =	vmul.f32 v10, v9  }
0x1fc: {  	s8 =	simm.s32 $0x80  }
0x1fd: {  	v10 =	vld [tilespmem:s31+$0xFFFFFFB0];
	[tilespmem:s31+$0xFFFFFFA0] =	vst v9;
	v9 =	vmov s8  }
0x1fe: {  	v8 =	vld.idx.msk [tilespmem:v8+s25+$0x0], $0xffff;
	v9 =	vor.u32 $0x40, v9  }
0x1ff: {  	v9 =	vbroadcast v9, $0x0;
	_ =	sdelay $0x1  }
0x200: {  	v11 =	vor.u32 v1, v9;
	_ =	sdelay $0x1  }
0x201: {  	v8 =	vmul.f32 v10, v8;
	_ =	sdelay $0x1  }
0x202: {  	v10 =	vld [tilespmem:s31+$0x0];
	[tilespmem:s31+$0xFFFFFFB0] =	vst v8  }
0x203: {  	v8 =	vld.idx.msk [tilespmem:v11+s25+$0x0], $0xffff;
	_ =	sdelay $0x2  }
0x204: {  	v11 =	vor.u32 v5, v9;
	_ =	sdelay $0x1  }
0x205: {  	v8 =	vmul.f32 v10, v8;
	_ =	sdelay $0x1  }
0x206: {  	v10 =	vld [tilespmem:s31+$0x10];
	[tilespmem:s31+$0x0] =	vst v8  }
0x207: {  	v8 =	vld.idx.msk [tilespmem:v11+s25+$0x0], $0xffff;
	_ =	sdelay $0x2  }
0x208: {  	v11 =	vor.u32 v6, v9;
	_ =	sdelay $0x1  }
0x209: {  	v8 =	vmul.f32 v10, v8;
	_ =	sdelay $0x1  }
0x20a: {  	[tilespmem:s31+$0x10] =	vst v8  }
0x20b: {  	v10 =	vld.idx.msk [tilespmem:v11+s25+$0x0], $0xffff  }
0x20c: {  	v11 =	vld [tilespmem:s31+$0x20];
	_ =	sdelay $0x2  }
0x20d: {  	v8 =	vor.u32 v7, v9;
	_ =	sdelay $0x1  }
0x20e: {  	v9 =	vmul.f32 v11, v10  }
0x20f: {  	s1 =	simm.s32 $0x180;
	s8 =	simm.s32 $0x5  }
.LBB2_13:
0x210: {  	p1 =	sne.s32 s8, $0x4F;
	s2 =	sadd.s32 $0xFFFFFF80, s1;
	[tilespmem:s31+$0x20] =	vst v9  }
0x211: {  	v9 =	vmov s2;
	v8 =	vld.idx.msk [tilespmem:v8+s25+$0x0], $0xffff  }
0x212: {  	v9 =	vor.u32 $0x40, v9;
	v10 =	vld [tilespmem:s31+$0x30]  }
0x213: {  	v9 =	vbroadcast v9, $0x0;
	_ =	sdelay $0x1  }
0x214: {  	v11 =	vor.u32 v1, v9;
	_ =	sdelay $0x1  }
0x215: {  	v8 =	vmul.f32 v10, v8;
	_ =	sdelay $0x1  }
0x216: {  	[tilespmem:s31+$0x30] =	vst v8  }
0x217: {  	s31 =	sadd.s32 $0x100, s31;
	v8 =	vld.idx.msk [tilespmem:v11+s25+$0x0], $0xffff  }
0x218: {  	v10 =	vld [tilespmem:s31+$0xFFFFFF80];
	_ =	sdelay $0x2  }
0x219: {  	v11 =	vor.u32 v5, v9;
	_ =	sdelay $0x1  }
0x21a: {  	v8 =	vmul.f32 v10, v8;
	_ =	sdelay $0x1  }
0x21b: {  	[tilespmem:s31+$0xFFFFFF80] =	vst v8  }
0x21c: {  	v8 =	vld.idx.msk [tilespmem:v11+s25+$0x0], $0xffff  }
0x21d: {  	v10 =	vld [tilespmem:s31+$0xFFFFFF90];
	_ =	sdelay $0x2  }
0x21e: {  	v11 =	vor.u32 v6, v9;
	_ =	sdelay $0x1  }
0x21f: {  	v8 =	vmul.f32 v10, v8;
	_ =	sdelay $0x1  }
0x220: {  	[tilespmem:s31+$0xFFFFFF90] =	vst v8  }
0x221: {  	v8 =	vld.idx.msk [tilespmem:v11+s25+$0x0], $0xffff  }
0x222: {  	v10 =	vld [tilespmem:s31+$0xFFFFFFA0];
	_ =	sdelay $0x2  }
0x223: {  	v9 =	vor.u32 v7, v9;
	_ =	sdelay $0x1  }
0x224: {  	v8 =	vmul.f32 v10, v8;
	_ =	sdelay $0x1  }
0x225: {  	[tilespmem:s31+$0xFFFFFFA0] =	vst v8  }
0x226: {  	v8 =	vld.idx.msk [tilespmem:v9+s25+$0x0], $0xffff;
	v9 =	vmov s1  }
0x227: {  	v10 =	vld [tilespmem:s31+$0xFFFFFFB0];
	v9 =	vor.u32 $0x40, v9  }
0x228: {  	v9 =	vbroadcast v9, $0x0;
	_ =	sdelay $0x1  }
0x229: {  	v11 =	vor.u32 v1, v9;
	_ =	sdelay $0x1  }
0x22a: {  	v8 =	vmul.f32 v10, v8;
	_ =	sdelay $0x1  }
0x22b: {  	[tilespmem:s31+$0xFFFFFFB0] =	vst v8  }
0x22c: {  	v8 =	vld.idx.msk [tilespmem:v11+s25+$0x0], $0xffff  }
0x22d: {  	v10 =	vld [tilespmem:s31+$0x0];
	_ =	sdelay $0x2  }
0x22e: {  	v11 =	vor.u32 v5, v9;
	_ =	sdelay $0x1  }
0x22f: {  	v8 =	vmul.f32 v10, v8;
	_ =	sdelay $0x1  }
0x230: {  	[tilespmem:s31+$0x0] =	vst v8  }
0x231: {  	v8 =	vld.idx.msk [tilespmem:v11+s25+$0x0], $0xffff  }
0x232: {  	v10 =	vld [tilespmem:s31+$0x10];
	_ =	sdelay $0x2  }
0x233: {  	v11 =	vor.u32 v6, v9;
	_ =	sdelay $0x1  }
0x234: {  	v8 =	vmul.f32 v10, v8;
	_ =	sdelay $0x1  }
0x235: {  	[tilespmem:s31+$0x10] =	vst v8  }
0x236: {  	v10 =	vld.idx.msk [tilespmem:v11+s25+$0x0], $0xffff  }
0x237: {  	v11 =	vld [tilespmem:s31+$0x20];
	_ =	sdelay $0x1  }
.Ltmp9:
0x238: {  	(pc) =	sbr.rel @p1 .LBB2_13-.Ltmp9, $3  }
0x239: {  	v8 =	vor.u32 v7, v9;
	_ =	sdelay $0x1  }
0x23a: {  	v9 =	vmul.f32 v11, v10  }
0x23b: {  	s1 =	sshll.u32 s8, $0x7;
	s8 =	sadd.s32 $0x2, s8  }
0x23c: {  	_ =	sdelay $0x2  }
0x23d: {  	s2 =	sadd.s32 $0xFFFFFF80, s1;
	[tilespmem:s31+$0x20] =	vst v9;
	v10 =	vld [tilespmem:s31+$0x30]  }
0x23e: {  	v49 =	vmov s2;
	v8 =	vld.idx.msk [tilespmem:v8+s25+$0x0], $0xffff  }
0x23f: {  	v9 =	vor.u32 $0x40, v49  }
0x240: {  	v9 =	vbroadcast v9, $0x0;
	_ =	sdelay $0x1  }
0x241: {  	v11 =	vor.u32 v1, v9  }
0x242: {  	v8 =	vmul.f32 v10, v8;
	_ =	sdelay $0x1  }
0x243: {  	[tilespmem:s31+$0x30] =	vst v8;
	s31 =	sadd.s32 $0x100, s31  }
0x244: {  	v50 =	vld [tilespmem:s31+$0xFFFFFF80]  }
0x245: {  	v8 =	vld.idx.msk [tilespmem:v11+s25+$0x0], $0xffff;
	_ =	sdelay $0x2  }
0x246: {  	v51 =	vor.u32 v5, v9;
	_ =	sdelay $0x1  }
0x247: {  	v8 =	vmul.f32 v50, v8;
	_ =	sdelay $0x1  }
0x248: {  	v52 =	vld [tilespmem:s31+$0xFFFFFF90];
	[tilespmem:s31+$0xFFFFFF80] =	vst v8  }
0x249: {  	v8 =	vld.idx.msk [tilespmem:v51+s25+$0x0], $0xffff;
	_ =	sdelay $0x2  }
0x24a: {  	v53 =	vor.u32 v6, v9;
	_ =	sdelay $0x1  }
0x24b: {  	v8 =	vmul.f32 v52, v8;
	_ =	sdelay $0x1  }
0x24c: {  	v54 =	vld [tilespmem:s31+$0xFFFFFFA0];
	[tilespmem:s31+$0xFFFFFF90] =	vst v8  }
0x24d: {  	v8 =	vld.idx.msk [tilespmem:v53+s25+$0x0], $0xffff;
	_ =	sdelay $0x2  }
0x24e: {  	v9 =	vor.u32 v7, v9;
	_ =	sdelay $0x1  }
0x24f: {  	v8 =	vmul.f32 v54, v8;
	_ =	sdelay $0x1  }
0x250: {  	v55 =	vmov s1;
	v56 =	vld [tilespmem:s31+$0xFFFFFFB0];
	[tilespmem:s31+$0xFFFFFFA0] =	vst v8  }
0x251: {  	v8 =	vld.idx.msk [tilespmem:v9+s25+$0x0], $0xffff;
	v9 =	vor.u32 $0x40, v55  }
0x252: {  	v9 =	vbroadcast v9, $0x0;
	_ =	sdelay $0x1  }
0x253: {  	v57 =	vor.u32 v1, v9;
	_ =	sdelay $0x1  }
0x254: {  	v8 =	vmul.f32 v56, v8;
	_ =	sdelay $0x1  }
0x255: {  	v58 =	vld [tilespmem:s31+$0x0];
	[tilespmem:s31+$0xFFFFFFB0] =	vst v8  }
0x256: {  	v8 =	vld.idx.msk [tilespmem:v57+s25+$0x0], $0xffff;
	_ =	sdelay $0x2  }
0x257: {  	v59 =	vor.u32 v5, v9;
	_ =	sdelay $0x1  }
0x258: {  	v8 =	vmul.f32 v58, v8;
	_ =	sdelay $0x1  }
0x259: {  	v60 =	vld [tilespmem:s31+$0x10];
	[tilespmem:s31+$0x0] =	vst v8  }
0x25a: {  	v8 =	vld.idx.msk [tilespmem:v59+s25+$0x0], $0xffff;
	_ =	sdelay $0x2  }
0x25b: {  	v61 =	vor.u32 v6, v9;
	_ =	sdelay $0x1  }
0x25c: {  	v8 =	vmul.f32 v60, v8;
	_ =	sdelay $0x1  }
0x25d: {  	v62 =	vld [tilespmem:s31+$0x20];
	[tilespmem:s31+$0x10] =	vst v8  }
0x25e: {  	v8 =	vld.idx.msk [tilespmem:v61+s25+$0x0], $0xffff;
	_ =	sdelay $0x2  }
0x25f: {  	v9 =	vor.u32 v7, v9;
	_ =	sdelay $0x1  }
0x260: {  	v8 =	vmul.f32 v62, v8;
	_ =	sdelay $0x1  }
0x261: {  	v63 =	vld [tilespmem:s31+$0x30];
	[tilespmem:s31+$0x20] =	vst v8  }
0x262: {  	v8 =	vld.idx.msk [tilespmem:v9+s25+$0x0], $0xffff;
	_ =	sdelay $0x4  }
0x263: {  	v8 =	vmul.f32 v63, v8  }
0x264: {  	p1 =	seq.s32 s29, $0x3D  }
0x265: {  	s1 =	sadd.s32 @!p1 s20, s30;
	[tilespmem:s31+$0x30] =	vst v8  }
0x266: {  	[spmem:s11] =	stream.indirect.scatter.add.f32 [tilespmem:s25], [sflag:$0x7], $0x80, s18, s16, $0xb8;
	[tilespmem:$0x1D9C0] =	vst v63  }
0x267: {  	s1 =	smul.u32 @!p1 $0xA, s1;
	_ =	swait.ge [sflag:s10], $0x2800  }
.Ltmp10:
0x268: {  	s8 =	simm.s32 @!p1 $0x0;
	[sflag:s10] =	ssyncset.done $0x0;
	(pc) =	sbr.rel .LBB2_4-.Ltmp10, $4  }
0x269: {  	s30 =	simm.s32 @!p1 $0x50;
	s2 =	sadd.s32 @!p1 s13, s1;
	[sflag:s10] =	ssyncadd.s32 $0xFFFFD800  }
0x26a: {  	[tilespmem:s30], [sflag:$0x2] =	stream.linear.gather @!p1 [hbm4b:s2+s8], $0x50, $0x38;
	[tilespmem:$0x1D9C0] =	vst v63  }
0x26b: {  	s29 =	sadd.s32 $0x1, s29;
	s1 =	sadd.s32 @!p1 s14, s1;
	s2 =	simm.s32 @!p1 $0xF0  }
0x26c: {  	[tilespmem:s2], [sflag:$0x2] =	stream.linear.gather @!p1 [hbm4b:s1+s8], $0x50, $0x38;
	[tilespmem:$0x1D9C0] =	vst v63  }
.LBB2_17:
0x26d: {  	_ =	sfence.sel $0x180000  }
0x26e: {  	[bflag:$0x0] =	sbarrier.arrive $0xFFFF  }
0x26f: {  	_ =	strace $0x90000047  }
0x270: {  	s0 =	stileid.u32;
	[bflag:$0x2] =	sbarrier.arrive $0xFFFF  }
0x271: {  	p0 =	sne.s32 s0, $0x0;
	s0 =	rddreg [dreg:$0x3]  }
0x272: {  	s0 =	sadd.s32 @!p0 $0x100000, s0  }
0x273: {  	[sflag:s0] =	ssyncadd.tile.s32 @!p0 $0x1;
	_ =	shalt  }
.Lfunc_end2:
_tile_overlayer_lowered:
.L_overlay_start_2:
0x274: {  	(tag) =	ssettag $0x2  }
0x275: {  	s0 =	rddreg [dreg:$0x0];
	s2 =	stileid.u32  }
0x276: {  	s1 =	rddreg [dreg:$0x1];
	p0 =	sne.s32 s2, $0x0  }
0x277: {  	s3 =	rddreg [dreg:$0x2];
	[bflag:$0x3] =	sbarrier.arrive $0xFFFF;
	s2 =	simm.s32 @!p0 $0x1C07  }
0x278: {  	[timem:s3], [sflag:s2] =	dma.local @!p0 [hbm:s0], s1  }
0x279: {  	s0 =	simm.s32 @!p0 $0x7  }
0x27a: {  	_ =	swait.ge @!p0 [sflag:s0], s1  }
0x27b: {  	s1 =	ssub.s32 @!p0 $0x0, s1;
	[sflag:s0] =	ssyncset.done @!p0 $0x0  }
0x27c: {  	[sflag:s0] =	ssyncadd.s32 @!p0 s1  }
0x27d: {  	[bflag:$0x3] =	sbarrier.arrive $0xFFFF  }
0x27e: {  	_ =	shalt  }

</sc_bundles>
